<compile_context>
chip_gen: v7x
topology: tpu7x:2x2x1
jax: 0.10.2.dev20260603
libtpu: 0.0.44.dev20260713+nightly
codegen_flags: <defaults>
</compile_context>

<pallas_src>
import functools

import jax
import jax.numpy as jnp
from jax.experimental import pallas as pl
from jax.experimental.pallas import tpu as pltpu

_K = 64


def _fold_count(m16):
    a = m16
    n = a.shape[0]
    while n > 1:
        d = next((p for p in (2, 3, 5, 7, 11, 13) if n % p == 0), n)
        step = n // d
        acc = a[0:step]
        for j in range(1, d):
            acc = acc + a[j * step:(j + 1) * step]
        a = acc
        n = step
    return jnp.sum(a[0].astype(jnp.int32))


def _bcast16(t32, lanes):
    return jnp.full((1, 16, lanes), t32, jnp.int32).astype(jnp.int16)


def _count_ge(v16, t32):
    m16 = jnp.where(v16 >= _bcast16(t32, v16.shape[-1]),
                    jnp.int16(1), jnp.int16(0))
    return _fold_count(m16)


def _search16(v16, cand0_if_neg, k, nbits=15):
    nonneg = _count_ge(v16, jnp.int32(0))
    cand = jnp.where(nonneg >= k, jnp.int32(0), cand0_if_neg)
    for b in range(nbits - 1, -1, -1):
        t = cand | jnp.int32(1 << b)
        cnt = _count_ge(v16, t)
        cand = jnp.where(cnt >= k, t, cand)
    return cand


def _topk_mask_kernel(x_ref, o_ref, *, k, fold):
    xb = x_ref[0]
    rows, w = xb.shape
    half = rows // fold
    xp = jnp.concatenate([xb[j * half:(j + 1) * half] for j in range(fold)],
                         axis=1)
    lanes = fold * w
    tiles = half // 16

    i32 = jax.lax.bitcast_convert_type(xp, jnp.int32)
    s = jnp.where(i32 < 0, i32 ^ jnp.int32(0x7FFFFFFF), i32)

    s_hi = (s >> 16).astype(jnp.int16).reshape(tiles, 16, lanes)
    h = _search16(s_hi, jnp.int32(-32768), k)

    hv = _bcast16(h, lanes)
    m_hi = jnp.where(s_hi > hv, jnp.int16(1), jnp.int16(0))
    cnt_gt = _fold_count(m_hi)
    kp = k - cnt_gt

    z_all = ((s & jnp.int32(0xFFFF)) - jnp.int32(32768)).astype(jnp.int16)
    z = jnp.where(s_hi == hv, z_all.reshape(tiles, 16, lanes),
                  jnp.int16(-32768))
    zstar = _search16(z, jnp.int32(-32768), kp)

    lo = zstar + jnp.int32(32768)
    vstar = (h << 16) | lo
    thr_i = jnp.where(vstar < 0, vstar ^ jnp.int32(0x7FFFFFFF), vstar)
    thr = jax.lax.bitcast_convert_type(thr_i, jnp.float32)
    o_ref[0] = jnp.where(xb >= thr, xb, jnp.float32(0.0))


def kernel(x):
    b = x.shape[0]
    w = x.shape[-1]
    n = x.size // b
    rows = n // w
    fold = max(1, 128 // w)
    while fold > 1 and ((rows % fold) or ((rows // fold) % 16)):
        fold -= 1
    assert rows % 8 == 0 and (rows // fold) % 16 == 0
    x3 = x.reshape(b, rows, w)
    out = pl.pallas_call(
        functools.partial(_topk_mask_kernel, k=_K, fold=fold),
        grid=(b,),
        in_specs=[pl.BlockSpec((1, rows, w), lambda i: (i, 0, 0))],
        out_specs=pl.BlockSpec((1, rows, w), lambda i: (i, 0, 0)),
        out_shape=jax.ShapeDtypeStruct((b, rows, w), jnp.float32),
        compiler_params=pltpu.CompilerParams(
            dimension_semantics=("parallel",),
        ),
    )(x3)
    return out.reshape(x.shape)

# --- scband reference (transcript-rebuilt; emitter-appended) ---
"""Pipeline reference for scband-sparsify2-d-kactive-987842478201 (READ-ONLY COPY).

The authoritative reference and input builder live on the scoring server;
editing this copy changes nothing except your own understanding.
"""

import jax, jax.numpy as jnp
import numpy as np

K = 64

def setup_inputs(seed: int = 0) -> dict:
    key = jax.random.key(seed)
    x = jax.random.normal(key, (64, 192, 56, 56), dtype=jnp.float32)
    return {"x": x}

def reference(x):
    # tmpx = x.view(B, -1)
    B = x.shape[0]
    tmpx = x.reshape(B, -1)
    # topval = tmpx.topk(k, dim=1)[0][:, -1]  (k-th largest per sample)
    topvals, _ = jax.lax.top_k(tmpx, K)
    topval = topvals[:, -1]
    # broadcast threshold back to x's shape (repeat + permute + view_as == per-sample broadcast)
    thr = topval.reshape((B,) + (1,) * (x.ndim - 1))
    comp = (x >= thr).astype(x.dtype)
    return comp * x

if __name__ == "__main__":
    import jax
    _d = setup_inputs()
    print(jax.jit(kernel)(*tuple(_d.values())))

</pallas_src>

<mosaic_0001>
module attributes {stable_mosaic.version = 14 : i64} {
  func.func @_topk_mask_kernel(%arg0: i32, %arg1: memref<1x10752x56xf32, #tpu.memory_space<vmem>>, %arg2: memref<1x10752x56xf32, #tpu.memory_space<vmem>>) attributes {dimension_semantics = [#tpu.dimension_semantics<parallel>], iteration_bounds = array<i64: 64>, scalar_prefetch = 0 : i64, scratch_operands = 0 : i64, tpu.core_type = #tpu.core_type<tc>, window_params = [{transform_indices = @transform_0, window_bounds = array<i64: 1, 10752, 56>}, {transform_indices = @transform_1, window_bounds = array<i64: 1, 10752, 56>}]} {
    %get3A = arith.constant 0 : index
    %get3A_0 = arith.constant 0 : index
    %get3A_1 = arith.constant 0 : index
    %get3A_2 = vector.load %arg1[%get3A, %get3A_0, %get3A_1] : memref<1x10752x56xf32, #tpu.memory_space<vmem>>, vector<1x10752x56xf32>
    %get3A_3 = vector.shape_cast %get3A_2 : vector<1x10752x56xf32> to vector<10752x56xf32>
    %slice3A = vector.extract_strided_slice %get3A_3 {offsets = [0, 0], sizes = [5376, 56], strides = [1, 1]} : vector<10752x56xf32> to vector<5376x56xf32>
    %slice3A_4 = vector.extract_strided_slice %get3A_3 {offsets = [5376, 0], sizes = [5376, 56], strides = [1, 1]} : vector<10752x56xf32> to vector<5376x56xf32>
    %concatenate3A = tpu.concatenate %slice3A, %slice3A_4 in 1 : vector<5376x56xf32>, vector<5376x56xf32> -> vector<5376x112xf32>
    %bitcast_convert_type3A = tpu.bitcast %concatenate3A : vector<5376x112xf32> -> vector<5376x112xi32>
    %lt3A = arith.constant 0 : i32
    %lt3A_5 = vector.broadcast %lt3A : i32 to vector<5376x112xi32>
    %lt3A_6 = arith.cmpi slt, %bitcast_convert_type3A, %lt3A_5 : vector<5376x112xi32>
    %xor3A = arith.constant 2147483647 : i32
    %xor3A_7 = vector.broadcast %xor3A : i32 to vector<5376x112xi32>
    %xor3A_8 = arith.xori %bitcast_convert_type3A, %xor3A_7 : vector<5376x112xi32>
    %select_n3A = arith.select %lt3A_6, %xor3A_8, %bitcast_convert_type3A : vector<5376x112xi1>, vector<5376x112xi32>
    %shift_right_arithmetic3A = arith.constant 16 : i32
    %shift_right_arithmetic3A_9 = vector.broadcast %shift_right_arithmetic3A : i32 to vector<5376x112xi32>
    %shift_right_arithmetic3A_10 = arith.shrsi %select_n3A, %shift_right_arithmetic3A_9 : vector<5376x112xi32>
    %convert_element_type3A = arith.trunci %shift_right_arithmetic3A_10 : vector<5376x112xi32> to vector<5376x112xi16>
    %reshape3A = vector.shape_cast %convert_element_type3A : vector<5376x112xi16> to vector<336x16x112xi16>
    %broadcast_in_dim3A = arith.constant 0 : i32
    %broadcast_in_dim3A_11 = vector.broadcast %broadcast_in_dim3A : i32 to vector<1x16x112xi32>
    %convert_element_type3A_12 = arith.trunci %broadcast_in_dim3A_11 : vector<1x16x112xi32> to vector<1x16x112xi16>
    %ge3A = vector.broadcast %convert_element_type3A_12 : vector<1x16x112xi16> to vector<336x16x112xi16>
    %ge3A_13 = arith.cmpi sge, %reshape3A, %ge3A : vector<336x16x112xi16>
    %jit3A = arith.constant 1 : i16
    %jit3A_14 = arith.constant 0 : i16
    %broadcast_in_dim3A_15 = vector.broadcast %jit3A : i16 to vector<336x16x112xi16>
    %broadcast_in_dim3A_16 = vector.broadcast %jit3A_14 : i16 to vector<336x16x112xi16>
    %select_n3A_17 = arith.select %ge3A_13, %broadcast_in_dim3A_15, %broadcast_in_dim3A_16 : vector<336x16x112xi1>, vector<336x16x112xi16>
    %slice3A_18 = vector.extract_strided_slice %select_n3A_17 {offsets = [0, 0, 0], sizes = [168, 16, 112], strides = [1, 1, 1]} : vector<336x16x112xi16> to vector<168x16x112xi16>
    %slice3A_19 = vector.extract_strided_slice %select_n3A_17 {offsets = [168, 0, 0], sizes = [168, 16, 112], strides = [1, 1, 1]} : vector<336x16x112xi16> to vector<168x16x112xi16>
    %add3A = arith.addi %slice3A_18, %slice3A_19 : vector<168x16x112xi16>
    %slice3A_20 = vector.extract_strided_slice %add3A {offsets = [0, 0, 0], sizes = [84, 16, 112], strides = [1, 1, 1]} : vector<168x16x112xi16> to vector<84x16x112xi16>
    %slice3A_21 = vector.extract_strided_slice %add3A {offsets = [84, 0, 0], sizes = [84, 16, 112], strides = [1, 1, 1]} : vector<168x16x112xi16> to vector<84x16x112xi16>
    %add3A_22 = arith.addi %slice3A_20, %slice3A_21 : vector<84x16x112xi16>
    %slice3A_23 = vector.extract_strided_slice %add3A_22 {offsets = [0, 0, 0], sizes = [42, 16, 112], strides = [1, 1, 1]} : vector<84x16x112xi16> to vector<42x16x112xi16>
    %slice3A_24 = vector.extract_strided_slice %add3A_22 {offsets = [42, 0, 0], sizes = [42, 16, 112], strides = [1, 1, 1]} : vector<84x16x112xi16> to vector<42x16x112xi16>
    %add3A_25 = arith.addi %slice3A_23, %slice3A_24 : vector<42x16x112xi16>
    %slice3A_26 = vector.extract_strided_slice %add3A_25 {offsets = [0, 0, 0], sizes = [21, 16, 112], strides = [1, 1, 1]} : vector<42x16x112xi16> to vector<21x16x112xi16>
    %slice3A_27 = vector.extract_strided_slice %add3A_25 {offsets = [21, 0, 0], sizes = [21, 16, 112], strides = [1, 1, 1]} : vector<42x16x112xi16> to vector<21x16x112xi16>
    %add3A_28 = arith.addi %slice3A_26, %slice3A_27 : vector<21x16x112xi16>
    %slice3A_29 = vector.extract_strided_slice %add3A_28 {offsets = [0, 0, 0], sizes = [7, 16, 112], strides = [1, 1, 1]} : vector<21x16x112xi16> to vector<7x16x112xi16>
    %slice3A_30 = vector.extract_strided_slice %add3A_28 {offsets = [7, 0, 0], sizes = [7, 16, 112], strides = [1, 1, 1]} : vector<21x16x112xi16> to vector<7x16x112xi16>
    %add3A_31 = arith.addi %slice3A_29, %slice3A_30 : vector<7x16x112xi16>
    %slice3A_32 = vector.extract_strided_slice %add3A_28 {offsets = [14, 0, 0], sizes = [7, 16, 112], strides = [1, 1, 1]} : vector<21x16x112xi16> to vector<7x16x112xi16>
    %add3A_33 = arith.addi %add3A_31, %slice3A_32 : vector<7x16x112xi16>
    %slice3A_34 = vector.extract_strided_slice %add3A_33 {offsets = [0, 0, 0], sizes = [1, 16, 112], strides = [1, 1, 1]} : vector<7x16x112xi16> to vector<1x16x112xi16>
    %slice3A_35 = vector.extract_strided_slice %add3A_33 {offsets = [1, 0, 0], sizes = [1, 16, 112], strides = [1, 1, 1]} : vector<7x16x112xi16> to vector<1x16x112xi16>
    %add3A_36 = arith.addi %slice3A_34, %slice3A_35 : vector<1x16x112xi16>
    %slice3A_37 = vector.extract_strided_slice %add3A_33 {offsets = [2, 0, 0], sizes = [1, 16, 112], strides = [1, 1, 1]} : vector<7x16x112xi16> to vector<1x16x112xi16>
    %add3A_38 = arith.addi %add3A_36, %slice3A_37 : vector<1x16x112xi16>
    %slice3A_39 = vector.extract_strided_slice %add3A_33 {offsets = [3, 0, 0], sizes = [1, 16, 112], strides = [1, 1, 1]} : vector<7x16x112xi16> to vector<1x16x112xi16>
    %add3A_40 = arith.addi %add3A_38, %slice3A_39 : vector<1x16x112xi16>
    %slice3A_41 = vector.extract_strided_slice %add3A_33 {offsets = [4, 0, 0], sizes = [1, 16, 112], strides = [1, 1, 1]} : vector<7x16x112xi16> to vector<1x16x112xi16>
    %add3A_42 = arith.addi %add3A_40, %slice3A_41 : vector<1x16x112xi16>
    %slice3A_43 = vector.extract_strided_slice %add3A_33 {offsets = [5, 0, 0], sizes = [1, 16, 112], strides = [1, 1, 1]} : vector<7x16x112xi16> to vector<1x16x112xi16>
    %add3A_44 = arith.addi %add3A_42, %slice3A_43 : vector<1x16x112xi16>
    %slice3A_45 = vector.extract_strided_slice %add3A_33 {offsets = [6, 0, 0], sizes = [1, 16, 112], strides = [1, 1, 1]} : vector<7x16x112xi16> to vector<1x16x112xi16>
    %add3A_46 = arith.addi %add3A_44, %slice3A_45 : vector<1x16x112xi16>
    %squeeze3A = vector.shape_cast %add3A_46 : vector<1x16x112xi16> to vector<16x112xi16>
    %convert_element_type3A_47 = arith.extsi %squeeze3A : vector<16x112xi16> to vector<16x112xi32>
    %reduce_sum3A = vector.shape_cast %convert_element_type3A_47 : vector<16x112xi32> to vector<1x16x112xi32>
    %reduce_sum3A_48 = arith.constant dense<0> : vector<1xi32>
    %reduce_sum3A_49 = vector.multi_reduction <add>, %reduce_sum3A, %reduce_sum3A_48 [1, 2] : vector<1x16x112xi32> to vector<1xi32>
    %reduce_sum3A_50 = vector.shape_cast %reduce_sum3A_49 : vector<1xi32> to vector<1x1x1xi32>
    %reduce_sum3A_51 = vector.extract %reduce_sum3A_50[0, 0, 0] : i32 from vector<1x1x1xi32>
    %ge3A_52 = arith.constant 64 : i32
    %ge3A_53 = arith.cmpi sge, %reduce_sum3A_51, %ge3A_52 : i32
    %jit3A_54 = arith.constant 0 : i32
    %jit3A_55 = arith.constant -32768 : i32
    %select_n3A_56 = arith.select %ge3A_53, %jit3A_54, %jit3A_55 : i32
    %or3A = arith.constant 16384 : i32
    %or3A_57 = arith.ori %select_n3A_56, %or3A : i32
    %broadcast_in_dim3A_58 = vector.broadcast %or3A_57 : i32 to vector<1x16x112xi32>
    %convert_element_type3A_59 = arith.trunci %broadcast_in_dim3A_58 : vector<1x16x112xi32> to vector<1x16x112xi16>
    %ge3A_60 = vector.broadcast %convert_element_type3A_59 : vector<1x16x112xi16> to vector<336x16x112xi16>
    %ge3A_61 = arith.cmpi sge, %reshape3A, %ge3A_60 : vector<336x16x112xi16>
    %jit3A_62 = arith.constant 1 : i16
    %jit3A_63 = arith.constant 0 : i16
    %broadcast_in_dim3A_64 = vector.broadcast %jit3A_62 : i16 to vector<336x16x112xi16>
    %broadcast_in_dim3A_65 = vector.broadcast %jit3A_63 : i16 to vector<336x16x112xi16>
    %select_n3A_66 = arith.select %ge3A_61, %broadcast_in_dim3A_64, %broadcast_in_dim3A_65 : vector<336x16x112xi1>, vector<336x16x112xi16>
    %slice3A_67 = vector.extract_strided_slice %select_n3A_66 {offsets = [0, 0, 0], sizes = [168, 16, 112], strides = [1, 1, 1]} : vector<336x16x112xi16> to vector<168x16x112xi16>
    %slice3A_68 = vector.extract_strided_slice %select_n3A_66 {offsets = [168, 0, 0], sizes = [168, 16, 112], strides = [1, 1, 1]} : vector<336x16x112xi16> to vector<168x16x112xi16>
    %add3A_69 = arith.addi %slice3A_67, %slice3A_68 : vector<168x16x112xi16>
    %slice3A_70 = vector.extract_strided_slice %add3A_69 {offsets = [0, 0, 0], sizes = [84, 16, 112], strides = [1, 1, 1]} : vector<168x16x112xi16> to vector<84x16x112xi16>
    %slice3A_71 = vector.extract_strided_slice %add3A_69 {offsets = [84, 0, 0], sizes = [84, 16, 112], strides = [1, 1, 1]} : vector<168x16x112xi16> to vector<84x16x112xi16>
    %add3A_72 = arith.addi %slice3A_70, %slice3A_71 : vector<84x16x112xi16>
    %slice3A_73 = vector.extract_strided_slice %add3A_72 {offsets = [0, 0, 0], sizes = [42, 16, 112], strides = [1, 1, 1]} : vector<84x16x112xi16> to vector<42x16x112xi16>
    %slice3A_74 = vector.extract_strided_slice %add3A_72 {offsets = [42, 0, 0], sizes = [42, 16, 112], strides = [1, 1, 1]} : vector<84x16x112xi16> to vector<42x16x112xi16>
    %add3A_75 = arith.addi %slice3A_73, %slice3A_74 : vector<42x16x112xi16>
    %slice3A_76 = vector.extract_strided_slice %add3A_75 {offsets = [0, 0, 0], sizes = [21, 16, 112], strides = [1, 1, 1]} : vector<42x16x112xi16> to vector<21x16x112xi16>
    %slice3A_77 = vector.extract_strided_slice %add3A_75 {offsets = [21, 0, 0], sizes = [21, 16, 112], strides = [1, 1, 1]} : vector<42x16x112xi16> to vector<21x16x112xi16>
    %add3A_78 = arith.addi %slice3A_76, %slice3A_77 : vector<21x16x112xi16>
    %slice3A_79 = vector.extract_strided_slice %add3A_78 {offsets = [0, 0, 0], sizes = [7, 16, 112], strides = [1, 1, 1]} : vector<21x16x112xi16> to vector<7x16x112xi16>
    %slice3A_80 = vector.extract_strided_slice %add3A_78 {offsets = [7, 0, 0], sizes = [7, 16, 112], strides = [1, 1, 1]} : vector<21x16x112xi16> to vector<7x16x112xi16>
    %add3A_81 = arith.addi %slice3A_79, %slice3A_80 : vector<7x16x112xi16>
    %slice3A_82 = vector.extract_strided_slice %add3A_78 {offsets = [14, 0, 0], sizes = [7, 16, 112], strides = [1, 1, 1]} : vector<21x16x112xi16> to vector<7x16x112xi16>
    %add3A_83 = arith.addi %add3A_81, %slice3A_82 : vector<7x16x112xi16>
    %slice3A_84 = vector.extract_strided_slice %add3A_83 {offsets = [0, 0, 0], sizes = [1, 16, 112], strides = [1, 1, 1]} : vector<7x16x112xi16> to vector<1x16x112xi16>
    %slice3A_85 = vector.extract_strided_slice %add3A_83 {offsets = [1, 0, 0], sizes = [1, 16, 112], strides = [1, 1, 1]} : vector<7x16x112xi16> to vector<1x16x112xi16>
    %add3A_86 = arith.addi %slice3A_84, %slice3A_85 : vector<1x16x112xi16>
    %slice3A_87 = vector.extract_strided_slice %add3A_83 {offsets = [2, 0, 0], sizes = [1, 16, 112], strides = [1, 1, 1]} : vector<7x16x112xi16> to vector<1x16x112xi16>
    %add3A_88 = arith.addi %add3A_86, %slice3A_87 : vector<1x16x112xi16>
    %slice3A_89 = vector.extract_strided_slice %add3A_83 {offsets = [3, 0, 0], sizes = [1, 16, 112], strides = [1, 1, 1]} : vector<7x16x112xi16> to vector<1x16x112xi16>
    %add3A_90 = arith.addi %add3A_88, %slice3A_89 : vector<1x16x112xi16>
    %slice3A_91 = vector.extract_strided_slice %add3A_83 {offsets = [4, 0, 0], sizes = [1, 16, 112], strides = [1, 1, 1]} : vector<7x16x112xi16> to vector<1x16x112xi16>
    %add3A_92 = arith.addi %add3A_90, %slice3A_91 : vector<1x16x112xi16>
    %slice3A_93 = vector.extract_strided_slice %add3A_83 {offsets = [5, 0, 0], sizes = [1, 16, 112], strides = [1, 1, 1]} : vector<7x16x112xi16> to vector<1x16x112xi16>
    %add3A_94 = arith.addi %add3A_92, %slice3A_93 : vector<1x16x112xi16>
    %slice3A_95 = vector.extract_strided_slice %add3A_83 {offsets = [6, 0, 0], sizes = [1, 16, 112], strides = [1, 1, 1]} : vector<7x16x112xi16> to vector<1x16x112xi16>
    %add3A_96 = arith.addi %add3A_94, %slice3A_95 : vector<1x16x112xi16>
    %squeeze3A_97 = vector.shape_cast %add3A_96 : vector<1x16x112xi16> to vector<16x112xi16>
    %convert_element_type3A_98 = arith.extsi %squeeze3A_97 : vector<16x112xi16> to vector<16x112xi32>
    %reduce_sum3A_99 = vector.shape_cast %convert_element_type3A_98 : vector<16x112xi32> to vector<1x16x112xi32>
    %reduce_sum3A_100 = arith.constant dense<0> : vector<1xi32>
    %reduce_sum3A_101 = vector.multi_reduction <add>, %reduce_sum3A_99, %reduce_sum3A_100 [1, 2] : vector<1x16x112xi32> to vector<1xi32>
    %reduce_sum3A_102 = vector.shape_cast %reduce_sum3A_101 : vector<1xi32> to vector<1x1x1xi32>
    %reduce_sum3A_103 = vector.extract %reduce_sum3A_102[0, 0, 0] : i32 from vector<1x1x1xi32>
    %ge3A_104 = arith.constant 64 : i32
    %ge3A_105 = arith.cmpi sge, %reduce_sum3A_103, %ge3A_104 : i32
    %select_n3A_106 = arith.select %ge3A_105, %or3A_57, %select_n3A_56 : i32
    %or3A_107 = arith.constant 8192 : i32
    %or3A_108 = arith.ori %select_n3A_106, %or3A_107 : i32
    %broadcast_in_dim3A_109 = vector.broadcast %or3A_108 : i32 to vector<1x16x112xi32>
    %convert_element_type3A_110 = arith.trunci %broadcast_in_dim3A_109 : vector<1x16x112xi32> to vector<1x16x112xi16>
    %ge3A_111 = vector.broadcast %convert_element_type3A_110 : vector<1x16x112xi16> to vector<336x16x112xi16>
    %ge3A_112 = arith.cmpi sge, %reshape3A, %ge3A_111 : vector<336x16x112xi16>
    %jit3A_113 = arith.constant 1 : i16
    %jit3A_114 = arith.constant 0 : i16
    %broadcast_in_dim3A_115 = vector.broadcast %jit3A_113 : i16 to vector<336x16x112xi16>
    %broadcast_in_dim3A_116 = vector.broadcast %jit3A_114 : i16 to vector<336x16x112xi16>
    %select_n3A_117 = arith.select %ge3A_112, %broadcast_in_dim3A_115, %broadcast_in_dim3A_116 : vector<336x16x112xi1>, vector<336x16x112xi16>
    %slice3A_118 = vector.extract_strided_slice %select_n3A_117 {offsets = [0, 0, 0], sizes = [168, 16, 112], strides = [1, 1, 1]} : vector<336x16x112xi16> to vector<168x16x112xi16>
    %slice3A_119 = vector.extract_strided_slice %select_n3A_117 {offsets = [168, 0, 0], sizes = [168, 16, 112], strides = [1, 1, 1]} : vector<336x16x112xi16> to vector<168x16x112xi16>
    %add3A_120 = arith.addi %slice3A_118, %slice3A_119 : vector<168x16x112xi16>
    %slice3A_121 = vector.extract_strided_slice %add3A_120 {offsets = [0, 0, 0], sizes = [84, 16, 112], strides = [1, 1, 1]} : vector<168x16x112xi16> to vector<84x16x112xi16>
    %slice3A_122 = vector.extract_strided_slice %add3A_120 {offsets = [84, 0, 0], sizes = [84, 16, 112], strides = [1, 1, 1]} : vector<168x16x112xi16> to vector<84x16x112xi16>
    %add3A_123 = arith.addi %slice3A_121, %slice3A_122 : vector<84x16x112xi16>
    %slice3A_124 = vector.extract_strided_slice %add3A_123 {offsets = [0, 0, 0], sizes = [42, 16, 112], strides = [1, 1, 1]} : vector<84x16x112xi16> to vector<42x16x112xi16>
    %slice3A_125 = vector.extract_strided_slice %add3A_123 {offsets = [42, 0, 0], sizes = [42, 16, 112], strides = [1, 1, 1]} : vector<84x16x112xi16> to vector<42x16x112xi16>
    %add3A_126 = arith.addi %slice3A_124, %slice3A_125 : vector<42x16x112xi16>
    %slice3A_127 = vector.extract_strided_slice %add3A_126 {offsets = [0, 0, 0], sizes = [21, 16, 112], strides = [1, 1, 1]} : vector<42x16x112xi16> to vector<21x16x112xi16>
    %slice3A_128 = vector.extract_strided_slice %add3A_126 {offsets = [21, 0, 0], sizes = [21, 16, 112], strides = [1, 1, 1]} : vector<42x16x112xi16> to vector<21x16x112xi16>
    %add3A_129 = arith.addi %slice3A_127, %slice3A_128 : vector<21x16x112xi16>
    %slice3A_130 = vector.extract_strided_slice %add3A_129 {offsets = [0, 0, 0], sizes = [7, 16, 112], strides = [1, 1, 1]} : vector<21x16x112xi16> to vector<7x16x112xi16>
    %slice3A_131 = vector.extract_strided_slice %add3A_129 {offsets = [7, 0, 0], sizes = [7, 16, 112], strides = [1, 1, 1]} : vector<21x16x112xi16> to vector<7x16x112xi16>
    %add3A_132 = arith.addi %slice3A_130, %slice3A_131 : vector<7x16x112xi16>
    %slice3A_133 = vector.extract_strided_slice %add3A_129 {offsets = [14, 0, 0], sizes = [7, 16, 112], strides = [1, 1, 1]} : vector<21x16x112xi16> to vector<7x16x112xi16>
    %add3A_134 = arith.addi %add3A_132, %slice3A_133 : vector<7x16x112xi16>
    %slice3A_135 = vector.extract_strided_slice %add3A_134 {offsets = [0, 0, 0], sizes = [1, 16, 112], strides = [1, 1, 1]} : vector<7x16x112xi16> to vector<1x16x112xi16>
    %slice3A_136 = vector.extract_strided_slice %add3A_134 {offsets = [1, 0, 0], sizes = [1, 16, 112], strides = [1, 1, 1]} : vector<7x16x112xi16> to vector<1x16x112xi16>
    %add3A_137 = arith.addi %slice3A_135, %slice3A_136 : vector<1x16x112xi16>
    %slice3A_138 = vector.extract_strided_slice %add3A_134 {offsets = [2, 0, 0], sizes = [1, 16, 112], strides = [1, 1, 1]} : vector<7x16x112xi16> to vector<1x16x112xi16>
    %add3A_139 = arith.addi %add3A_137, %slice3A_138 : vector<1x16x112xi16>
    %slice3A_140 = vector.extract_strided_slice %add3A_134 {offsets = [3, 0, 0], sizes = [1, 16, 112], strides = [1, 1, 1]} : vector<7x16x112xi16> to vector<1x16x112xi16>
    %add3A_141 = arith.addi %add3A_139, %slice3A_140 : vector<1x16x112xi16>
    %slice3A_142 = vector.extract_strided_slice %add3A_134 {offsets = [4, 0, 0], sizes = [1, 16, 112], strides = [1, 1, 1]} : vector<7x16x112xi16> to vector<1x16x112xi16>
    %add3A_143 = arith.addi %add3A_141, %slice3A_142 : vector<1x16x112xi16>
    %slice3A_144 = vector.extract_strided_slice %add3A_134 {offsets = [5, 0, 0], sizes = [1, 16, 112], strides = [1, 1, 1]} : vector<7x16x112xi16> to vector<1x16x112xi16>
    %add3A_145 = arith.addi %add3A_143, %slice3A_144 : vector<1x16x112xi16>
    %slice3A_146 = vector.extract_strided_slice %add3A_134 {offsets = [6, 0, 0], sizes = [1, 16, 112], strides = [1, 1, 1]} : vector<7x16x112xi16> to vector<1x16x112xi16>
    %add3A_147 = arith.addi %add3A_145, %slice3A_146 : vector<1x16x112xi16>
    %squeeze3A_148 = vector.shape_cast %add3A_147 : vector<1x16x112xi16> to vector<16x112xi16>
    %convert_element_type3A_149 = arith.extsi %squeeze3A_148 : vector<16x112xi16> to vector<16x112xi32>
    %reduce_sum3A_150 = vector.shape_cast %convert_element_type3A_149 : vector<16x112xi32> to vector<1x16x112xi32>
    %reduce_sum3A_151 = arith.constant dense<0> : vector<1xi32>
    %reduce_sum3A_152 = vector.multi_reduction <add>, %reduce_sum3A_150, %reduce_sum3A_151 [1, 2] : vector<1x16x112xi32> to vector<1xi32>
    %reduce_sum3A_153 = vector.shape_cast %reduce_sum3A_152 : vector<1xi32> to vector<1x1x1xi32>
    %reduce_sum3A_154 = vector.extract %reduce_sum3A_153[0, 0, 0] : i32 from vector<1x1x1xi32>
    %ge3A_155 = arith.constant 64 : i32
    %ge3A_156 = arith.cmpi sge, %reduce_sum3A_154, %ge3A_155 : i32
    %select_n3A_157 = arith.select %ge3A_156, %or3A_108, %select_n3A_106 : i32
    %or3A_158 = arith.constant 4096 : i32
    %or3A_159 = arith.ori %select_n3A_157, %or3A_158 : i32
    %broadcast_in_dim3A_160 = vector.broadcast %or3A_159 : i32 to vector<1x16x112xi32>
    %convert_element_type3A_161 = arith.trunci %broadcast_in_dim3A_160 : vector<1x16x112xi32> to vector<1x16x112xi16>
    %ge3A_162 = vector.broadcast %convert_element_type3A_161 : vector<1x16x112xi16> to vector<336x16x112xi16>
    %ge3A_163 = arith.cmpi sge, %reshape3A, %ge3A_162 : vector<336x16x112xi16>
    %jit3A_164 = arith.constant 1 : i16
    %jit3A_165 = arith.constant 0 : i16
    %broadcast_in_dim3A_166 = vector.broadcast %jit3A_164 : i16 to vector<336x16x112xi16>
    %broadcast_in_dim3A_167 = vector.broadcast %jit3A_165 : i16 to vector<336x16x112xi16>
    %select_n3A_168 = arith.select %ge3A_163, %broadcast_in_dim3A_166, %broadcast_in_dim3A_167 : vector<336x16x112xi1>, vector<336x16x112xi16>
    %slice3A_169 = vector.extract_strided_slice %select_n3A_168 {offsets = [0, 0, 0], sizes = [168, 16, 112], strides = [1, 1, 1]} : vector<336x16x112xi16> to vector<168x16x112xi16>
    %slice3A_170 = vector.extract_strided_slice %select_n3A_168 {offsets = [168, 0, 0], sizes = [168, 16, 112], strides = [1, 1, 1]} : vector<336x16x112xi16> to vector<168x16x112xi16>
    %add3A_171 = arith.addi %slice3A_169, %slice3A_170 : vector<168x16x112xi16>
    %slice3A_172 = vector.extract_strided_slice %add3A_171 {offsets = [0, 0, 0], sizes = [84, 16, 112], strides = [1, 1, 1]} : vector<168x16x112xi16> to vector<84x16x112xi16>
    %slice3A_173 = vector.extract_strided_slice %add3A_171 {offsets = [84, 0, 0], sizes = [84, 16, 112], strides = [1, 1, 1]} : vector<168x16x112xi16> to vector<84x16x112xi16>
    %add3A_174 = arith.addi %slice3A_172, %slice3A_173 : vector<84x16x112xi16>
    %slice3A_175 = vector.extract_strided_slice %add3A_174 {offsets = [0, 0, 0], sizes = [42, 16, 112], strides = [1, 1, 1]} : vector<84x16x112xi16> to vector<42x16x112xi16>
    %slice3A_176 = vector.extract_strided_slice %add3A_174 {offsets = [42, 0, 0], sizes = [42, 16, 112], strides = [1, 1, 1]} : vector<84x16x112xi16> to vector<42x16x112xi16>
    %add3A_177 = arith.addi %slice3A_175, %slice3A_176 : vector<42x16x112xi16>
    %slice3A_178 = vector.extract_strided_slice %add3A_177 {offsets = [0, 0, 0], sizes = [21, 16, 112], strides = [1, 1, 1]} : vector<42x16x112xi16> to vector<21x16x112xi16>
    %slice3A_179 = vector.extract_strided_slice %add3A_177 {offsets = [21, 0, 0], sizes = [21, 16, 112], strides = [1, 1, 1]} : vector<42x16x112xi16> to vector<21x16x112xi16>
    %add3A_180 = arith.addi %slice3A_178, %slice3A_179 : vector<21x16x112xi16>
    %slice3A_181 = vector.extract_strided_slice %add3A_180 {offsets = [0, 0, 0], sizes = [7, 16, 112], strides = [1, 1, 1]} : vector<21x16x112xi16> to vector<7x16x112xi16>
    %slice3A_182 = vector.extract_strided_slice %add3A_180 {offsets = [7, 0, 0], sizes = [7, 16, 112], strides = [1, 1, 1]} : vector<21x16x112xi16> to vector<7x16x112xi16>
    %add3A_183 = arith.addi %slice3A_181, %slice3A_182 : vector<7x16x112xi16>
    %slice3A_184 = vector.extract_strided_slice %add3A_180 {offsets = [14, 0, 0], sizes = [7, 16, 112], strides = [1, 1, 1]} : vector<21x16x112xi16> to vector<7x16x112xi16>
    %add3A_185 = arith.addi %add3A_183, %slice3A_184 : vector<7x16x112xi16>
    %slice3A_186 = vector.extract_strided_slice %add3A_185 {offsets = [0, 0, 0], sizes = [1, 16, 112], strides = [1, 1, 1]} : vector<7x16x112xi16> to vector<1x16x112xi16>
    %slice3A_187 = vector.extract_strided_slice %add3A_185 {offsets = [1, 0, 0], sizes = [1, 16, 112], strides = [1, 1, 1]} : vector<7x16x112xi16> to vector<1x16x112xi16>
    %add3A_188 = arith.addi %slice3A_186, %slice3A_187 : vector<1x16x112xi16>
    %slice3A_189 = vector.extract_strided_slice %add3A_185 {offsets = [2, 0, 0], sizes = [1, 16, 112], strides = [1, 1, 1]} : vector<7x16x112xi16> to vector<1x16x112xi16>
    %add3A_190 = arith.addi %add3A_188, %slice3A_189 : vector<1x16x112xi16>
    %slice3A_191 = vector.extract_strided_slice %add3A_185 {offsets = [3, 0, 0], sizes = [1, 16, 112], strides = [1, 1, 1]} : vector<7x16x112xi16> to vector<1x16x112xi16>
    %add3A_192 = arith.addi %add3A_190, %slice3A_191 : vector<1x16x112xi16>
    %slice3A_193 = vector.extract_strided_slice %add3A_185 {offsets = [4, 0, 0], sizes = [1, 16, 112], strides = [1, 1, 1]} : vector<7x16x112xi16> to vector<1x16x112xi16>
    %add3A_194 = arith.addi %add3A_192, %slice3A_193 : vector<1x16x112xi16>
    %slice3A_195 = vector.extract_strided_slice %add3A_185 {offsets = [5, 0, 0], sizes = [1, 16, 112], strides = [1, 1, 1]} : vector<7x16x112xi16> to vector<1x16x112xi16>
    %add3A_196 = arith.addi %add3A_194, %slice3A_195 : vector<1x16x112xi16>
    %slice3A_197 = vector.extract_strided_slice %add3A_185 {offsets = [6, 0, 0], sizes = [1, 16, 112], strides = [1, 1, 1]} : vector<7x16x112xi16> to vector<1x16x112xi16>
    %add3A_198 = arith.addi %add3A_196, %slice3A_197 : vector<1x16x112xi16>
    %squeeze3A_199 = vector.shape_cast %add3A_198 : vector<1x16x112xi16> to vector<16x112xi16>
    %convert_element_type3A_200 = arith.extsi %squeeze3A_199 : vector<16x112xi16> to vector<16x112xi32>
    %reduce_sum3A_201 = vector.shape_cast %convert_element_type3A_200 : vector<16x112xi32> to vector<1x16x112xi32>
    %reduce_sum3A_202 = arith.constant dense<0> : vector<1xi32>
    %reduce_sum3A_203 = vector.multi_reduction <add>, %reduce_sum3A_201, %reduce_sum3A_202 [1, 2] : vector<1x16x112xi32> to vector<1xi32>
    %reduce_sum3A_204 = vector.shape_cast %reduce_sum3A_203 : vector<1xi32> to vector<1x1x1xi32>
    %reduce_sum3A_205 = vector.extract %reduce_sum3A_204[0, 0, 0] : i32 from vector<1x1x1xi32>
    %ge3A_206 = arith.constant 64 : i32
    %ge3A_207 = arith.cmpi sge, %reduce_sum3A_205, %ge3A_206 : i32
    %select_n3A_208 = arith.select %ge3A_207, %or3A_159, %select_n3A_157 : i32
    %or3A_209 = arith.constant 2048 : i32
    %or3A_210 = arith.ori %select_n3A_208, %or3A_209 : i32
    %broadcast_in_dim3A_211 = vector.broadcast %or3A_210 : i32 to vector<1x16x112xi32>
    %convert_element_type3A_212 = arith.trunci %broadcast_in_dim3A_211 : vector<1x16x112xi32> to vector<1x16x112xi16>
    %ge3A_213 = vector.broadcast %convert_element_type3A_212 : vector<1x16x112xi16> to vector<336x16x112xi16>
    %ge3A_214 = arith.cmpi sge, %reshape3A, %ge3A_213 : vector<336x16x112xi16>
    %jit3A_215 = arith.constant 1 : i16
    %jit3A_216 = arith.constant 0 : i16
    %broadcast_in_dim3A_217 = vector.broadcast %jit3A_215 : i16 to vector<336x16x112xi16>
    %broadcast_in_dim3A_218 = vector.broadcast %jit3A_216 : i16 to vector<336x16x112xi16>
    %select_n3A_219 = arith.select %ge3A_214, %broadcast_in_dim3A_217, %broadcast_in_dim3A_218 : vector<336x16x112xi1>, vector<336x16x112xi16>
    %slice3A_220 = vector.extract_strided_slice %select_n3A_219 {offsets = [0, 0, 0], sizes = [168, 16, 112], strides = [1, 1, 1]} : vector<336x16x112xi16> to vector<168x16x112xi16>
    %slice3A_221 = vector.extract_strided_slice %select_n3A_219 {offsets = [168, 0, 0], sizes = [168, 16, 112], strides = [1, 1, 1]} : vector<336x16x112xi16> to vector<168x16x112xi16>
    %add3A_222 = arith.addi %slice3A_220, %slice3A_221 : vector<168x16x112xi16>
    %slice3A_223 = vector.extract_strided_slice %add3A_222 {offsets = [0, 0, 0], sizes = [84, 16, 112], strides = [1, 1, 1]} : vector<168x16x112xi16> to vector<84x16x112xi16>
    %slice3A_224 = vector.extract_strided_slice %add3A_222 {offsets = [84, 0, 0], sizes = [84, 16, 112], strides = [1, 1, 1]} : vector<168x16x112xi16> to vector<84x16x112xi16>
    %add3A_225 = arith.addi %slice3A_223, %slice3A_224 : vector<84x16x112xi16>
    %slice3A_226 = vector.extract_strided_slice %add3A_225 {offsets = [0, 0, 0], sizes = [42, 16, 112], strides = [1, 1, 1]} : vector<84x16x112xi16> to vector<42x16x112xi16>
    %slice3A_227 = vector.extract_strided_slice %add3A_225 {offsets = [42, 0, 0], sizes = [42, 16, 112], strides = [1, 1, 1]} : vector<84x16x112xi16> to vector<42x16x112xi16>
    %add3A_228 = arith.addi %slice3A_226, %slice3A_227 : vector<42x16x112xi16>
    %slice3A_229 = vector.extract_strided_slice %add3A_228 {offsets = [0, 0, 0], sizes = [21, 16, 112], strides = [1, 1, 1]} : vector<42x16x112xi16> to vector<21x16x112xi16>
    %slice3A_230 = vector.extract_strided_slice %add3A_228 {offsets = [21, 0, 0], sizes = [21, 16, 112], strides = [1, 1, 1]} : vector<42x16x112xi16> to vector<21x16x112xi16>
    %add3A_231 = arith.addi %slice3A_229, %slice3A_230 : vector<21x16x112xi16>
    %slice3A_232 = vector.extract_strided_slice %add3A_231 {offsets = [0, 0, 0], sizes = [7, 16, 112], strides = [1, 1, 1]} : vector<21x16x112xi16> to vector<7x16x112xi16>
    %slice3A_233 = vector.extract_strided_slice %add3A_231 {offsets = [7, 0, 0], sizes = [7, 16, 112], strides = [1, 1, 1]} : vector<21x16x112xi16> to vector<7x16x112xi16>
    %add3A_234 = arith.addi %slice3A_232, %slice3A_233 : vector<7x16x112xi16>
    %slice3A_235 = vector.extract_strided_slice %add3A_231 {offsets = [14, 0, 0], sizes = [7, 16, 112], strides = [1, 1, 1]} : vector<21x16x112xi16> to vector<7x16x112xi16>
    %add3A_236 = arith.addi %add3A_234, %slice3A_235 : vector<7x16x112xi16>
    %slice3A_237 = vector.extract_strided_slice %add3A_236 {offsets = [0, 0, 0], sizes = [1, 16, 112], strides = [1, 1, 1]} : vector<7x16x112xi16> to vector<1x16x112xi16>
    %slice3A_238 = vector.extract_strided_slice %add3A_236 {offsets = [1, 0, 0], sizes = [1, 16, 112], strides = [1, 1, 1]} : vector<7x16x112xi16> to vector<1x16x112xi16>
    %add3A_239 = arith.addi %slice3A_237, %slice3A_238 : vector<1x16x112xi16>
    %slice3A_240 = vector.extract_strided_slice %add3A_236 {offsets = [2, 0, 0], sizes = [1, 16, 112], strides = [1, 1, 1]} : vector<7x16x112xi16> to vector<1x16x112xi16>
    %add3A_241 = arith.addi %add3A_239, %slice3A_240 : vector<1x16x112xi16>
    %slice3A_242 = vector.extract_strided_slice %add3A_236 {offsets = [3, 0, 0], sizes = [1, 16, 112], strides = [1, 1, 1]} : vector<7x16x112xi16> to vector<1x16x112xi16>
    %add3A_243 = arith.addi %add3A_241, %slice3A_242 : vector<1x16x112xi16>
    %slice3A_244 = vector.extract_strided_slice %add3A_236 {offsets = [4, 0, 0], sizes = [1, 16, 112], strides = [1, 1, 1]} : vector<7x16x112xi16> to vector<1x16x112xi16>
    %add3A_245 = arith.addi %add3A_243, %slice3A_244 : vector<1x16x112xi16>
    %slice3A_246 = vector.extract_strided_slice %add3A_236 {offsets = [5, 0, 0], sizes = [1, 16, 112], strides = [1, 1, 1]} : vector<7x16x112xi16> to vector<1x16x112xi16>
    %add3A_247 = arith.addi %add3A_245, %slice3A_246 : vector<1x16x112xi16>
    %slice3A_248 = vector.extract_strided_slice %add3A_236 {offsets = [6, 0, 0], sizes = [1, 16, 112], strides = [1, 1, 1]} : vector<7x16x112xi16> to vector<1x16x112xi16>
    %add3A_249 = arith.addi %add3A_247, %slice3A_248 : vector<1x16x112xi16>
    %squeeze3A_250 = vector.shape_cast %add3A_249 : vector<1x16x112xi16> to vector<16x112xi16>
    %convert_element_type3A_251 = arith.extsi %squeeze3A_250 : vector<16x112xi16> to vector<16x112xi32>
    %reduce_sum3A_252 = vector.shape_cast %convert_element_type3A_251 : vector<16x112xi32> to vector<1x16x112xi32>
    %reduce_sum3A_253 = arith.constant dense<0> : vector<1xi32>
    %reduce_sum3A_254 = vector.multi_reduction <add>, %reduce_sum3A_252, %reduce_sum3A_253 [1, 2] : vector<1x16x112xi32> to vector<1xi32>
    %reduce_sum3A_255 = vector.shape_cast %reduce_sum3A_254 : vector<1xi32> to vector<1x1x1xi32>
    %reduce_sum3A_256 = vector.extract %reduce_sum3A_255[0, 0, 0] : i32 from vector<1x1x1xi32>
    %ge3A_257 = arith.constant 64 : i32
    %ge3A_258 = arith.cmpi sge, %reduce_sum3A_256, %ge3A_257 : i32
    %select_n3A_259 = arith.select %ge3A_258, %or3A_210, %select_n3A_208 : i32
    %or3A_260 = arith.constant 1024 : i32
    %or3A_261 = arith.ori %select_n3A_259, %or3A_260 : i32
    %broadcast_in_dim3A_262 = vector.broadcast %or3A_261 : i32 to vector<1x16x112xi32>
    %convert_element_type3A_263 = arith.trunci %broadcast_in_dim3A_262 : vector<1x16x112xi32> to vector<1x16x112xi16>
    %ge3A_264 = vector.broadcast %convert_element_type3A_263 : vector<1x16x112xi16> to vector<336x16x112xi16>
    %ge3A_265 = arith.cmpi sge, %reshape3A, %ge3A_264 : vector<336x16x112xi16>
    %jit3A_266 = arith.constant 1 : i16
    %jit3A_267 = arith.constant 0 : i16
    %broadcast_in_dim3A_268 = vector.broadcast %jit3A_266 : i16 to vector<336x16x112xi16>
    %broadcast_in_dim3A_269 = vector.broadcast %jit3A_267 : i16 to vector<336x16x112xi16>
    %select_n3A_270 = arith.select %ge3A_265, %broadcast_in_dim3A_268, %broadcast_in_dim3A_269 : vector<336x16x112xi1>, vector<336x16x112xi16>
    %slice3A_271 = vector.extract_strided_slice %select_n3A_270 {offsets = [0, 0, 0], sizes = [168, 16, 112], strides = [1, 1, 1]} : vector<336x16x112xi16> to vector<168x16x112xi16>
    %slice3A_272 = vector.extract_strided_slice %select_n3A_270 {offsets = [168, 0, 0], sizes = [168, 16, 112], strides = [1, 1, 1]} : vector<336x16x112xi16> to vector<168x16x112xi16>
    %add3A_273 = arith.addi %slice3A_271, %slice3A_272 : vector<168x16x112xi16>
    %slice3A_274 = vector.extract_strided_slice %add3A_273 {offsets = [0, 0, 0], sizes = [84, 16, 112], strides = [1, 1, 1]} : vector<168x16x112xi16> to vector<84x16x112xi16>
    %slice3A_275 = vector.extract_strided_slice %add3A_273 {offsets = [84, 0, 0], sizes = [84, 16, 112], strides = [1, 1, 1]} : vector<168x16x112xi16> to vector<84x16x112xi16>
    %add3A_276 = arith.addi %slice3A_274, %slice3A_275 : vector<84x16x112xi16>
    %slice3A_277 = vector.extract_strided_slice %add3A_276 {offsets = [0, 0, 0], sizes = [42, 16, 112], strides = [1, 1, 1]} : vector<84x16x112xi16> to vector<42x16x112xi16>
    %slice3A_278 = vector.extract_strided_slice %add3A_276 {offsets = [42, 0, 0], sizes = [42, 16, 112], strides = [1, 1, 1]} : vector<84x16x112xi16> to vector<42x16x112xi16>
    %add3A_279 = arith.addi %slice3A_277, %slice3A_278 : vector<42x16x112xi16>
    %slice3A_280 = vector.extract_strided_slice %add3A_279 {offsets = [0, 0, 0], sizes = [21, 16, 112], strides = [1, 1, 1]} : vector<42x16x112xi16> to vector<21x16x112xi16>
    %slice3A_281 = vector.extract_strided_slice %add3A_279 {offsets = [21, 0, 0], sizes = [21, 16, 112], strides = [1, 1, 1]} : vector<42x16x112xi16> to vector<21x16x112xi16>
    %add3A_282 = arith.addi %slice3A_280, %slice3A_281 : vector<21x16x112xi16>
    %slice3A_283 = vector.extract_strided_slice %add3A_282 {offsets = [0, 0, 0], sizes = [7, 16, 112], strides = [1, 1, 1]} : vector<21x16x112xi16> to vector<7x16x112xi16>
    %slice3A_284 = vector.extract_strided_slice %add3A_282 {offsets = [7, 0, 0], sizes = [7, 16, 112], strides = [1, 1, 1]} : vector<21x16x112xi16> to vector<7x16x112xi16>
    %add3A_285 = arith.addi %slice3A_283, %slice3A_284 : vector<7x16x112xi16>
    %slice3A_286 = vector.extract_strided_slice %add3A_282 {offsets = [14, 0, 0], sizes = [7, 16, 112], strides = [1, 1, 1]} : vector<21x16x112xi16> to vector<7x16x112xi16>
    %add3A_287 = arith.addi %add3A_285, %slice3A_286 : vector<7x16x112xi16>
    %slice3A_288 = vector.extract_strided_slice %add3A_287 {offsets = [0, 0, 0], sizes = [1, 16, 112], strides = [1, 1, 1]} : vector<7x16x112xi16> to vector<1x16x112xi16>
    %slice3A_289 = vector.extract_strided_slice %add3A_287 {offsets = [1, 0, 0], sizes = [1, 16, 112], strides = [1, 1, 1]} : vector<7x16x112xi16> to vector<1x16x112xi16>
    %add3A_290 = arith.addi %slice3A_288, %slice3A_289 : vector<1x16x112xi16>
    %slice3A_291 = vector.extract_strided_slice %add3A_287 {offsets = [2, 0, 0], sizes = [1, 16, 112], strides = [1, 1, 1]} : vector<7x16x112xi16> to vector<1x16x112xi16>
    %add3A_292 = arith.addi %add3A_290, %slice3A_291 : vector<1x16x112xi16>
    %slice3A_293 = vector.extract_strided_slice %add3A_287 {offsets = [3, 0, 0], sizes = [1, 16, 112], strides = [1, 1, 1]} : vector<7x16x112xi16> to vector<1x16x112xi16>
    %add3A_294 = arith.addi %add3A_292, %slice3A_293 : vector<1x16x112xi16>
    %slice3A_295 = vector.extract_strided_slice %add3A_287 {offsets = [4, 0, 0], sizes = [1, 16, 112], strides = [1, 1, 1]} : vector<7x16x112xi16> to vector<1x16x112xi16>
    %add3A_296 = arith.addi %add3A_294, %slice3A_295 : vector<1x16x112xi16>
    %slice3A_297 = vector.extract_strided_slice %add3A_287 {offsets = [5, 0, 0], sizes = [1, 16, 112], strides = [1, 1, 1]} : vector<7x16x112xi16> to vector<1x16x112xi16>
    %add3A_298 = arith.addi %add3A_296, %slice3A_297 : vector<1x16x112xi16>
    %slice3A_299 = vector.extract_strided_slice %add3A_287 {offsets = [6, 0, 0], sizes = [1, 16, 112], strides = [1, 1, 1]} : vector<7x16x112xi16> to vector<1x16x112xi16>
    %add3A_300 = arith.addi %add3A_298, %slice3A_299 : vector<1x16x112xi16>
    %squeeze3A_301 = vector.shape_cast %add3A_300 : vector<1x16x112xi16> to vector<16x112xi16>
    %convert_element_type3A_302 = arith.extsi %squeeze3A_301 : vector<16x112xi16> to vector<16x112xi32>
    %reduce_sum3A_303 = vector.shape_cast %convert_element_type3A_302 : vector<16x112xi32> to vector<1x16x112xi32>
    %reduce_sum3A_304 = arith.constant dense<0> : vector<1xi32>
    %reduce_sum3A_305 = vector.multi_reduction <add>, %reduce_sum3A_303, %reduce_sum3A_304 [1, 2] : vector<1x16x112xi32> to vector<1xi32>
    %reduce_sum3A_306 = vector.shape_cast %reduce_sum3A_305 : vector<1xi32> to vector<1x1x1xi32>
    %reduce_sum3A_307 = vector.extract %reduce_sum3A_306[0, 0, 0] : i32 from vector<1x1x1xi32>
    %ge3A_308 = arith.constant 64 : i32
    %ge3A_309 = arith.cmpi sge, %reduce_sum3A_307, %ge3A_308 : i32
    %select_n3A_310 = arith.select %ge3A_309, %or3A_261, %select_n3A_259 : i32
    %or3A_311 = arith.constant 512 : i32
    %or3A_312 = arith.ori %select_n3A_310, %or3A_311 : i32
    %broadcast_in_dim3A_313 = vector.broadcast %or3A_312 : i32 to vector<1x16x112xi32>
    %convert_element_type3A_314 = arith.trunci %broadcast_in_dim3A_313 : vector<1x16x112xi32> to vector<1x16x112xi16>
    %ge3A_315 = vector.broadcast %convert_element_type3A_314 : vector<1x16x112xi16> to vector<336x16x112xi16>
    %ge3A_316 = arith.cmpi sge, %reshape3A, %ge3A_315 : vector<336x16x112xi16>
    %jit3A_317 = arith.constant 1 : i16
    %jit3A_318 = arith.constant 0 : i16
    %broadcast_in_dim3A_319 = vector.broadcast %jit3A_317 : i16 to vector<336x16x112xi16>
    %broadcast_in_dim3A_320 = vector.broadcast %jit3A_318 : i16 to vector<336x16x112xi16>
    %select_n3A_321 = arith.select %ge3A_316, %broadcast_in_dim3A_319, %broadcast_in_dim3A_320 : vector<336x16x112xi1>, vector<336x16x112xi16>
    %slice3A_322 = vector.extract_strided_slice %select_n3A_321 {offsets = [0, 0, 0], sizes = [168, 16, 112], strides = [1, 1, 1]} : vector<336x16x112xi16> to vector<168x16x112xi16>
    %slice3A_323 = vector.extract_strided_slice %select_n3A_321 {offsets = [168, 0, 0], sizes = [168, 16, 112], strides = [1, 1, 1]} : vector<336x16x112xi16> to vector<168x16x112xi16>
    %add3A_324 = arith.addi %slice3A_322, %slice3A_323 : vector<168x16x112xi16>
    %slice3A_325 = vector.extract_strided_slice %add3A_324 {offsets = [0, 0, 0], sizes = [84, 16, 112], strides = [1, 1, 1]} : vector<168x16x112xi16> to vector<84x16x112xi16>
    %slice3A_326 = vector.extract_strided_slice %add3A_324 {offsets = [84, 0, 0], sizes = [84, 16, 112], strides = [1, 1, 1]} : vector<168x16x112xi16> to vector<84x16x112xi16>
    %add3A_327 = arith.addi %slice3A_325, %slice3A_326 : vector<84x16x112xi16>
    %slice3A_328 = vector.extract_strided_slice %add3A_327 {offsets = [0, 0, 0], sizes = [42, 16, 112], strides = [1, 1, 1]} : vector<84x16x112xi16> to vector<42x16x112xi16>
    %slice3A_329 = vector.extract_strided_slice %add3A_327 {offsets = [42, 0, 0], sizes = [42, 16, 112], strides = [1, 1, 1]} : vector<84x16x112xi16> to vector<42x16x112xi16>
    %add3A_330 = arith.addi %slice3A_328, %slice3A_329 : vector<42x16x112xi16>
    %slice3A_331 = vector.extract_strided_slice %add3A_330 {offsets = [0, 0, 0], sizes = [21, 16, 112], strides = [1, 1, 1]} : vector<42x16x112xi16> to vector<21x16x112xi16>
    %slice3A_332 = vector.extract_strided_slice %add3A_330 {offsets = [21, 0, 0], sizes = [21, 16, 112], strides = [1, 1, 1]} : vector<42x16x112xi16> to vector<21x16x112xi16>
    %add3A_333 = arith.addi %slice3A_331, %slice3A_332 : vector<21x16x112xi16>
    %slice3A_334 = vector.extract_strided_slice %add3A_333 {offsets = [0, 0, 0], sizes = [7, 16, 112], strides = [1, 1, 1]} : vector<21x16x112xi16> to vector<7x16x112xi16>
    %slice3A_335 = vector.extract_strided_slice %add3A_333 {offsets = [7, 0, 0], sizes = [7, 16, 112], strides = [1, 1, 1]} : vector<21x16x112xi16> to vector<7x16x112xi16>
    %add3A_336 = arith.addi %slice3A_334, %slice3A_335 : vector<7x16x112xi16>
    %slice3A_337 = vector.extract_strided_slice %add3A_333 {offsets = [14, 0, 0], sizes = [7, 16, 112], strides = [1, 1, 1]} : vector<21x16x112xi16> to vector<7x16x112xi16>
    %add3A_338 = arith.addi %add3A_336, %slice3A_337 : vector<7x16x112xi16>
    %slice3A_339 = vector.extract_strided_slice %add3A_338 {offsets = [0, 0, 0], sizes = [1, 16, 112], strides = [1, 1, 1]} : vector<7x16x112xi16> to vector<1x16x112xi16>
    %slice3A_340 = vector.extract_strided_slice %add3A_338 {offsets = [1, 0, 0], sizes = [1, 16, 112], strides = [1, 1, 1]} : vector<7x16x112xi16> to vector<1x16x112xi16>
    %add3A_341 = arith.addi %slice3A_339, %slice3A_340 : vector<1x16x112xi16>
    %slice3A_342 = vector.extract_strided_slice %add3A_338 {offsets = [2, 0, 0], sizes = [1, 16, 112], strides = [1, 1, 1]} : vector<7x16x112xi16> to vector<1x16x112xi16>
    %add3A_343 = arith.addi %add3A_341, %slice3A_342 : vector<1x16x112xi16>
    %slice3A_344 = vector.extract_strided_slice %add3A_338 {offsets = [3, 0, 0], sizes = [1, 16, 112], strides = [1, 1, 1]} : vector<7x16x112xi16> to vector<1x16x112xi16>
    %add3A_345 = arith.addi %add3A_343, %slice3A_344 : vector<1x16x112xi16>
    %slice3A_346 = vector.extract_strided_slice %add3A_338 {offsets = [4, 0, 0], sizes = [1, 16, 112], strides = [1, 1, 1]} : vector<7x16x112xi16> to vector<1x16x112xi16>
    %add3A_347 = arith.addi %add3A_345, %slice3A_346 : vector<1x16x112xi16>
    %slice3A_348 = vector.extract_strided_slice %add3A_338 {offsets = [5, 0, 0], sizes = [1, 16, 112], strides = [1, 1, 1]} : vector<7x16x112xi16> to vector<1x16x112xi16>
    %add3A_349 = arith.addi %add3A_347, %slice3A_348 : vector<1x16x112xi16>
    %slice3A_350 = vector.extract_strided_slice %add3A_338 {offsets = [6, 0, 0], sizes = [1, 16, 112], strides = [1, 1, 1]} : vector<7x16x112xi16> to vector<1x16x112xi16>
    %add3A_351 = arith.addi %add3A_349, %slice3A_350 : vector<1x16x112xi16>
    %squeeze3A_352 = vector.shape_cast %add3A_351 : vector<1x16x112xi16> to vector<16x112xi16>
    %convert_element_type3A_353 = arith.extsi %squeeze3A_352 : vector<16x112xi16> to vector<16x112xi32>
    %reduce_sum3A_354 = vector.shape_cast %convert_element_type3A_353 : vector<16x112xi32> to vector<1x16x112xi32>
    %reduce_sum3A_355 = arith.constant dense<0> : vector<1xi32>
    %reduce_sum3A_356 = vector.multi_reduction <add>, %reduce_sum3A_354, %reduce_sum3A_355 [1, 2] : vector<1x16x112xi32> to vector<1xi32>
    %reduce_sum3A_357 = vector.shape_cast %reduce_sum3A_356 : vector<1xi32> to vector<1x1x1xi32>
    %reduce_sum3A_358 = vector.extract %reduce_sum3A_357[0, 0, 0] : i32 from vector<1x1x1xi32>
    %ge3A_359 = arith.constant 64 : i32
    %ge3A_360 = arith.cmpi sge, %reduce_sum3A_358, %ge3A_359 : i32
    %select_n3A_361 = arith.select %ge3A_360, %or3A_312, %select_n3A_310 : i32
    %or3A_362 = arith.constant 256 : i32
    %or3A_363 = arith.ori %select_n3A_361, %or3A_362 : i32
    %broadcast_in_dim3A_364 = vector.broadcast %or3A_363 : i32 to vector<1x16x112xi32>
    %convert_element_type3A_365 = arith.trunci %broadcast_in_dim3A_364 : vector<1x16x112xi32> to vector<1x16x112xi16>
    %ge3A_366 = vector.broadcast %convert_element_type3A_365 : vector<1x16x112xi16> to vector<336x16x112xi16>
    %ge3A_367 = arith.cmpi sge, %reshape3A, %ge3A_366 : vector<336x16x112xi16>
    %jit3A_368 = arith.constant 1 : i16
    %jit3A_369 = arith.constant 0 : i16
    %broadcast_in_dim3A_370 = vector.broadcast %jit3A_368 : i16 to vector<336x16x112xi16>
    %broadcast_in_dim3A_371 = vector.broadcast %jit3A_369 : i16 to vector<336x16x112xi16>
    %select_n3A_372 = arith.select %ge3A_367, %broadcast_in_dim3A_370, %broadcast_in_dim3A_371 : vector<336x16x112xi1>, vector<336x16x112xi16>
    %slice3A_373 = vector.extract_strided_slice %select_n3A_372 {offsets = [0, 0, 0], sizes = [168, 16, 112], strides = [1, 1, 1]} : vector<336x16x112xi16> to vector<168x16x112xi16>
    %slice3A_374 = vector.extract_strided_slice %select_n3A_372 {offsets = [168, 0, 0], sizes = [168, 16, 112], strides = [1, 1, 1]} : vector<336x16x112xi16> to vector<168x16x112xi16>
    %add3A_375 = arith.addi %slice3A_373, %slice3A_374 : vector<168x16x112xi16>
    %slice3A_376 = vector.extract_strided_slice %add3A_375 {offsets = [0, 0, 0], sizes = [84, 16, 112], strides = [1, 1, 1]} : vector<168x16x112xi16> to vector<84x16x112xi16>
    %slice3A_377 = vector.extract_strided_slice %add3A_375 {offsets = [84, 0, 0], sizes = [84, 16, 112], strides = [1, 1, 1]} : vector<168x16x112xi16> to vector<84x16x112xi16>
    %add3A_378 = arith.addi %slice3A_376, %slice3A_377 : vector<84x16x112xi16>
    %slice3A_379 = vector.extract_strided_slice %add3A_378 {offsets = [0, 0, 0], sizes = [42, 16, 112], strides = [1, 1, 1]} : vector<84x16x112xi16> to vector<42x16x112xi16>
    %slice3A_380 = vector.extract_strided_slice %add3A_378 {offsets = [42, 0, 0], sizes = [42, 16, 112], strides = [1, 1, 1]} : vector<84x16x112xi16> to vector<42x16x112xi16>
    %add3A_381 = arith.addi %slice3A_379, %slice3A_380 : vector<42x16x112xi16>
    %slice3A_382 = vector.extract_strided_slice %add3A_381 {offsets = [0, 0, 0], sizes = [21, 16, 112], strides = [1, 1, 1]} : vector<42x16x112xi16> to vector<21x16x112xi16>
    %slice3A_383 = vector.extract_strided_slice %add3A_381 {offsets = [21, 0, 0], sizes = [21, 16, 112], strides = [1, 1, 1]} : vector<42x16x112xi16> to vector<21x16x112xi16>
    %add3A_384 = arith.addi %slice3A_382, %slice3A_383 : vector<21x16x112xi16>
    %slice3A_385 = vector.extract_strided_slice %add3A_384 {offsets = [0, 0, 0], sizes = [7, 16, 112], strides = [1, 1, 1]} : vector<21x16x112xi16> to vector<7x16x112xi16>
    %slice3A_386 = vector.extract_strided_slice %add3A_384 {offsets = [7, 0, 0], sizes = [7, 16, 112], strides = [1, 1, 1]} : vector<21x16x112xi16> to vector<7x16x112xi16>
    %add3A_387 = arith.addi %slice3A_385, %slice3A_386 : vector<7x16x112xi16>
    %slice3A_388 = vector.extract_strided_slice %add3A_384 {offsets = [14, 0, 0], sizes = [7, 16, 112], strides = [1, 1, 1]} : vector<21x16x112xi16> to vector<7x16x112xi16>
    %add3A_389 = arith.addi %add3A_387, %slice3A_388 : vector<7x16x112xi16>
    %slice3A_390 = vector.extract_strided_slice %add3A_389 {offsets = [0, 0, 0], sizes = [1, 16, 112], strides = [1, 1, 1]} : vector<7x16x112xi16> to vector<1x16x112xi16>
    %slice3A_391 = vector.extract_strided_slice %add3A_389 {offsets = [1, 0, 0], sizes = [1, 16, 112], strides = [1, 1, 1]} : vector<7x16x112xi16> to vector<1x16x112xi16>
    %add3A_392 = arith.addi %slice3A_390, %slice3A_391 : vector<1x16x112xi16>
    %slice3A_393 = vector.extract_strided_slice %add3A_389 {offsets = [2, 0, 0], sizes = [1, 16, 112], strides = [1, 1, 1]} : vector<7x16x112xi16> to vector<1x16x112xi16>
    %add3A_394 = arith.addi %add3A_392, %slice3A_393 : vector<1x16x112xi16>
    %slice3A_395 = vector.extract_strided_slice %add3A_389 {offsets = [3, 0, 0], sizes = [1, 16, 112], strides = [1, 1, 1]} : vector<7x16x112xi16> to vector<1x16x112xi16>
    %add3A_396 = arith.addi %add3A_394, %slice3A_395 : vector<1x16x112xi16>
    %slice3A_397 = vector.extract_strided_slice %add3A_389 {offsets = [4, 0, 0], sizes = [1, 16, 112], strides = [1, 1, 1]} : vector<7x16x112xi16> to vector<1x16x112xi16>
    %add3A_398 = arith.addi %add3A_396, %slice3A_397 : vector<1x16x112xi16>
    %slice3A_399 = vector.extract_strided_slice %add3A_389 {offsets = [5, 0, 0], sizes = [1, 16, 112], strides = [1, 1, 1]} : vector<7x16x112xi16> to vector<1x16x112xi16>
    %add3A_400 = arith.addi %add3A_398, %slice3A_399 : vector<1x16x112xi16>
    %slice3A_401 = vector.extract_strided_slice %add3A_389 {offsets = [6, 0, 0], sizes = [1, 16, 112], strides = [1, 1, 1]} : vector<7x16x112xi16> to vector<1x16x112xi16>
    %add3A_402 = arith.addi %add3A_400, %slice3A_401 : vector<1x16x112xi16>
    %squeeze3A_403 = vector.shape_cast %add3A_402 : vector<1x16x112xi16> to vector<16x112xi16>
    %convert_element_type3A_404 = arith.extsi %squeeze3A_403 : vector<16x112xi16> to vector<16x112xi32>
    %reduce_sum3A_405 = vector.shape_cast %convert_element_type3A_404 : vector<16x112xi32> to vector<1x16x112xi32>
    %reduce_sum3A_406 = arith.constant dense<0> : vector<1xi32>
    %reduce_sum3A_407 = vector.multi_reduction <add>, %reduce_sum3A_405, %reduce_sum3A_406 [1, 2] : vector<1x16x112xi32> to vector<1xi32>
    %reduce_sum3A_408 = vector.shape_cast %reduce_sum3A_407 : vector<1xi32> to vector<1x1x1xi32>
    %reduce_sum3A_409 = vector.extract %reduce_sum3A_408[0, 0, 0] : i32 from vector<1x1x1xi32>
    %ge3A_410 = arith.constant 64 : i32
    %ge3A_411 = arith.cmpi sge, %reduce_sum3A_409, %ge3A_410 : i32
    %select_n3A_412 = arith.select %ge3A_411, %or3A_363, %select_n3A_361 : i32
    %or3A_413 = arith.constant 128 : i32
    %or3A_414 = arith.ori %select_n3A_412, %or3A_413 : i32
    %broadcast_in_dim3A_415 = vector.broadcast %or3A_414 : i32 to vector<1x16x112xi32>
    %convert_element_type3A_416 = arith.trunci %broadcast_in_dim3A_415 : vector<1x16x112xi32> to vector<1x16x112xi16>
    %ge3A_417 = vector.broadcast %convert_element_type3A_416 : vector<1x16x112xi16> to vector<336x16x112xi16>
    %ge3A_418 = arith.cmpi sge, %reshape3A, %ge3A_417 : vector<336x16x112xi16>
    %jit3A_419 = arith.constant 1 : i16
    %jit3A_420 = arith.constant 0 : i16
    %broadcast_in_dim3A_421 = vector.broadcast %jit3A_419 : i16 to vector<336x16x112xi16>
    %broadcast_in_dim3A_422 = vector.broadcast %jit3A_420 : i16 to vector<336x16x112xi16>
    %select_n3A_423 = arith.select %ge3A_418, %broadcast_in_dim3A_421, %broadcast_in_dim3A_422 : vector<336x16x112xi1>, vector<336x16x112xi16>
    %slice3A_424 = vector.extract_strided_slice %select_n3A_423 {offsets = [0, 0, 0], sizes = [168, 16, 112], strides = [1, 1, 1]} : vector<336x16x112xi16> to vector<168x16x112xi16>
    %slice3A_425 = vector.extract_strided_slice %select_n3A_423 {offsets = [168, 0, 0], sizes = [168, 16, 112], strides = [1, 1, 1]} : vector<336x16x112xi16> to vector<168x16x112xi16>
    %add3A_426 = arith.addi %slice3A_424, %slice3A_425 : vector<168x16x112xi16>
    %slice3A_427 = vector.extract_strided_slice %add3A_426 {offsets = [0, 0, 0], sizes = [84, 16, 112], strides = [1, 1, 1]} : vector<168x16x112xi16> to vector<84x16x112xi16>
    %slice3A_428 = vector.extract_strided_slice %add3A_426 {offsets = [84, 0, 0], sizes = [84, 16, 112], strides = [1, 1, 1]} : vector<168x16x112xi16> to vector<84x16x112xi16>
    %add3A_429 = arith.addi %slice3A_427, %slice3A_428 : vector<84x16x112xi16>
    %slice3A_430 = vector.extract_strided_slice %add3A_429 {offsets = [0, 0, 0], sizes = [42, 16, 112], strides = [1, 1, 1]} : vector<84x16x112xi16> to vector<42x16x112xi16>
    %slice3A_431 = vector.extract_strided_slice %add3A_429 {offsets = [42, 0, 0], sizes = [42, 16, 112], strides = [1, 1, 1]} : vector<84x16x112xi16> to vector<42x16x112xi16>
    %add3A_432 = arith.addi %slice3A_430, %slice3A_431 : vector<42x16x112xi16>
    %slice3A_433 = vector.extract_strided_slice %add3A_432 {offsets = [0, 0, 0], sizes = [21, 16, 112], strides = [1, 1, 1]} : vector<42x16x112xi16> to vector<21x16x112xi16>
    %slice3A_434 = vector.extract_strided_slice %add3A_432 {offsets = [21, 0, 0], sizes = [21, 16, 112], strides = [1, 1, 1]} : vector<42x16x112xi16> to vector<21x16x112xi16>
    %add3A_435 = arith.addi %slice3A_433, %slice3A_434 : vector<21x16x112xi16>
    %slice3A_436 = vector.extract_strided_slice %add3A_435 {offsets = [0, 0, 0], sizes = [7, 16, 112], strides = [1, 1, 1]} : vector<21x16x112xi16> to vector<7x16x112xi16>
    %slice3A_437 = vector.extract_strided_slice %add3A_435 {offsets = [7, 0, 0], sizes = [7, 16, 112], strides = [1, 1, 1]} : vector<21x16x112xi16> to vector<7x16x112xi16>
    %add3A_438 = arith.addi %slice3A_436, %slice3A_437 : vector<7x16x112xi16>
    %slice3A_439 = vector.extract_strided_slice %add3A_435 {offsets = [14, 0, 0], sizes = [7, 16, 112], strides = [1, 1, 1]} : vector<21x16x112xi16> to vector<7x16x112xi16>
    %add3A_440 = arith.addi %add3A_438, %slice3A_439 : vector<7x16x112xi16>
    %slice3A_441 = vector.extract_strided_slice %add3A_440 {offsets = [0, 0, 0], sizes = [1, 16, 112], strides = [1, 1, 1]} : vector<7x16x112xi16> to vector<1x16x112xi16>
    %slice3A_442 = vector.extract_strided_slice %add3A_440 {offsets = [1, 0, 0], sizes = [1, 16, 112], strides = [1, 1, 1]} : vector<7x16x112xi16> to vector<1x16x112xi16>
    %add3A_443 = arith.addi %slice3A_441, %slice3A_442 : vector<1x16x112xi16>
    %slice3A_444 = vector.extract_strided_slice %add3A_440 {offsets = [2, 0, 0], sizes = [1, 16, 112], strides = [1, 1, 1]} : vector<7x16x112xi16> to vector<1x16x112xi16>
    %add3A_445 = arith.addi %add3A_443, %slice3A_444 : vector<1x16x112xi16>
    %slice3A_446 = vector.extract_strided_slice %add3A_440 {offsets = [3, 0, 0], sizes = [1, 16, 112], strides = [1, 1, 1]} : vector<7x16x112xi16> to vector<1x16x112xi16>
    %add3A_447 = arith.addi %add3A_445, %slice3A_446 : vector<1x16x112xi16>
    %slice3A_448 = vector.extract_strided_slice %add3A_440 {offsets = [4, 0, 0], sizes = [1, 16, 112], strides = [1, 1, 1]} : vector<7x16x112xi16> to vector<1x16x112xi16>
    %add3A_449 = arith.addi %add3A_447, %slice3A_448 : vector<1x16x112xi16>
    %slice3A_450 = vector.extract_strided_slice %add3A_440 {offsets = [5, 0, 0], sizes = [1, 16, 112], strides = [1, 1, 1]} : vector<7x16x112xi16> to vector<1x16x112xi16>
    %add3A_451 = arith.addi %add3A_449, %slice3A_450 : vector<1x16x112xi16>
    %slice3A_452 = vector.extract_strided_slice %add3A_440 {offsets = [6, 0, 0], sizes = [1, 16, 112], strides = [1, 1, 1]} : vector<7x16x112xi16> to vector<1x16x112xi16>
    %add3A_453 = arith.addi %add3A_451, %slice3A_452 : vector<1x16x112xi16>
    %squeeze3A_454 = vector.shape_cast %add3A_453 : vector<1x16x112xi16> to vector<16x112xi16>
    %convert_element_type3A_455 = arith.extsi %squeeze3A_454 : vector<16x112xi16> to vector<16x112xi32>
    %reduce_sum3A_456 = vector.shape_cast %convert_element_type3A_455 : vector<16x112xi32> to vector<1x16x112xi32>
    %reduce_sum3A_457 = arith.constant dense<0> : vector<1xi32>
    %reduce_sum3A_458 = vector.multi_reduction <add>, %reduce_sum3A_456, %reduce_sum3A_457 [1, 2] : vector<1x16x112xi32> to vector<1xi32>
    %reduce_sum3A_459 = vector.shape_cast %reduce_sum3A_458 : vector<1xi32> to vector<1x1x1xi32>
    %reduce_sum3A_460 = vector.extract %reduce_sum3A_459[0, 0, 0] : i32 from vector<1x1x1xi32>
    %ge3A_461 = arith.constant 64 : i32
    %ge3A_462 = arith.cmpi sge, %reduce_sum3A_460, %ge3A_461 : i32
    %select_n3A_463 = arith.select %ge3A_462, %or3A_414, %select_n3A_412 : i32
    %or3A_464 = arith.constant 64 : i32
    %or3A_465 = arith.ori %select_n3A_463, %or3A_464 : i32
    %broadcast_in_dim3A_466 = vector.broadcast %or3A_465 : i32 to vector<1x16x112xi32>
    %convert_element_type3A_467 = arith.trunci %broadcast_in_dim3A_466 : vector<1x16x112xi32> to vector<1x16x112xi16>
    %ge3A_468 = vector.broadcast %convert_element_type3A_467 : vector<1x16x112xi16> to vector<336x16x112xi16>
    %ge3A_469 = arith.cmpi sge, %reshape3A, %ge3A_468 : vector<336x16x112xi16>
    %jit3A_470 = arith.constant 1 : i16
    %jit3A_471 = arith.constant 0 : i16
    %broadcast_in_dim3A_472 = vector.broadcast %jit3A_470 : i16 to vector<336x16x112xi16>
    %broadcast_in_dim3A_473 = vector.broadcast %jit3A_471 : i16 to vector<336x16x112xi16>
    %select_n3A_474 = arith.select %ge3A_469, %broadcast_in_dim3A_472, %broadcast_in_dim3A_473 : vector<336x16x112xi1>, vector<336x16x112xi16>
    %slice3A_475 = vector.extract_strided_slice %select_n3A_474 {offsets = [0, 0, 0], sizes = [168, 16, 112], strides = [1, 1, 1]} : vector<336x16x112xi16> to vector<168x16x112xi16>
    %slice3A_476 = vector.extract_strided_slice %select_n3A_474 {offsets = [168, 0, 0], sizes = [168, 16, 112], strides = [1, 1, 1]} : vector<336x16x112xi16> to vector<168x16x112xi16>
    %add3A_477 = arith.addi %slice3A_475, %slice3A_476 : vector<168x16x112xi16>
    %slice3A_478 = vector.extract_strided_slice %add3A_477 {offsets = [0, 0, 0], sizes = [84, 16, 112], strides = [1, 1, 1]} : vector<168x16x112xi16> to vector<84x16x112xi16>
    %slice3A_479 = vector.extract_strided_slice %add3A_477 {offsets = [84, 0, 0], sizes = [84, 16, 112], strides = [1, 1, 1]} : vector<168x16x112xi16> to vector<84x16x112xi16>
    %add3A_480 = arith.addi %slice3A_478, %slice3A_479 : vector<84x16x112xi16>
    %slice3A_481 = vector.extract_strided_slice %add3A_480 {offsets = [0, 0, 0], sizes = [42, 16, 112], strides = [1, 1, 1]} : vector<84x16x112xi16> to vector<42x16x112xi16>
    %slice3A_482 = vector.extract_strided_slice %add3A_480 {offsets = [42, 0, 0], sizes = [42, 16, 112], strides = [1, 1, 1]} : vector<84x16x112xi16> to vector<42x16x112xi16>
    %add3A_483 = arith.addi %slice3A_481, %slice3A_482 : vector<42x16x112xi16>
    %slice3A_484 = vector.extract_strided_slice %add3A_483 {offsets = [0, 0, 0], sizes = [21, 16, 112], strides = [1, 1, 1]} : vector<42x16x112xi16> to vector<21x16x112xi16>
    %slice3A_485 = vector.extract_strided_slice %add3A_483 {offsets = [21, 0, 0], sizes = [21, 16, 112], strides = [1, 1, 1]} : vector<42x16x112xi16> to vector<21x16x112xi16>
    %add3A_486 = arith.addi %slice3A_484, %slice3A_485 : vector<21x16x112xi16>
    %slice3A_487 = vector.extract_strided_slice %add3A_486 {offsets = [0, 0, 0], sizes = [7, 16, 112], strides = [1, 1, 1]} : vector<21x16x112xi16> to vector<7x16x112xi16>
    %slice3A_488 = vector.extract_strided_slice %add3A_486 {offsets = [7, 0, 0], sizes = [7, 16, 112], strides = [1, 1, 1]} : vector<21x16x112xi16> to vector<7x16x112xi16>
    %add3A_489 = arith.addi %slice3A_487, %slice3A_488 : vector<7x16x112xi16>
    %slice3A_490 = vector.extract_strided_slice %add3A_486 {offsets = [14, 0, 0], sizes = [7, 16, 112], strides = [1, 1, 1]} : vector<21x16x112xi16> to vector<7x16x112xi16>
    %add3A_491 = arith.addi %add3A_489, %slice3A_490 : vector<7x16x112xi16>
    %slice3A_492 = vector.extract_strided_slice %add3A_491 {offsets = [0, 0, 0], sizes = [1, 16, 112], strides = [1, 1, 1]} : vector<7x16x112xi16> to vector<1x16x112xi16>
    %slice3A_493 = vector.extract_strided_slice %add3A_491 {offsets = [1, 0, 0], sizes = [1, 16, 112], strides = [1, 1, 1]} : vector<7x16x112xi16> to vector<1x16x112xi16>
    %add3A_494 = arith.addi %slice3A_492, %slice3A_493 : vector<1x16x112xi16>
    %slice3A_495 = vector.extract_strided_slice %add3A_491 {offsets = [2, 0, 0], sizes = [1, 16, 112], strides = [1, 1, 1]} : vector<7x16x112xi16> to vector<1x16x112xi16>
    %add3A_496 = arith.addi %add3A_494, %slice3A_495 : vector<1x16x112xi16>
    %slice3A_497 = vector.extract_strided_slice %add3A_491 {offsets = [3, 0, 0], sizes = [1, 16, 112], strides = [1, 1, 1]} : vector<7x16x112xi16> to vector<1x16x112xi16>
    %add3A_498 = arith.addi %add3A_496, %slice3A_497 : vector<1x16x112xi16>
    %slice3A_499 = vector.extract_strided_slice %add3A_491 {offsets = [4, 0, 0], sizes = [1, 16, 112], strides = [1, 1, 1]} : vector<7x16x112xi16> to vector<1x16x112xi16>
    %add3A_500 = arith.addi %add3A_498, %slice3A_499 : vector<1x16x112xi16>
    %slice3A_501 = vector.extract_strided_slice %add3A_491 {offsets = [5, 0, 0], sizes = [1, 16, 112], strides = [1, 1, 1]} : vector<7x16x112xi16> to vector<1x16x112xi16>
    %add3A_502 = arith.addi %add3A_500, %slice3A_501 : vector<1x16x112xi16>
    %slice3A_503 = vector.extract_strided_slice %add3A_491 {offsets = [6, 0, 0], sizes = [1, 16, 112], strides = [1, 1, 1]} : vector<7x16x112xi16> to vector<1x16x112xi16>
    %add3A_504 = arith.addi %add3A_502, %slice3A_503 : vector<1x16x112xi16>
    %squeeze3A_505 = vector.shape_cast %add3A_504 : vector<1x16x112xi16> to vector<16x112xi16>
    %convert_element_type3A_506 = arith.extsi %squeeze3A_505 : vector<16x112xi16> to vector<16x112xi32>
    %reduce_sum3A_507 = vector.shape_cast %convert_element_type3A_506 : vector<16x112xi32> to vector<1x16x112xi32>
    %reduce_sum3A_508 = arith.constant dense<0> : vector<1xi32>
    %reduce_sum3A_509 = vector.multi_reduction <add>, %reduce_sum3A_507, %reduce_sum3A_508 [1, 2] : vector<1x16x112xi32> to vector<1xi32>
    %reduce_sum3A_510 = vector.shape_cast %reduce_sum3A_509 : vector<1xi32> to vector<1x1x1xi32>
    %reduce_sum3A_511 = vector.extract %reduce_sum3A_510[0, 0, 0] : i32 from vector<1x1x1xi32>
    %ge3A_512 = arith.constant 64 : i32
    %ge3A_513 = arith.cmpi sge, %reduce_sum3A_511, %ge3A_512 : i32
    %select_n3A_514 = arith.select %ge3A_513, %or3A_465, %select_n3A_463 : i32
    %or3A_515 = arith.constant 32 : i32
    %or3A_516 = arith.ori %select_n3A_514, %or3A_515 : i32
    %broadcast_in_dim3A_517 = vector.broadcast %or3A_516 : i32 to vector<1x16x112xi32>
    %convert_element_type3A_518 = arith.trunci %broadcast_in_dim3A_517 : vector<1x16x112xi32> to vector<1x16x112xi16>
    %ge3A_519 = vector.broadcast %convert_element_type3A_518 : vector<1x16x112xi16> to vector<336x16x112xi16>
    %ge3A_520 = arith.cmpi sge, %reshape3A, %ge3A_519 : vector<336x16x112xi16>
    %jit3A_521 = arith.constant 1 : i16
    %jit3A_522 = arith.constant 0 : i16
    %broadcast_in_dim3A_523 = vector.broadcast %jit3A_521 : i16 to vector<336x16x112xi16>
    %broadcast_in_dim3A_524 = vector.broadcast %jit3A_522 : i16 to vector<336x16x112xi16>
    %select_n3A_525 = arith.select %ge3A_520, %broadcast_in_dim3A_523, %broadcast_in_dim3A_524 : vector<336x16x112xi1>, vector<336x16x112xi16>
    %slice3A_526 = vector.extract_strided_slice %select_n3A_525 {offsets = [0, 0, 0], sizes = [168, 16, 112], strides = [1, 1, 1]} : vector<336x16x112xi16> to vector<168x16x112xi16>
    %slice3A_527 = vector.extract_strided_slice %select_n3A_525 {offsets = [168, 0, 0], sizes = [168, 16, 112], strides = [1, 1, 1]} : vector<336x16x112xi16> to vector<168x16x112xi16>
    %add3A_528 = arith.addi %slice3A_526, %slice3A_527 : vector<168x16x112xi16>
    %slice3A_529 = vector.extract_strided_slice %add3A_528 {offsets = [0, 0, 0], sizes = [84, 16, 112], strides = [1, 1, 1]} : vector<168x16x112xi16> to vector<84x16x112xi16>
    %slice3A_530 = vector.extract_strided_slice %add3A_528 {offsets = [84, 0, 0], sizes = [84, 16, 112], strides = [1, 1, 1]} : vector<168x16x112xi16> to vector<84x16x112xi16>
    %add3A_531 = arith.addi %slice3A_529, %slice3A_530 : vector<84x16x112xi16>
    %slice3A_532 = vector.extract_strided_slice %add3A_531 {offsets = [0, 0, 0], sizes = [42, 16, 112], strides = [1, 1, 1]} : vector<84x16x112xi16> to vector<42x16x112xi16>
    %slice3A_533 = vector.extract_strided_slice %add3A_531 {offsets = [42, 0, 0], sizes = [42, 16, 112], strides = [1, 1, 1]} : vector<84x16x112xi16> to vector<42x16x112xi16>
    %add3A_534 = arith.addi %slice3A_532, %slice3A_533 : vector<42x16x112xi16>
    %slice3A_535 = vector.extract_strided_slice %add3A_534 {offsets = [0, 0, 0], sizes = [21, 16, 112], strides = [1, 1, 1]} : vector<42x16x112xi16> to vector<21x16x112xi16>
    %slice3A_536 = vector.extract_strided_slice %add3A_534 {offsets = [21, 0, 0], sizes = [21, 16, 112], strides = [1, 1, 1]} : vector<42x16x112xi16> to vector<21x16x112xi16>
    %add3A_537 = arith.addi %slice3A_535, %slice3A_536 : vector<21x16x112xi16>
    %slice3A_538 = vector.extract_strided_slice %add3A_537 {offsets = [0, 0, 0], sizes = [7, 16, 112], strides = [1, 1, 1]} : vector<21x16x112xi16> to vector<7x16x112xi16>
    %slice3A_539 = vector.extract_strided_slice %add3A_537 {offsets = [7, 0, 0], sizes = [7, 16, 112], strides = [1, 1, 1]} : vector<21x16x112xi16> to vector<7x16x112xi16>
    %add3A_540 = arith.addi %slice3A_538, %slice3A_539 : vector<7x16x112xi16>
    %slice3A_541 = vector.extract_strided_slice %add3A_537 {offsets = [14, 0, 0], sizes = [7, 16, 112], strides = [1, 1, 1]} : vector<21x16x112xi16> to vector<7x16x112xi16>
    %add3A_542 = arith.addi %add3A_540, %slice3A_541 : vector<7x16x112xi16>
    %slice3A_543 = vector.extract_strided_slice %add3A_542 {offsets = [0, 0, 0], sizes = [1, 16, 112], strides = [1, 1, 1]} : vector<7x16x112xi16> to vector<1x16x112xi16>
    %slice3A_544 = vector.extract_strided_slice %add3A_542 {offsets = [1, 0, 0], sizes = [1, 16, 112], strides = [1, 1, 1]} : vector<7x16x112xi16> to vector<1x16x112xi16>
    %add3A_545 = arith.addi %slice3A_543, %slice3A_544 : vector<1x16x112xi16>
    %slice3A_546 = vector.extract_strided_slice %add3A_542 {offsets = [2, 0, 0], sizes = [1, 16, 112], strides = [1, 1, 1]} : vector<7x16x112xi16> to vector<1x16x112xi16>
    %add3A_547 = arith.addi %add3A_545, %slice3A_546 : vector<1x16x112xi16>
    %slice3A_548 = vector.extract_strided_slice %add3A_542 {offsets = [3, 0, 0], sizes = [1, 16, 112], strides = [1, 1, 1]} : vector<7x16x112xi16> to vector<1x16x112xi16>
    %add3A_549 = arith.addi %add3A_547, %slice3A_548 : vector<1x16x112xi16>
    %slice3A_550 = vector.extract_strided_slice %add3A_542 {offsets = [4, 0, 0], sizes = [1, 16, 112], strides = [1, 1, 1]} : vector<7x16x112xi16> to vector<1x16x112xi16>
    %add3A_551 = arith.addi %add3A_549, %slice3A_550 : vector<1x16x112xi16>
    %slice3A_552 = vector.extract_strided_slice %add3A_542 {offsets = [5, 0, 0], sizes = [1, 16, 112], strides = [1, 1, 1]} : vector<7x16x112xi16> to vector<1x16x112xi16>
    %add3A_553 = arith.addi %add3A_551, %slice3A_552 : vector<1x16x112xi16>
    %slice3A_554 = vector.extract_strided_slice %add3A_542 {offsets = [6, 0, 0], sizes = [1, 16, 112], strides = [1, 1, 1]} : vector<7x16x112xi16> to vector<1x16x112xi16>
    %add3A_555 = arith.addi %add3A_553, %slice3A_554 : vector<1x16x112xi16>
    %squeeze3A_556 = vector.shape_cast %add3A_555 : vector<1x16x112xi16> to vector<16x112xi16>
    %convert_element_type3A_557 = arith.extsi %squeeze3A_556 : vector<16x112xi16> to vector<16x112xi32>
    %reduce_sum3A_558 = vector.shape_cast %convert_element_type3A_557 : vector<16x112xi32> to vector<1x16x112xi32>
    %reduce_sum3A_559 = arith.constant dense<0> : vector<1xi32>
    %reduce_sum3A_560 = vector.multi_reduction <add>, %reduce_sum3A_558, %reduce_sum3A_559 [1, 2] : vector<1x16x112xi32> to vector<1xi32>
    %reduce_sum3A_561 = vector.shape_cast %reduce_sum3A_560 : vector<1xi32> to vector<1x1x1xi32>
    %reduce_sum3A_562 = vector.extract %reduce_sum3A_561[0, 0, 0] : i32 from vector<1x1x1xi32>
    %ge3A_563 = arith.constant 64 : i32
    %ge3A_564 = arith.cmpi sge, %reduce_sum3A_562, %ge3A_563 : i32
    %select_n3A_565 = arith.select %ge3A_564, %or3A_516, %select_n3A_514 : i32
    %or3A_566 = arith.constant 16 : i32
    %or3A_567 = arith.ori %select_n3A_565, %or3A_566 : i32
    %broadcast_in_dim3A_568 = vector.broadcast %or3A_567 : i32 to vector<1x16x112xi32>
    %convert_element_type3A_569 = arith.trunci %broadcast_in_dim3A_568 : vector<1x16x112xi32> to vector<1x16x112xi16>
    %ge3A_570 = vector.broadcast %convert_element_type3A_569 : vector<1x16x112xi16> to vector<336x16x112xi16>
    %ge3A_571 = arith.cmpi sge, %reshape3A, %ge3A_570 : vector<336x16x112xi16>
    %jit3A_572 = arith.constant 1 : i16
    %jit3A_573 = arith.constant 0 : i16
    %broadcast_in_dim3A_574 = vector.broadcast %jit3A_572 : i16 to vector<336x16x112xi16>
    %broadcast_in_dim3A_575 = vector.broadcast %jit3A_573 : i16 to vector<336x16x112xi16>
    %select_n3A_576 = arith.select %ge3A_571, %broadcast_in_dim3A_574, %broadcast_in_dim3A_575 : vector<336x16x112xi1>, vector<336x16x112xi16>
    %slice3A_577 = vector.extract_strided_slice %select_n3A_576 {offsets = [0, 0, 0], sizes = [168, 16, 112], strides = [1, 1, 1]} : vector<336x16x112xi16> to vector<168x16x112xi16>
    %slice3A_578 = vector.extract_strided_slice %select_n3A_576 {offsets = [168, 0, 0], sizes = [168, 16, 112], strides = [1, 1, 1]} : vector<336x16x112xi16> to vector<168x16x112xi16>
    %add3A_579 = arith.addi %slice3A_577, %slice3A_578 : vector<168x16x112xi16>
    %slice3A_580 = vector.extract_strided_slice %add3A_579 {offsets = [0, 0, 0], sizes = [84, 16, 112], strides = [1, 1, 1]} : vector<168x16x112xi16> to vector<84x16x112xi16>
    %slice3A_581 = vector.extract_strided_slice %add3A_579 {offsets = [84, 0, 0], sizes = [84, 16, 112], strides = [1, 1, 1]} : vector<168x16x112xi16> to vector<84x16x112xi16>
    %add3A_582 = arith.addi %slice3A_580, %slice3A_581 : vector<84x16x112xi16>
    %slice3A_583 = vector.extract_strided_slice %add3A_582 {offsets = [0, 0, 0], sizes = [42, 16, 112], strides = [1, 1, 1]} : vector<84x16x112xi16> to vector<42x16x112xi16>
    %slice3A_584 = vector.extract_strided_slice %add3A_582 {offsets = [42, 0, 0], sizes = [42, 16, 112], strides = [1, 1, 1]} : vector<84x16x112xi16> to vector<42x16x112xi16>
    %add3A_585 = arith.addi %slice3A_583, %slice3A_584 : vector<42x16x112xi16>
    %slice3A_586 = vector.extract_strided_slice %add3A_585 {offsets = [0, 0, 0], sizes = [21, 16, 112], strides = [1, 1, 1]} : vector<42x16x112xi16> to vector<21x16x112xi16>
    %slice3A_587 = vector.extract_strided_slice %add3A_585 {offsets = [21, 0, 0], sizes = [21, 16, 112], strides = [1, 1, 1]} : vector<42x16x112xi16> to vector<21x16x112xi16>
    %add3A_588 = arith.addi %slice3A_586, %slice3A_587 : vector<21x16x112xi16>
    %slice3A_589 = vector.extract_strided_slice %add3A_588 {offsets = [0, 0, 0], sizes = [7, 16, 112], strides = [1, 1, 1]} : vector<21x16x112xi16> to vector<7x16x112xi16>
    %slice3A_590 = vector.extract_strided_slice %add3A_588 {offsets = [7, 0, 0], sizes = [7, 16, 112], strides = [1, 1, 1]} : vector<21x16x112xi16> to vector<7x16x112xi16>
    %add3A_591 = arith.addi %slice3A_589, %slice3A_590 : vector<7x16x112xi16>
    %slice3A_592 = vector.extract_strided_slice %add3A_588 {offsets = [14, 0, 0], sizes = [7, 16, 112], strides = [1, 1, 1]} : vector<21x16x112xi16> to vector<7x16x112xi16>
    %add3A_593 = arith.addi %add3A_591, %slice3A_592 : vector<7x16x112xi16>
    %slice3A_594 = vector.extract_strided_slice %add3A_593 {offsets = [0, 0, 0], sizes = [1, 16, 112], strides = [1, 1, 1]} : vector<7x16x112xi16> to vector<1x16x112xi16>
    %slice3A_595 = vector.extract_strided_slice %add3A_593 {offsets = [1, 0, 0], sizes = [1, 16, 112], strides = [1, 1, 1]} : vector<7x16x112xi16> to vector<1x16x112xi16>
    %add3A_596 = arith.addi %slice3A_594, %slice3A_595 : vector<1x16x112xi16>
    %slice3A_597 = vector.extract_strided_slice %add3A_593 {offsets = [2, 0, 0], sizes = [1, 16, 112], strides = [1, 1, 1]} : vector<7x16x112xi16> to vector<1x16x112xi16>
    %add3A_598 = arith.addi %add3A_596, %slice3A_597 : vector<1x16x112xi16>
    %slice3A_599 = vector.extract_strided_slice %add3A_593 {offsets = [3, 0, 0], sizes = [1, 16, 112], strides = [1, 1, 1]} : vector<7x16x112xi16> to vector<1x16x112xi16>
    %add3A_600 = arith.addi %add3A_598, %slice3A_599 : vector<1x16x112xi16>
    %slice3A_601 = vector.extract_strided_slice %add3A_593 {offsets = [4, 0, 0], sizes = [1, 16, 112], strides = [1, 1, 1]} : vector<7x16x112xi16> to vector<1x16x112xi16>
    %add3A_602 = arith.addi %add3A_600, %slice3A_601 : vector<1x16x112xi16>
    %slice3A_603 = vector.extract_strided_slice %add3A_593 {offsets = [5, 0, 0], sizes = [1, 16, 112], strides = [1, 1, 1]} : vector<7x16x112xi16> to vector<1x16x112xi16>
    %add3A_604 = arith.addi %add3A_602, %slice3A_603 : vector<1x16x112xi16>
    %slice3A_605 = vector.extract_strided_slice %add3A_593 {offsets = [6, 0, 0], sizes = [1, 16, 112], strides = [1, 1, 1]} : vector<7x16x112xi16> to vector<1x16x112xi16>
    %add3A_606 = arith.addi %add3A_604, %slice3A_605 : vector<1x16x112xi16>
    %squeeze3A_607 = vector.shape_cast %add3A_606 : vector<1x16x112xi16> to vector<16x112xi16>
    %convert_element_type3A_608 = arith.extsi %squeeze3A_607 : vector<16x112xi16> to vector<16x112xi32>
    %reduce_sum3A_609 = vector.shape_cast %convert_element_type3A_608 : vector<16x112xi32> to vector<1x16x112xi32>
    %reduce_sum3A_610 = arith.constant dense<0> : vector<1xi32>
    %reduce_sum3A_611 = vector.multi_reduction <add>, %reduce_sum3A_609, %reduce_sum3A_610 [1, 2] : vector<1x16x112xi32> to vector<1xi32>
    %reduce_sum3A_612 = vector.shape_cast %reduce_sum3A_611 : vector<1xi32> to vector<1x1x1xi32>
    %reduce_sum3A_613 = vector.extract %reduce_sum3A_612[0, 0, 0] : i32 from vector<1x1x1xi32>
    %ge3A_614 = arith.constant 64 : i32
    %ge3A_615 = arith.cmpi sge, %reduce_sum3A_613, %ge3A_614 : i32
    %select_n3A_616 = arith.select %ge3A_615, %or3A_567, %select_n3A_565 : i32
    %or3A_617 = arith.constant 8 : i32
    %or3A_618 = arith.ori %select_n3A_616, %or3A_617 : i32
    %broadcast_in_dim3A_619 = vector.broadcast %or3A_618 : i32 to vector<1x16x112xi32>
    %convert_element_type3A_620 = arith.trunci %broadcast_in_dim3A_619 : vector<1x16x112xi32> to vector<1x16x112xi16>
    %ge3A_621 = vector.broadcast %convert_element_type3A_620 : vector<1x16x112xi16> to vector<336x16x112xi16>
    %ge3A_622 = arith.cmpi sge, %reshape3A, %ge3A_621 : vector<336x16x112xi16>
    %jit3A_623 = arith.constant 1 : i16
    %jit3A_624 = arith.constant 0 : i16
    %broadcast_in_dim3A_625 = vector.broadcast %jit3A_623 : i16 to vector<336x16x112xi16>
    %broadcast_in_dim3A_626 = vector.broadcast %jit3A_624 : i16 to vector<336x16x112xi16>
    %select_n3A_627 = arith.select %ge3A_622, %broadcast_in_dim3A_625, %broadcast_in_dim3A_626 : vector<336x16x112xi1>, vector<336x16x112xi16>
    %slice3A_628 = vector.extract_strided_slice %select_n3A_627 {offsets = [0, 0, 0], sizes = [168, 16, 112], strides = [1, 1, 1]} : vector<336x16x112xi16> to vector<168x16x112xi16>
    %slice3A_629 = vector.extract_strided_slice %select_n3A_627 {offsets = [168, 0, 0], sizes = [168, 16, 112], strides = [1, 1, 1]} : vector<336x16x112xi16> to vector<168x16x112xi16>
    %add3A_630 = arith.addi %slice3A_628, %slice3A_629 : vector<168x16x112xi16>
    %slice3A_631 = vector.extract_strided_slice %add3A_630 {offsets = [0, 0, 0], sizes = [84, 16, 112], strides = [1, 1, 1]} : vector<168x16x112xi16> to vector<84x16x112xi16>
    %slice3A_632 = vector.extract_strided_slice %add3A_630 {offsets = [84, 0, 0], sizes = [84, 16, 112], strides = [1, 1, 1]} : vector<168x16x112xi16> to vector<84x16x112xi16>
    %add3A_633 = arith.addi %slice3A_631, %slice3A_632 : vector<84x16x112xi16>
    %slice3A_634 = vector.extract_strided_slice %add3A_633 {offsets = [0, 0, 0], sizes = [42, 16, 112], strides = [1, 1, 1]} : vector<84x16x112xi16> to vector<42x16x112xi16>
    %slice3A_635 = vector.extract_strided_slice %add3A_633 {offsets = [42, 0, 0], sizes = [42, 16, 112], strides = [1, 1, 1]} : vector<84x16x112xi16> to vector<42x16x112xi16>
    %add3A_636 = arith.addi %slice3A_634, %slice3A_635 : vector<42x16x112xi16>
    %slice3A_637 = vector.extract_strided_slice %add3A_636 {offsets = [0, 0, 0], sizes = [21, 16, 112], strides = [1, 1, 1]} : vector<42x16x112xi16> to vector<21x16x112xi16>
    %slice3A_638 = vector.extract_strided_slice %add3A_636 {offsets = [21, 0, 0], sizes = [21, 16, 112], strides = [1, 1, 1]} : vector<42x16x112xi16> to vector<21x16x112xi16>
    %add3A_639 = arith.addi %slice3A_637, %slice3A_638 : vector<21x16x112xi16>
    %slice3A_640 = vector.extract_strided_slice %add3A_639 {offsets = [0, 0, 0], sizes = [7, 16, 112], strides = [1, 1, 1]} : vector<21x16x112xi16> to vector<7x16x112xi16>
    %slice3A_641 = vector.extract_strided_slice %add3A_639 {offsets = [7, 0, 0], sizes = [7, 16, 112], strides = [1, 1, 1]} : vector<21x16x112xi16> to vector<7x16x112xi16>
    %add3A_642 = arith.addi %slice3A_640, %slice3A_641 : vector<7x16x112xi16>
    %slice3A_643 = vector.extract_strided_slice %add3A_639 {offsets = [14, 0, 0], sizes = [7, 16, 112], strides = [1, 1, 1]} : vector<21x16x112xi16> to vector<7x16x112xi16>
    %add3A_644 = arith.addi %add3A_642, %slice3A_643 : vector<7x16x112xi16>
    %slice3A_645 = vector.extract_strided_slice %add3A_644 {offsets = [0, 0, 0], sizes = [1, 16, 112], strides = [1, 1, 1]} : vector<7x16x112xi16> to vector<1x16x112xi16>
    %slice3A_646 = vector.extract_strided_slice %add3A_644 {offsets = [1, 0, 0], sizes = [1, 16, 112], strides = [1, 1, 1]} : vector<7x16x112xi16> to vector<1x16x112xi16>
    %add3A_647 = arith.addi %slice3A_645, %slice3A_646 : vector<1x16x112xi16>
    %slice3A_648 = vector.extract_strided_slice %add3A_644 {offsets = [2, 0, 0], sizes = [1, 16, 112], strides = [1, 1, 1]} : vector<7x16x112xi16> to vector<1x16x112xi16>
    %add3A_649 = arith.addi %add3A_647, %slice3A_648 : vector<1x16x112xi16>
    %slice3A_650 = vector.extract_strided_slice %add3A_644 {offsets = [3, 0, 0], sizes = [1, 16, 112], strides = [1, 1, 1]} : vector<7x16x112xi16> to vector<1x16x112xi16>
    %add3A_651 = arith.addi %add3A_649, %slice3A_650 : vector<1x16x112xi16>
    %slice3A_652 = vector.extract_strided_slice %add3A_644 {offsets = [4, 0, 0], sizes = [1, 16, 112], strides = [1, 1, 1]} : vector<7x16x112xi16> to vector<1x16x112xi16>
    %add3A_653 = arith.addi %add3A_651, %slice3A_652 : vector<1x16x112xi16>
    %slice3A_654 = vector.extract_strided_slice %add3A_644 {offsets = [5, 0, 0], sizes = [1, 16, 112], strides = [1, 1, 1]} : vector<7x16x112xi16> to vector<1x16x112xi16>
    %add3A_655 = arith.addi %add3A_653, %slice3A_654 : vector<1x16x112xi16>
    %slice3A_656 = vector.extract_strided_slice %add3A_644 {offsets = [6, 0, 0], sizes = [1, 16, 112], strides = [1, 1, 1]} : vector<7x16x112xi16> to vector<1x16x112xi16>
    %add3A_657 = arith.addi %add3A_655, %slice3A_656 : vector<1x16x112xi16>
    %squeeze3A_658 = vector.shape_cast %add3A_657 : vector<1x16x112xi16> to vector<16x112xi16>
    %convert_element_type3A_659 = arith.extsi %squeeze3A_658 : vector<16x112xi16> to vector<16x112xi32>
    %reduce_sum3A_660 = vector.shape_cast %convert_element_type3A_659 : vector<16x112xi32> to vector<1x16x112xi32>
    %reduce_sum3A_661 = arith.constant dense<0> : vector<1xi32>
    %reduce_sum3A_662 = vector.multi_reduction <add>, %reduce_sum3A_660, %reduce_sum3A_661 [1, 2] : vector<1x16x112xi32> to vector<1xi32>
    %reduce_sum3A_663 = vector.shape_cast %reduce_sum3A_662 : vector<1xi32> to vector<1x1x1xi32>
    %reduce_sum3A_664 = vector.extract %reduce_sum3A_663[0, 0, 0] : i32 from vector<1x1x1xi32>
    %ge3A_665 = arith.constant 64 : i32
    %ge3A_666 = arith.cmpi sge, %reduce_sum3A_664, %ge3A_665 : i32
    %select_n3A_667 = arith.select %ge3A_666, %or3A_618, %select_n3A_616 : i32
    %or3A_668 = arith.constant 4 : i32
    %or3A_669 = arith.ori %select_n3A_667, %or3A_668 : i32
    %broadcast_in_dim3A_670 = vector.broadcast %or3A_669 : i32 to vector<1x16x112xi32>
    %convert_element_type3A_671 = arith.trunci %broadcast_in_dim3A_670 : vector<1x16x112xi32> to vector<1x16x112xi16>
    %ge3A_672 = vector.broadcast %convert_element_type3A_671 : vector<1x16x112xi16> to vector<336x16x112xi16>
    %ge3A_673 = arith.cmpi sge, %reshape3A, %ge3A_672 : vector<336x16x112xi16>
    %jit3A_674 = arith.constant 1 : i16
    %jit3A_675 = arith.constant 0 : i16
    %broadcast_in_dim3A_676 = vector.broadcast %jit3A_674 : i16 to vector<336x16x112xi16>
    %broadcast_in_dim3A_677 = vector.broadcast %jit3A_675 : i16 to vector<336x16x112xi16>
    %select_n3A_678 = arith.select %ge3A_673, %broadcast_in_dim3A_676, %broadcast_in_dim3A_677 : vector<336x16x112xi1>, vector<336x16x112xi16>
    %slice3A_679 = vector.extract_strided_slice %select_n3A_678 {offsets = [0, 0, 0], sizes = [168, 16, 112], strides = [1, 1, 1]} : vector<336x16x112xi16> to vector<168x16x112xi16>
    %slice3A_680 = vector.extract_strided_slice %select_n3A_678 {offsets = [168, 0, 0], sizes = [168, 16, 112], strides = [1, 1, 1]} : vector<336x16x112xi16> to vector<168x16x112xi16>
    %add3A_681 = arith.addi %slice3A_679, %slice3A_680 : vector<168x16x112xi16>
    %slice3A_682 = vector.extract_strided_slice %add3A_681 {offsets = [0, 0, 0], sizes = [84, 16, 112], strides = [1, 1, 1]} : vector<168x16x112xi16> to vector<84x16x112xi16>
    %slice3A_683 = vector.extract_strided_slice %add3A_681 {offsets = [84, 0, 0], sizes = [84, 16, 112], strides = [1, 1, 1]} : vector<168x16x112xi16> to vector<84x16x112xi16>
    %add3A_684 = arith.addi %slice3A_682, %slice3A_683 : vector<84x16x112xi16>
    %slice3A_685 = vector.extract_strided_slice %add3A_684 {offsets = [0, 0, 0], sizes = [42, 16, 112], strides = [1, 1, 1]} : vector<84x16x112xi16> to vector<42x16x112xi16>
    %slice3A_686 = vector.extract_strided_slice %add3A_684 {offsets = [42, 0, 0], sizes = [42, 16, 112], strides = [1, 1, 1]} : vector<84x16x112xi16> to vector<42x16x112xi16>
    %add3A_687 = arith.addi %slice3A_685, %slice3A_686 : vector<42x16x112xi16>
    %slice3A_688 = vector.extract_strided_slice %add3A_687 {offsets = [0, 0, 0], sizes = [21, 16, 112], strides = [1, 1, 1]} : vector<42x16x112xi16> to vector<21x16x112xi16>
    %slice3A_689 = vector.extract_strided_slice %add3A_687 {offsets = [21, 0, 0], sizes = [21, 16, 112], strides = [1, 1, 1]} : vector<42x16x112xi16> to vector<21x16x112xi16>
    %add3A_690 = arith.addi %slice3A_688, %slice3A_689 : vector<21x16x112xi16>
    %slice3A_691 = vector.extract_strided_slice %add3A_690 {offsets = [0, 0, 0], sizes = [7, 16, 112], strides = [1, 1, 1]} : vector<21x16x112xi16> to vector<7x16x112xi16>
    %slice3A_692 = vector.extract_strided_slice %add3A_690 {offsets = [7, 0, 0], sizes = [7, 16, 112], strides = [1, 1, 1]} : vector<21x16x112xi16> to vector<7x16x112xi16>
    %add3A_693 = arith.addi %slice3A_691, %slice3A_692 : vector<7x16x112xi16>
    %slice3A_694 = vector.extract_strided_slice %add3A_690 {offsets = [14, 0, 0], sizes = [7, 16, 112], strides = [1, 1, 1]} : vector<21x16x112xi16> to vector<7x16x112xi16>
    %add3A_695 = arith.addi %add3A_693, %slice3A_694 : vector<7x16x112xi16>
    %slice3A_696 = vector.extract_strided_slice %add3A_695 {offsets = [0, 0, 0], sizes = [1, 16, 112], strides = [1, 1, 1]} : vector<7x16x112xi16> to vector<1x16x112xi16>
    %slice3A_697 = vector.extract_strided_slice %add3A_695 {offsets = [1, 0, 0], sizes = [1, 16, 112], strides = [1, 1, 1]} : vector<7x16x112xi16> to vector<1x16x112xi16>
    %add3A_698 = arith.addi %slice3A_696, %slice3A_697 : vector<1x16x112xi16>
    %slice3A_699 = vector.extract_strided_slice %add3A_695 {offsets = [2, 0, 0], sizes = [1, 16, 112], strides = [1, 1, 1]} : vector<7x16x112xi16> to vector<1x16x112xi16>
    %add3A_700 = arith.addi %add3A_698, %slice3A_699 : vector<1x16x112xi16>
    %slice3A_701 = vector.extract_strided_slice %add3A_695 {offsets = [3, 0, 0], sizes = [1, 16, 112], strides = [1, 1, 1]} : vector<7x16x112xi16> to vector<1x16x112xi16>
    %add3A_702 = arith.addi %add3A_700, %slice3A_701 : vector<1x16x112xi16>
    %slice3A_703 = vector.extract_strided_slice %add3A_695 {offsets = [4, 0, 0], sizes = [1, 16, 112], strides = [1, 1, 1]} : vector<7x16x112xi16> to vector<1x16x112xi16>
    %add3A_704 = arith.addi %add3A_702, %slice3A_703 : vector<1x16x112xi16>
    %slice3A_705 = vector.extract_strided_slice %add3A_695 {offsets = [5, 0, 0], sizes = [1, 16, 112], strides = [1, 1, 1]} : vector<7x16x112xi16> to vector<1x16x112xi16>
    %add3A_706 = arith.addi %add3A_704, %slice3A_705 : vector<1x16x112xi16>
    %slice3A_707 = vector.extract_strided_slice %add3A_695 {offsets = [6, 0, 0], sizes = [1, 16, 112], strides = [1, 1, 1]} : vector<7x16x112xi16> to vector<1x16x112xi16>
    %add3A_708 = arith.addi %add3A_706, %slice3A_707 : vector<1x16x112xi16>
    %squeeze3A_709 = vector.shape_cast %add3A_708 : vector<1x16x112xi16> to vector<16x112xi16>
    %convert_element_type3A_710 = arith.extsi %squeeze3A_709 : vector<16x112xi16> to vector<16x112xi32>
    %reduce_sum3A_711 = vector.shape_cast %convert_element_type3A_710 : vector<16x112xi32> to vector<1x16x112xi32>
    %reduce_sum3A_712 = arith.constant dense<0> : vector<1xi32>
    %reduce_sum3A_713 = vector.multi_reduction <add>, %reduce_sum3A_711, %reduce_sum3A_712 [1, 2] : vector<1x16x112xi32> to vector<1xi32>
    %reduce_sum3A_714 = vector.shape_cast %reduce_sum3A_713 : vector<1xi32> to vector<1x1x1xi32>
    %reduce_sum3A_715 = vector.extract %reduce_sum3A_714[0, 0, 0] : i32 from vector<1x1x1xi32>
    %ge3A_716 = arith.constant 64 : i32
    %ge3A_717 = arith.cmpi sge, %reduce_sum3A_715, %ge3A_716 : i32
    %select_n3A_718 = arith.select %ge3A_717, %or3A_669, %select_n3A_667 : i32
    %or3A_719 = arith.constant 2 : i32
    %or3A_720 = arith.ori %select_n3A_718, %or3A_719 : i32
    %broadcast_in_dim3A_721 = vector.broadcast %or3A_720 : i32 to vector<1x16x112xi32>
    %convert_element_type3A_722 = arith.trunci %broadcast_in_dim3A_721 : vector<1x16x112xi32> to vector<1x16x112xi16>
    %ge3A_723 = vector.broadcast %convert_element_type3A_722 : vector<1x16x112xi16> to vector<336x16x112xi16>
    %ge3A_724 = arith.cmpi sge, %reshape3A, %ge3A_723 : vector<336x16x112xi16>
    %jit3A_725 = arith.constant 1 : i16
    %jit3A_726 = arith.constant 0 : i16
    %broadcast_in_dim3A_727 = vector.broadcast %jit3A_725 : i16 to vector<336x16x112xi16>
    %broadcast_in_dim3A_728 = vector.broadcast %jit3A_726 : i16 to vector<336x16x112xi16>
    %select_n3A_729 = arith.select %ge3A_724, %broadcast_in_dim3A_727, %broadcast_in_dim3A_728 : vector<336x16x112xi1>, vector<336x16x112xi16>
    %slice3A_730 = vector.extract_strided_slice %select_n3A_729 {offsets = [0, 0, 0], sizes = [168, 16, 112], strides = [1, 1, 1]} : vector<336x16x112xi16> to vector<168x16x112xi16>
    %slice3A_731 = vector.extract_strided_slice %select_n3A_729 {offsets = [168, 0, 0], sizes = [168, 16, 112], strides = [1, 1, 1]} : vector<336x16x112xi16> to vector<168x16x112xi16>
    %add3A_732 = arith.addi %slice3A_730, %slice3A_731 : vector<168x16x112xi16>
    %slice3A_733 = vector.extract_strided_slice %add3A_732 {offsets = [0, 0, 0], sizes = [84, 16, 112], strides = [1, 1, 1]} : vector<168x16x112xi16> to vector<84x16x112xi16>
    %slice3A_734 = vector.extract_strided_slice %add3A_732 {offsets = [84, 0, 0], sizes = [84, 16, 112], strides = [1, 1, 1]} : vector<168x16x112xi16> to vector<84x16x112xi16>
    %add3A_735 = arith.addi %slice3A_733, %slice3A_734 : vector<84x16x112xi16>
    %slice3A_736 = vector.extract_strided_slice %add3A_735 {offsets = [0, 0, 0], sizes = [42, 16, 112], strides = [1, 1, 1]} : vector<84x16x112xi16> to vector<42x16x112xi16>
    %slice3A_737 = vector.extract_strided_slice %add3A_735 {offsets = [42, 0, 0], sizes = [42, 16, 112], strides = [1, 1, 1]} : vector<84x16x112xi16> to vector<42x16x112xi16>
    %add3A_738 = arith.addi %slice3A_736, %slice3A_737 : vector<42x16x112xi16>
    %slice3A_739 = vector.extract_strided_slice %add3A_738 {offsets = [0, 0, 0], sizes = [21, 16, 112], strides = [1, 1, 1]} : vector<42x16x112xi16> to vector<21x16x112xi16>
    %slice3A_740 = vector.extract_strided_slice %add3A_738 {offsets = [21, 0, 0], sizes = [21, 16, 112], strides = [1, 1, 1]} : vector<42x16x112xi16> to vector<21x16x112xi16>
    %add3A_741 = arith.addi %slice3A_739, %slice3A_740 : vector<21x16x112xi16>
    %slice3A_742 = vector.extract_strided_slice %add3A_741 {offsets = [0, 0, 0], sizes = [7, 16, 112], strides = [1, 1, 1]} : vector<21x16x112xi16> to vector<7x16x112xi16>
    %slice3A_743 = vector.extract_strided_slice %add3A_741 {offsets = [7, 0, 0], sizes = [7, 16, 112], strides = [1, 1, 1]} : vector<21x16x112xi16> to vector<7x16x112xi16>
    %add3A_744 = arith.addi %slice3A_742, %slice3A_743 : vector<7x16x112xi16>
    %slice3A_745 = vector.extract_strided_slice %add3A_741 {offsets = [14, 0, 0], sizes = [7, 16, 112], strides = [1, 1, 1]} : vector<21x16x112xi16> to vector<7x16x112xi16>
    %add3A_746 = arith.addi %add3A_744, %slice3A_745 : vector<7x16x112xi16>
    %slice3A_747 = vector.extract_strided_slice %add3A_746 {offsets = [0, 0, 0], sizes = [1, 16, 112], strides = [1, 1, 1]} : vector<7x16x112xi16> to vector<1x16x112xi16>
    %slice3A_748 = vector.extract_strided_slice %add3A_746 {offsets = [1, 0, 0], sizes = [1, 16, 112], strides = [1, 1, 1]} : vector<7x16x112xi16> to vector<1x16x112xi16>
    %add3A_749 = arith.addi %slice3A_747, %slice3A_748 : vector<1x16x112xi16>
    %slice3A_750 = vector.extract_strided_slice %add3A_746 {offsets = [2, 0, 0], sizes = [1, 16, 112], strides = [1, 1, 1]} : vector<7x16x112xi16> to vector<1x16x112xi16>
    %add3A_751 = arith.addi %add3A_749, %slice3A_750 : vector<1x16x112xi16>
    %slice3A_752 = vector.extract_strided_slice %add3A_746 {offsets = [3, 0, 0], sizes = [1, 16, 112], strides = [1, 1, 1]} : vector<7x16x112xi16> to vector<1x16x112xi16>
    %add3A_753 = arith.addi %add3A_751, %slice3A_752 : vector<1x16x112xi16>
    %slice3A_754 = vector.extract_strided_slice %add3A_746 {offsets = [4, 0, 0], sizes = [1, 16, 112], strides = [1, 1, 1]} : vector<7x16x112xi16> to vector<1x16x112xi16>
    %add3A_755 = arith.addi %add3A_753, %slice3A_754 : vector<1x16x112xi16>
    %slice3A_756 = vector.extract_strided_slice %add3A_746 {offsets = [5, 0, 0], sizes = [1, 16, 112], strides = [1, 1, 1]} : vector<7x16x112xi16> to vector<1x16x112xi16>
    %add3A_757 = arith.addi %add3A_755, %slice3A_756 : vector<1x16x112xi16>
    %slice3A_758 = vector.extract_strided_slice %add3A_746 {offsets = [6, 0, 0], sizes = [1, 16, 112], strides = [1, 1, 1]} : vector<7x16x112xi16> to vector<1x16x112xi16>
    %add3A_759 = arith.addi %add3A_757, %slice3A_758 : vector<1x16x112xi16>
    %squeeze3A_760 = vector.shape_cast %add3A_759 : vector<1x16x112xi16> to vector<16x112xi16>
    %convert_element_type3A_761 = arith.extsi %squeeze3A_760 : vector<16x112xi16> to vector<16x112xi32>
    %reduce_sum3A_762 = vector.shape_cast %convert_element_type3A_761 : vector<16x112xi32> to vector<1x16x112xi32>
    %reduce_sum3A_763 = arith.constant dense<0> : vector<1xi32>
    %reduce_sum3A_764 = vector.multi_reduction <add>, %reduce_sum3A_762, %reduce_sum3A_763 [1, 2] : vector<1x16x112xi32> to vector<1xi32>
    %reduce_sum3A_765 = vector.shape_cast %reduce_sum3A_764 : vector<1xi32> to vector<1x1x1xi32>
    %reduce_sum3A_766 = vector.extract %reduce_sum3A_765[0, 0, 0] : i32 from vector<1x1x1xi32>
    %ge3A_767 = arith.constant 64 : i32
    %ge3A_768 = arith.cmpi sge, %reduce_sum3A_766, %ge3A_767 : i32
    %select_n3A_769 = arith.select %ge3A_768, %or3A_720, %select_n3A_718 : i32
    %or3A_770 = arith.constant 1 : i32
    %or3A_771 = arith.ori %select_n3A_769, %or3A_770 : i32
    %broadcast_in_dim3A_772 = vector.broadcast %or3A_771 : i32 to vector<1x16x112xi32>
    %convert_element_type3A_773 = arith.trunci %broadcast_in_dim3A_772 : vector<1x16x112xi32> to vector<1x16x112xi16>
    %ge3A_774 = vector.broadcast %convert_element_type3A_773 : vector<1x16x112xi16> to vector<336x16x112xi16>
    %ge3A_775 = arith.cmpi sge, %reshape3A, %ge3A_774 : vector<336x16x112xi16>
    %jit3A_776 = arith.constant 1 : i16
    %jit3A_777 = arith.constant 0 : i16
    %broadcast_in_dim3A_778 = vector.broadcast %jit3A_776 : i16 to vector<336x16x112xi16>
    %broadcast_in_dim3A_779 = vector.broadcast %jit3A_777 : i16 to vector<336x16x112xi16>
    %select_n3A_780 = arith.select %ge3A_775, %broadcast_in_dim3A_778, %broadcast_in_dim3A_779 : vector<336x16x112xi1>, vector<336x16x112xi16>
    %slice3A_781 = vector.extract_strided_slice %select_n3A_780 {offsets = [0, 0, 0], sizes = [168, 16, 112], strides = [1, 1, 1]} : vector<336x16x112xi16> to vector<168x16x112xi16>
    %slice3A_782 = vector.extract_strided_slice %select_n3A_780 {offsets = [168, 0, 0], sizes = [168, 16, 112], strides = [1, 1, 1]} : vector<336x16x112xi16> to vector<168x16x112xi16>
    %add3A_783 = arith.addi %slice3A_781, %slice3A_782 : vector<168x16x112xi16>
    %slice3A_784 = vector.extract_strided_slice %add3A_783 {offsets = [0, 0, 0], sizes = [84, 16, 112], strides = [1, 1, 1]} : vector<168x16x112xi16> to vector<84x16x112xi16>
    %slice3A_785 = vector.extract_strided_slice %add3A_783 {offsets = [84, 0, 0], sizes = [84, 16, 112], strides = [1, 1, 1]} : vector<168x16x112xi16> to vector<84x16x112xi16>
    %add3A_786 = arith.addi %slice3A_784, %slice3A_785 : vector<84x16x112xi16>
    %slice3A_787 = vector.extract_strided_slice %add3A_786 {offsets = [0, 0, 0], sizes = [42, 16, 112], strides = [1, 1, 1]} : vector<84x16x112xi16> to vector<42x16x112xi16>
    %slice3A_788 = vector.extract_strided_slice %add3A_786 {offsets = [42, 0, 0], sizes = [42, 16, 112], strides = [1, 1, 1]} : vector<84x16x112xi16> to vector<42x16x112xi16>
    %add3A_789 = arith.addi %slice3A_787, %slice3A_788 : vector<42x16x112xi16>
    %slice3A_790 = vector.extract_strided_slice %add3A_789 {offsets = [0, 0, 0], sizes = [21, 16, 112], strides = [1, 1, 1]} : vector<42x16x112xi16> to vector<21x16x112xi16>
    %slice3A_791 = vector.extract_strided_slice %add3A_789 {offsets = [21, 0, 0], sizes = [21, 16, 112], strides = [1, 1, 1]} : vector<42x16x112xi16> to vector<21x16x112xi16>
    %add3A_792 = arith.addi %slice3A_790, %slice3A_791 : vector<21x16x112xi16>
    %slice3A_793 = vector.extract_strided_slice %add3A_792 {offsets = [0, 0, 0], sizes = [7, 16, 112], strides = [1, 1, 1]} : vector<21x16x112xi16> to vector<7x16x112xi16>
    %slice3A_794 = vector.extract_strided_slice %add3A_792 {offsets = [7, 0, 0], sizes = [7, 16, 112], strides = [1, 1, 1]} : vector<21x16x112xi16> to vector<7x16x112xi16>
    %add3A_795 = arith.addi %slice3A_793, %slice3A_794 : vector<7x16x112xi16>
    %slice3A_796 = vector.extract_strided_slice %add3A_792 {offsets = [14, 0, 0], sizes = [7, 16, 112], strides = [1, 1, 1]} : vector<21x16x112xi16> to vector<7x16x112xi16>
    %add3A_797 = arith.addi %add3A_795, %slice3A_796 : vector<7x16x112xi16>
    %slice3A_798 = vector.extract_strided_slice %add3A_797 {offsets = [0, 0, 0], sizes = [1, 16, 112], strides = [1, 1, 1]} : vector<7x16x112xi16> to vector<1x16x112xi16>
    %slice3A_799 = vector.extract_strided_slice %add3A_797 {offsets = [1, 0, 0], sizes = [1, 16, 112], strides = [1, 1, 1]} : vector<7x16x112xi16> to vector<1x16x112xi16>
    %add3A_800 = arith.addi %slice3A_798, %slice3A_799 : vector<1x16x112xi16>
    %slice3A_801 = vector.extract_strided_slice %add3A_797 {offsets = [2, 0, 0], sizes = [1, 16, 112], strides = [1, 1, 1]} : vector<7x16x112xi16> to vector<1x16x112xi16>
    %add3A_802 = arith.addi %add3A_800, %slice3A_801 : vector<1x16x112xi16>
    %slice3A_803 = vector.extract_strided_slice %add3A_797 {offsets = [3, 0, 0], sizes = [1, 16, 112], strides = [1, 1, 1]} : vector<7x16x112xi16> to vector<1x16x112xi16>
    %add3A_804 = arith.addi %add3A_802, %slice3A_803 : vector<1x16x112xi16>
    %slice3A_805 = vector.extract_strided_slice %add3A_797 {offsets = [4, 0, 0], sizes = [1, 16, 112], strides = [1, 1, 1]} : vector<7x16x112xi16> to vector<1x16x112xi16>
    %add3A_806 = arith.addi %add3A_804, %slice3A_805 : vector<1x16x112xi16>
    %slice3A_807 = vector.extract_strided_slice %add3A_797 {offsets = [5, 0, 0], sizes = [1, 16, 112], strides = [1, 1, 1]} : vector<7x16x112xi16> to vector<1x16x112xi16>
    %add3A_808 = arith.addi %add3A_806, %slice3A_807 : vector<1x16x112xi16>
    %slice3A_809 = vector.extract_strided_slice %add3A_797 {offsets = [6, 0, 0], sizes = [1, 16, 112], strides = [1, 1, 1]} : vector<7x16x112xi16> to vector<1x16x112xi16>
    %add3A_810 = arith.addi %add3A_808, %slice3A_809 : vector<1x16x112xi16>
    %squeeze3A_811 = vector.shape_cast %add3A_810 : vector<1x16x112xi16> to vector<16x112xi16>
    %convert_element_type3A_812 = arith.extsi %squeeze3A_811 : vector<16x112xi16> to vector<16x112xi32>
    %reduce_sum3A_813 = vector.shape_cast %convert_element_type3A_812 : vector<16x112xi32> to vector<1x16x112xi32>
    %reduce_sum3A_814 = arith.constant dense<0> : vector<1xi32>
    %reduce_sum3A_815 = vector.multi_reduction <add>, %reduce_sum3A_813, %reduce_sum3A_814 [1, 2] : vector<1x16x112xi32> to vector<1xi32>
    %reduce_sum3A_816 = vector.shape_cast %reduce_sum3A_815 : vector<1xi32> to vector<1x1x1xi32>
    %reduce_sum3A_817 = vector.extract %reduce_sum3A_816[0, 0, 0] : i32 from vector<1x1x1xi32>
    %ge3A_818 = arith.constant 64 : i32
    %ge3A_819 = arith.cmpi sge, %reduce_sum3A_817, %ge3A_818 : i32
    %select_n3A_820 = arith.select %ge3A_819, %or3A_771, %select_n3A_769 : i32
    %broadcast_in_dim3A_821 = vector.broadcast %select_n3A_820 : i32 to vector<1x16x112xi32>
    %convert_element_type3A_822 = arith.trunci %broadcast_in_dim3A_821 : vector<1x16x112xi32> to vector<1x16x112xi16>
    %gt3A = vector.broadcast %convert_element_type3A_822 : vector<1x16x112xi16> to vector<336x16x112xi16>
    %gt3A_823 = arith.cmpi sgt, %reshape3A, %gt3A : vector<336x16x112xi16>
    %jit3A_824 = arith.constant 1 : i16
    %jit3A_825 = arith.constant 0 : i16
    %broadcast_in_dim3A_826 = vector.broadcast %jit3A_824 : i16 to vector<336x16x112xi16>
    %broadcast_in_dim3A_827 = vector.broadcast %jit3A_825 : i16 to vector<336x16x112xi16>
    %select_n3A_828 = arith.select %gt3A_823, %broadcast_in_dim3A_826, %broadcast_in_dim3A_827 : vector<336x16x112xi1>, vector<336x16x112xi16>
    %slice3A_829 = vector.extract_strided_slice %select_n3A_828 {offsets = [0, 0, 0], sizes = [168, 16, 112], strides = [1, 1, 1]} : vector<336x16x112xi16> to vector<168x16x112xi16>
    %slice3A_830 = vector.extract_strided_slice %select_n3A_828 {offsets = [168, 0, 0], sizes = [168, 16, 112], strides = [1, 1, 1]} : vector<336x16x112xi16> to vector<168x16x112xi16>
    %add3A_831 = arith.addi %slice3A_829, %slice3A_830 : vector<168x16x112xi16>
    %slice3A_832 = vector.extract_strided_slice %add3A_831 {offsets = [0, 0, 0], sizes = [84, 16, 112], strides = [1, 1, 1]} : vector<168x16x112xi16> to vector<84x16x112xi16>
    %slice3A_833 = vector.extract_strided_slice %add3A_831 {offsets = [84, 0, 0], sizes = [84, 16, 112], strides = [1, 1, 1]} : vector<168x16x112xi16> to vector<84x16x112xi16>
    %add3A_834 = arith.addi %slice3A_832, %slice3A_833 : vector<84x16x112xi16>
    %slice3A_835 = vector.extract_strided_slice %add3A_834 {offsets = [0, 0, 0], sizes = [42, 16, 112], strides = [1, 1, 1]} : vector<84x16x112xi16> to vector<42x16x112xi16>
    %slice3A_836 = vector.extract_strided_slice %add3A_834 {offsets = [42, 0, 0], sizes = [42, 16, 112], strides = [1, 1, 1]} : vector<84x16x112xi16> to vector<42x16x112xi16>
    %add3A_837 = arith.addi %slice3A_835, %slice3A_836 : vector<42x16x112xi16>
    %slice3A_838 = vector.extract_strided_slice %add3A_837 {offsets = [0, 0, 0], sizes = [21, 16, 112], strides = [1, 1, 1]} : vector<42x16x112xi16> to vector<21x16x112xi16>
    %slice3A_839 = vector.extract_strided_slice %add3A_837 {offsets = [21, 0, 0], sizes = [21, 16, 112], strides = [1, 1, 1]} : vector<42x16x112xi16> to vector<21x16x112xi16>
    %add3A_840 = arith.addi %slice3A_838, %slice3A_839 : vector<21x16x112xi16>
    %slice3A_841 = vector.extract_strided_slice %add3A_840 {offsets = [0, 0, 0], sizes = [7, 16, 112], strides = [1, 1, 1]} : vector<21x16x112xi16> to vector<7x16x112xi16>
    %slice3A_842 = vector.extract_strided_slice %add3A_840 {offsets = [7, 0, 0], sizes = [7, 16, 112], strides = [1, 1, 1]} : vector<21x16x112xi16> to vector<7x16x112xi16>
    %add3A_843 = arith.addi %slice3A_841, %slice3A_842 : vector<7x16x112xi16>
    %slice3A_844 = vector.extract_strided_slice %add3A_840 {offsets = [14, 0, 0], sizes = [7, 16, 112], strides = [1, 1, 1]} : vector<21x16x112xi16> to vector<7x16x112xi16>
    %add3A_845 = arith.addi %add3A_843, %slice3A_844 : vector<7x16x112xi16>
    %slice3A_846 = vector.extract_strided_slice %add3A_845 {offsets = [0, 0, 0], sizes = [1, 16, 112], strides = [1, 1, 1]} : vector<7x16x112xi16> to vector<1x16x112xi16>
    %slice3A_847 = vector.extract_strided_slice %add3A_845 {offsets = [1, 0, 0], sizes = [1, 16, 112], strides = [1, 1, 1]} : vector<7x16x112xi16> to vector<1x16x112xi16>
    %add3A_848 = arith.addi %slice3A_846, %slice3A_847 : vector<1x16x112xi16>
    %slice3A_849 = vector.extract_strided_slice %add3A_845 {offsets = [2, 0, 0], sizes = [1, 16, 112], strides = [1, 1, 1]} : vector<7x16x112xi16> to vector<1x16x112xi16>
    %add3A_850 = arith.addi %add3A_848, %slice3A_849 : vector<1x16x112xi16>
    %slice3A_851 = vector.extract_strided_slice %add3A_845 {offsets = [3, 0, 0], sizes = [1, 16, 112], strides = [1, 1, 1]} : vector<7x16x112xi16> to vector<1x16x112xi16>
    %add3A_852 = arith.addi %add3A_850, %slice3A_851 : vector<1x16x112xi16>
    %slice3A_853 = vector.extract_strided_slice %add3A_845 {offsets = [4, 0, 0], sizes = [1, 16, 112], strides = [1, 1, 1]} : vector<7x16x112xi16> to vector<1x16x112xi16>
    %add3A_854 = arith.addi %add3A_852, %slice3A_853 : vector<1x16x112xi16>
    %slice3A_855 = vector.extract_strided_slice %add3A_845 {offsets = [5, 0, 0], sizes = [1, 16, 112], strides = [1, 1, 1]} : vector<7x16x112xi16> to vector<1x16x112xi16>
    %add3A_856 = arith.addi %add3A_854, %slice3A_855 : vector<1x16x112xi16>
    %slice3A_857 = vector.extract_strided_slice %add3A_845 {offsets = [6, 0, 0], sizes = [1, 16, 112], strides = [1, 1, 1]} : vector<7x16x112xi16> to vector<1x16x112xi16>
    %add3A_858 = arith.addi %add3A_856, %slice3A_857 : vector<1x16x112xi16>
    %squeeze3A_859 = vector.shape_cast %add3A_858 : vector<1x16x112xi16> to vector<16x112xi16>
    %convert_element_type3A_860 = arith.extsi %squeeze3A_859 : vector<16x112xi16> to vector<16x112xi32>
    %reduce_sum3A_861 = vector.shape_cast %convert_element_type3A_860 : vector<16x112xi32> to vector<1x16x112xi32>
    %reduce_sum3A_862 = arith.constant dense<0> : vector<1xi32>
    %reduce_sum3A_863 = vector.multi_reduction <add>, %reduce_sum3A_861, %reduce_sum3A_862 [1, 2] : vector<1x16x112xi32> to vector<1xi32>
    %reduce_sum3A_864 = vector.shape_cast %reduce_sum3A_863 : vector<1xi32> to vector<1x1x1xi32>
    %reduce_sum3A_865 = vector.extract %reduce_sum3A_864[0, 0, 0] : i32 from vector<1x1x1xi32>
    %sub3A = arith.constant 64 : i32
    %sub3A_866 = arith.subi %sub3A, %reduce_sum3A_865 : i32
    %and3A = arith.constant 65535 : i32
    %and3A_867 = vector.broadcast %and3A : i32 to vector<5376x112xi32>
    %and3A_868 = arith.andi %select_n3A, %and3A_867 : vector<5376x112xi32>
    %sub3A_869 = arith.constant 32768 : i32
    %sub3A_870 = vector.broadcast %sub3A_869 : i32 to vector<5376x112xi32>
    %sub3A_871 = arith.subi %and3A_868, %sub3A_870 : vector<5376x112xi32>
    %convert_element_type3A_872 = arith.trunci %sub3A_871 : vector<5376x112xi32> to vector<5376x112xi16>
    %eq3A = vector.broadcast %convert_element_type3A_822 : vector<1x16x112xi16> to vector<336x16x112xi16>
    %eq3A_873 = arith.cmpi eq, %reshape3A, %eq3A : vector<336x16x112xi16>
    %reshape3A_874 = vector.shape_cast %convert_element_type3A_872 : vector<5376x112xi16> to vector<336x16x112xi16>
    %jit3A_875 = arith.constant -32768 : i16
    %broadcast_in_dim3A_876 = vector.broadcast %jit3A_875 : i16 to vector<336x16x112xi16>
    %select_n3A_877 = arith.select %eq3A_873, %reshape3A_874, %broadcast_in_dim3A_876 : vector<336x16x112xi1>, vector<336x16x112xi16>
    %broadcast_in_dim3A_878 = arith.constant 0 : i32
    %broadcast_in_dim3A_879 = vector.broadcast %broadcast_in_dim3A_878 : i32 to vector<1x16x112xi32>
    %convert_element_type3A_880 = arith.trunci %broadcast_in_dim3A_879 : vector<1x16x112xi32> to vector<1x16x112xi16>
    %ge3A_881 = vector.broadcast %convert_element_type3A_880 : vector<1x16x112xi16> to vector<336x16x112xi16>
    %ge3A_882 = arith.cmpi sge, %select_n3A_877, %ge3A_881 : vector<336x16x112xi16>
    %jit3A_883 = arith.constant 1 : i16
    %jit3A_884 = arith.constant 0 : i16
    %broadcast_in_dim3A_885 = vector.broadcast %jit3A_883 : i16 to vector<336x16x112xi16>
    %broadcast_in_dim3A_886 = vector.broadcast %jit3A_884 : i16 to vector<336x16x112xi16>
    %select_n3A_887 = arith.select %ge3A_882, %broadcast_in_dim3A_885, %broadcast_in_dim3A_886 : vector<336x16x112xi1>, vector<336x16x112xi16>
    %slice3A_888 = vector.extract_strided_slice %select_n3A_887 {offsets = [0, 0, 0], sizes = [168, 16, 112], strides = [1, 1, 1]} : vector<336x16x112xi16> to vector<168x16x112xi16>
    %slice3A_889 = vector.extract_strided_slice %select_n3A_887 {offsets = [168, 0, 0], sizes = [168, 16, 112], strides = [1, 1, 1]} : vector<336x16x112xi16> to vector<168x16x112xi16>
    %add3A_890 = arith.addi %slice3A_888, %slice3A_889 : vector<168x16x112xi16>
    %slice3A_891 = vector.extract_strided_slice %add3A_890 {offsets = [0, 0, 0], sizes = [84, 16, 112], strides = [1, 1, 1]} : vector<168x16x112xi16> to vector<84x16x112xi16>
    %slice3A_892 = vector.extract_strided_slice %add3A_890 {offsets = [84, 0, 0], sizes = [84, 16, 112], strides = [1, 1, 1]} : vector<168x16x112xi16> to vector<84x16x112xi16>
    %add3A_893 = arith.addi %slice3A_891, %slice3A_892 : vector<84x16x112xi16>
    %slice3A_894 = vector.extract_strided_slice %add3A_893 {offsets = [0, 0, 0], sizes = [42, 16, 112], strides = [1, 1, 1]} : vector<84x16x112xi16> to vector<42x16x112xi16>
    %slice3A_895 = vector.extract_strided_slice %add3A_893 {offsets = [42, 0, 0], sizes = [42, 16, 112], strides = [1, 1, 1]} : vector<84x16x112xi16> to vector<42x16x112xi16>
    %add3A_896 = arith.addi %slice3A_894, %slice3A_895 : vector<42x16x112xi16>
    %slice3A_897 = vector.extract_strided_slice %add3A_896 {offsets = [0, 0, 0], sizes = [21, 16, 112], strides = [1, 1, 1]} : vector<42x16x112xi16> to vector<21x16x112xi16>
    %slice3A_898 = vector.extract_strided_slice %add3A_896 {offsets = [21, 0, 0], sizes = [21, 16, 112], strides = [1, 1, 1]} : vector<42x16x112xi16> to vector<21x16x112xi16>
    %add3A_899 = arith.addi %slice3A_897, %slice3A_898 : vector<21x16x112xi16>
    %slice3A_900 = vector.extract_strided_slice %add3A_899 {offsets = [0, 0, 0], sizes = [7, 16, 112], strides = [1, 1, 1]} : vector<21x16x112xi16> to vector<7x16x112xi16>
    %slice3A_901 = vector.extract_strided_slice %add3A_899 {offsets = [7, 0, 0], sizes = [7, 16, 112], strides = [1, 1, 1]} : vector<21x16x112xi16> to vector<7x16x112xi16>
    %add3A_902 = arith.addi %slice3A_900, %slice3A_901 : vector<7x16x112xi16>
    %slice3A_903 = vector.extract_strided_slice %add3A_899 {offsets = [14, 0, 0], sizes = [7, 16, 112], strides = [1, 1, 1]} : vector<21x16x112xi16> to vector<7x16x112xi16>
    %add3A_904 = arith.addi %add3A_902, %slice3A_903 : vector<7x16x112xi16>
    %slice3A_905 = vector.extract_strided_slice %add3A_904 {offsets = [0, 0, 0], sizes = [1, 16, 112], strides = [1, 1, 1]} : vector<7x16x112xi16> to vector<1x16x112xi16>
    %slice3A_906 = vector.extract_strided_slice %add3A_904 {offsets = [1, 0, 0], sizes = [1, 16, 112], strides = [1, 1, 1]} : vector<7x16x112xi16> to vector<1x16x112xi16>
    %add3A_907 = arith.addi %slice3A_905, %slice3A_906 : vector<1x16x112xi16>
    %slice3A_908 = vector.extract_strided_slice %add3A_904 {offsets = [2, 0, 0], sizes = [1, 16, 112], strides = [1, 1, 1]} : vector<7x16x112xi16> to vector<1x16x112xi16>
    %add3A_909 = arith.addi %add3A_907, %slice3A_908 : vector<1x16x112xi16>
    %slice3A_910 = vector.extract_strided_slice %add3A_904 {offsets = [3, 0, 0], sizes = [1, 16, 112], strides = [1, 1, 1]} : vector<7x16x112xi16> to vector<1x16x112xi16>
    %add3A_911 = arith.addi %add3A_909, %slice3A_910 : vector<1x16x112xi16>
    %slice3A_912 = vector.extract_strided_slice %add3A_904 {offsets = [4, 0, 0], sizes = [1, 16, 112], strides = [1, 1, 1]} : vector<7x16x112xi16> to vector<1x16x112xi16>
    %add3A_913 = arith.addi %add3A_911, %slice3A_912 : vector<1x16x112xi16>
    %slice3A_914 = vector.extract_strided_slice %add3A_904 {offsets = [5, 0, 0], sizes = [1, 16, 112], strides = [1, 1, 1]} : vector<7x16x112xi16> to vector<1x16x112xi16>
    %add3A_915 = arith.addi %add3A_913, %slice3A_914 : vector<1x16x112xi16>
    %slice3A_916 = vector.extract_strided_slice %add3A_904 {offsets = [6, 0, 0], sizes = [1, 16, 112], strides = [1, 1, 1]} : vector<7x16x112xi16> to vector<1x16x112xi16>
    %add3A_917 = arith.addi %add3A_915, %slice3A_916 : vector<1x16x112xi16>
    %squeeze3A_918 = vector.shape_cast %add3A_917 : vector<1x16x112xi16> to vector<16x112xi16>
    %convert_element_type3A_919 = arith.extsi %squeeze3A_918 : vector<16x112xi16> to vector<16x112xi32>
    %reduce_sum3A_920 = vector.shape_cast %convert_element_type3A_919 : vector<16x112xi32> to vector<1x16x112xi32>
    %reduce_sum3A_921 = arith.constant dense<0> : vector<1xi32>
    %reduce_sum3A_922 = vector.multi_reduction <add>, %reduce_sum3A_920, %reduce_sum3A_921 [1, 2] : vector<1x16x112xi32> to vector<1xi32>
    %reduce_sum3A_923 = vector.shape_cast %reduce_sum3A_922 : vector<1xi32> to vector<1x1x1xi32>
    %reduce_sum3A_924 = vector.extract %reduce_sum3A_923[0, 0, 0] : i32 from vector<1x1x1xi32>
    %ge3A_925 = arith.cmpi sge, %reduce_sum3A_924, %sub3A_866 : i32
    %jit3A_926 = arith.constant 0 : i32
    %jit3A_927 = arith.constant -32768 : i32
    %select_n3A_928 = arith.select %ge3A_925, %jit3A_926, %jit3A_927 : i32
    %or3A_929 = arith.constant 16384 : i32
    %or3A_930 = arith.ori %select_n3A_928, %or3A_929 : i32
    %broadcast_in_dim3A_931 = vector.broadcast %or3A_930 : i32 to vector<1x16x112xi32>
    %convert_element_type3A_932 = arith.trunci %broadcast_in_dim3A_931 : vector<1x16x112xi32> to vector<1x16x112xi16>
    %ge3A_933 = vector.broadcast %convert_element_type3A_932 : vector<1x16x112xi16> to vector<336x16x112xi16>
    %ge3A_934 = arith.cmpi sge, %select_n3A_877, %ge3A_933 : vector<336x16x112xi16>
    %jit3A_935 = arith.constant 1 : i16
    %jit3A_936 = arith.constant 0 : i16
    %broadcast_in_dim3A_937 = vector.broadcast %jit3A_935 : i16 to vector<336x16x112xi16>
    %broadcast_in_dim3A_938 = vector.broadcast %jit3A_936 : i16 to vector<336x16x112xi16>
    %select_n3A_939 = arith.select %ge3A_934, %broadcast_in_dim3A_937, %broadcast_in_dim3A_938 : vector<336x16x112xi1>, vector<336x16x112xi16>
    %slice3A_940 = vector.extract_strided_slice %select_n3A_939 {offsets = [0, 0, 0], sizes = [168, 16, 112], strides = [1, 1, 1]} : vector<336x16x112xi16> to vector<168x16x112xi16>
    %slice3A_941 = vector.extract_strided_slice %select_n3A_939 {offsets = [168, 0, 0], sizes = [168, 16, 112], strides = [1, 1, 1]} : vector<336x16x112xi16> to vector<168x16x112xi16>
    %add3A_942 = arith.addi %slice3A_940, %slice3A_941 : vector<168x16x112xi16>
    %slice3A_943 = vector.extract_strided_slice %add3A_942 {offsets = [0, 0, 0], sizes = [84, 16, 112], strides = [1, 1, 1]} : vector<168x16x112xi16> to vector<84x16x112xi16>
    %slice3A_944 = vector.extract_strided_slice %add3A_942 {offsets = [84, 0, 0], sizes = [84, 16, 112], strides = [1, 1, 1]} : vector<168x16x112xi16> to vector<84x16x112xi16>
    %add3A_945 = arith.addi %slice3A_943, %slice3A_944 : vector<84x16x112xi16>
    %slice3A_946 = vector.extract_strided_slice %add3A_945 {offsets = [0, 0, 0], sizes = [42, 16, 112], strides = [1, 1, 1]} : vector<84x16x112xi16> to vector<42x16x112xi16>
    %slice3A_947 = vector.extract_strided_slice %add3A_945 {offsets = [42, 0, 0], sizes = [42, 16, 112], strides = [1, 1, 1]} : vector<84x16x112xi16> to vector<42x16x112xi16>
    %add3A_948 = arith.addi %slice3A_946, %slice3A_947 : vector<42x16x112xi16>
    %slice3A_949 = vector.extract_strided_slice %add3A_948 {offsets = [0, 0, 0], sizes = [21, 16, 112], strides = [1, 1, 1]} : vector<42x16x112xi16> to vector<21x16x112xi16>
    %slice3A_950 = vector.extract_strided_slice %add3A_948 {offsets = [21, 0, 0], sizes = [21, 16, 112], strides = [1, 1, 1]} : vector<42x16x112xi16> to vector<21x16x112xi16>
    %add3A_951 = arith.addi %slice3A_949, %slice3A_950 : vector<21x16x112xi16>
    %slice3A_952 = vector.extract_strided_slice %add3A_951 {offsets = [0, 0, 0], sizes = [7, 16, 112], strides = [1, 1, 1]} : vector<21x16x112xi16> to vector<7x16x112xi16>
    %slice3A_953 = vector.extract_strided_slice %add3A_951 {offsets = [7, 0, 0], sizes = [7, 16, 112], strides = [1, 1, 1]} : vector<21x16x112xi16> to vector<7x16x112xi16>
    %add3A_954 = arith.addi %slice3A_952, %slice3A_953 : vector<7x16x112xi16>
    %slice3A_955 = vector.extract_strided_slice %add3A_951 {offsets = [14, 0, 0], sizes = [7, 16, 112], strides = [1, 1, 1]} : vector<21x16x112xi16> to vector<7x16x112xi16>
    %add3A_956 = arith.addi %add3A_954, %slice3A_955 : vector<7x16x112xi16>
    %slice3A_957 = vector.extract_strided_slice %add3A_956 {offsets = [0, 0, 0], sizes = [1, 16, 112], strides = [1, 1, 1]} : vector<7x16x112xi16> to vector<1x16x112xi16>
    %slice3A_958 = vector.extract_strided_slice %add3A_956 {offsets = [1, 0, 0], sizes = [1, 16, 112], strides = [1, 1, 1]} : vector<7x16x112xi16> to vector<1x16x112xi16>
    %add3A_959 = arith.addi %slice3A_957, %slice3A_958 : vector<1x16x112xi16>
    %slice3A_960 = vector.extract_strided_slice %add3A_956 {offsets = [2, 0, 0], sizes = [1, 16, 112], strides = [1, 1, 1]} : vector<7x16x112xi16> to vector<1x16x112xi16>
    %add3A_961 = arith.addi %add3A_959, %slice3A_960 : vector<1x16x112xi16>
    %slice3A_962 = vector.extract_strided_slice %add3A_956 {offsets = [3, 0, 0], sizes = [1, 16, 112], strides = [1, 1, 1]} : vector<7x16x112xi16> to vector<1x16x112xi16>
    %add3A_963 = arith.addi %add3A_961, %slice3A_962 : vector<1x16x112xi16>
    %slice3A_964 = vector.extract_strided_slice %add3A_956 {offsets = [4, 0, 0], sizes = [1, 16, 112], strides = [1, 1, 1]} : vector<7x16x112xi16> to vector<1x16x112xi16>
    %add3A_965 = arith.addi %add3A_963, %slice3A_964 : vector<1x16x112xi16>
    %slice3A_966 = vector.extract_strided_slice %add3A_956 {offsets = [5, 0, 0], sizes = [1, 16, 112], strides = [1, 1, 1]} : vector<7x16x112xi16> to vector<1x16x112xi16>
    %add3A_967 = arith.addi %add3A_965, %slice3A_966 : vector<1x16x112xi16>
    %slice3A_968 = vector.extract_strided_slice %add3A_956 {offsets = [6, 0, 0], sizes = [1, 16, 112], strides = [1, 1, 1]} : vector<7x16x112xi16> to vector<1x16x112xi16>
    %add3A_969 = arith.addi %add3A_967, %slice3A_968 : vector<1x16x112xi16>
    %squeeze3A_970 = vector.shape_cast %add3A_969 : vector<1x16x112xi16> to vector<16x112xi16>
    %convert_element_type3A_971 = arith.extsi %squeeze3A_970 : vector<16x112xi16> to vector<16x112xi32>
    %reduce_sum3A_972 = vector.shape_cast %convert_element_type3A_971 : vector<16x112xi32> to vector<1x16x112xi32>
    %reduce_sum3A_973 = arith.constant dense<0> : vector<1xi32>
    %reduce_sum3A_974 = vector.multi_reduction <add>, %reduce_sum3A_972, %reduce_sum3A_973 [1, 2] : vector<1x16x112xi32> to vector<1xi32>
    %reduce_sum3A_975 = vector.shape_cast %reduce_sum3A_974 : vector<1xi32> to vector<1x1x1xi32>
    %reduce_sum3A_976 = vector.extract %reduce_sum3A_975[0, 0, 0] : i32 from vector<1x1x1xi32>
    %ge3A_977 = arith.cmpi sge, %reduce_sum3A_976, %sub3A_866 : i32
    %select_n3A_978 = arith.select %ge3A_977, %or3A_930, %select_n3A_928 : i32
    %or3A_979 = arith.constant 8192 : i32
    %or3A_980 = arith.ori %select_n3A_978, %or3A_979 : i32
    %broadcast_in_dim3A_981 = vector.broadcast %or3A_980 : i32 to vector<1x16x112xi32>
    %convert_element_type3A_982 = arith.trunci %broadcast_in_dim3A_981 : vector<1x16x112xi32> to vector<1x16x112xi16>
    %ge3A_983 = vector.broadcast %convert_element_type3A_982 : vector<1x16x112xi16> to vector<336x16x112xi16>
    %ge3A_984 = arith.cmpi sge, %select_n3A_877, %ge3A_983 : vector<336x16x112xi16>
    %jit3A_985 = arith.constant 1 : i16
    %jit3A_986 = arith.constant 0 : i16
    %broadcast_in_dim3A_987 = vector.broadcast %jit3A_985 : i16 to vector<336x16x112xi16>
    %broadcast_in_dim3A_988 = vector.broadcast %jit3A_986 : i16 to vector<336x16x112xi16>
    %select_n3A_989 = arith.select %ge3A_984, %broadcast_in_dim3A_987, %broadcast_in_dim3A_988 : vector<336x16x112xi1>, vector<336x16x112xi16>
    %slice3A_990 = vector.extract_strided_slice %select_n3A_989 {offsets = [0, 0, 0], sizes = [168, 16, 112], strides = [1, 1, 1]} : vector<336x16x112xi16> to vector<168x16x112xi16>
    %slice3A_991 = vector.extract_strided_slice %select_n3A_989 {offsets = [168, 0, 0], sizes = [168, 16, 112], strides = [1, 1, 1]} : vector<336x16x112xi16> to vector<168x16x112xi16>
    %add3A_992 = arith.addi %slice3A_990, %slice3A_991 : vector<168x16x112xi16>
    %slice3A_993 = vector.extract_strided_slice %add3A_992 {offsets = [0, 0, 0], sizes = [84, 16, 112], strides = [1, 1, 1]} : vector<168x16x112xi16> to vector<84x16x112xi16>
    %slice3A_994 = vector.extract_strided_slice %add3A_992 {offsets = [84, 0, 0], sizes = [84, 16, 112], strides = [1, 1, 1]} : vector<168x16x112xi16> to vector<84x16x112xi16>
    %add3A_995 = arith.addi %slice3A_993, %slice3A_994 : vector<84x16x112xi16>
    %slice3A_996 = vector.extract_strided_slice %add3A_995 {offsets = [0, 0, 0], sizes = [42, 16, 112], strides = [1, 1, 1]} : vector<84x16x112xi16> to vector<42x16x112xi16>
    %slice3A_997 = vector.extract_strided_slice %add3A_995 {offsets = [42, 0, 0], sizes = [42, 16, 112], strides = [1, 1, 1]} : vector<84x16x112xi16> to vector<42x16x112xi16>
    %add3A_998 = arith.addi %slice3A_996, %slice3A_997 : vector<42x16x112xi16>
    %slice3A_999 = vector.extract_strided_slice %add3A_998 {offsets = [0, 0, 0], sizes = [21, 16, 112], strides = [1, 1, 1]} : vector<42x16x112xi16> to vector<21x16x112xi16>
    %slice3A_1000 = vector.extract_strided_slice %add3A_998 {offsets = [21, 0, 0], sizes = [21, 16, 112], strides = [1, 1, 1]} : vector<42x16x112xi16> to vector<21x16x112xi16>
    %add3A_1001 = arith.addi %slice3A_999, %slice3A_1000 : vector<21x16x112xi16>
    %slice3A_1002 = vector.extract_strided_slice %add3A_1001 {offsets = [0, 0, 0], sizes = [7, 16, 112], strides = [1, 1, 1]} : vector<21x16x112xi16> to vector<7x16x112xi16>
    %slice3A_1003 = vector.extract_strided_slice %add3A_1001 {offsets = [7, 0, 0], sizes = [7, 16, 112], strides = [1, 1, 1]} : vector<21x16x112xi16> to vector<7x16x112xi16>
    %add3A_1004 = arith.addi %slice3A_1002, %slice3A_1003 : vector<7x16x112xi16>
    %slice3A_1005 = vector.extract_strided_slice %add3A_1001 {offsets = [14, 0, 0], sizes = [7, 16, 112], strides = [1, 1, 1]} : vector<21x16x112xi16> to vector<7x16x112xi16>
    %add3A_1006 = arith.addi %add3A_1004, %slice3A_1005 : vector<7x16x112xi16>
    %slice3A_1007 = vector.extract_strided_slice %add3A_1006 {offsets = [0, 0, 0], sizes = [1, 16, 112], strides = [1, 1, 1]} : vector<7x16x112xi16> to vector<1x16x112xi16>
    %slice3A_1008 = vector.extract_strided_slice %add3A_1006 {offsets = [1, 0, 0], sizes = [1, 16, 112], strides = [1, 1, 1]} : vector<7x16x112xi16> to vector<1x16x112xi16>
    %add3A_1009 = arith.addi %slice3A_1007, %slice3A_1008 : vector<1x16x112xi16>
    %slice3A_1010 = vector.extract_strided_slice %add3A_1006 {offsets = [2, 0, 0], sizes = [1, 16, 112], strides = [1, 1, 1]} : vector<7x16x112xi16> to vector<1x16x112xi16>
    %add3A_1011 = arith.addi %add3A_1009, %slice3A_1010 : vector<1x16x112xi16>
    %slice3A_1012 = vector.extract_strided_slice %add3A_1006 {offsets = [3, 0, 0], sizes = [1, 16, 112], strides = [1, 1, 1]} : vector<7x16x112xi16> to vector<1x16x112xi16>
    %add3A_1013 = arith.addi %add3A_1011, %slice3A_1012 : vector<1x16x112xi16>
    %slice3A_1014 = vector.extract_strided_slice %add3A_1006 {offsets = [4, 0, 0], sizes = [1, 16, 112], strides = [1, 1, 1]} : vector<7x16x112xi16> to vector<1x16x112xi16>
    %add3A_1015 = arith.addi %add3A_1013, %slice3A_1014 : vector<1x16x112xi16>
    %slice3A_1016 = vector.extract_strided_slice %add3A_1006 {offsets = [5, 0, 0], sizes = [1, 16, 112], strides = [1, 1, 1]} : vector<7x16x112xi16> to vector<1x16x112xi16>
    %add3A_1017 = arith.addi %add3A_1015, %slice3A_1016 : vector<1x16x112xi16>
    %slice3A_1018 = vector.extract_strided_slice %add3A_1006 {offsets = [6, 0, 0], sizes = [1, 16, 112], strides = [1, 1, 1]} : vector<7x16x112xi16> to vector<1x16x112xi16>
    %add3A_1019 = arith.addi %add3A_1017, %slice3A_1018 : vector<1x16x112xi16>
    %squeeze3A_1020 = vector.shape_cast %add3A_1019 : vector<1x16x112xi16> to vector<16x112xi16>
    %convert_element_type3A_1021 = arith.extsi %squeeze3A_1020 : vector<16x112xi16> to vector<16x112xi32>
    %reduce_sum3A_1022 = vector.shape_cast %convert_element_type3A_1021 : vector<16x112xi32> to vector<1x16x112xi32>
    %reduce_sum3A_1023 = arith.constant dense<0> : vector<1xi32>
    %reduce_sum3A_1024 = vector.multi_reduction <add>, %reduce_sum3A_1022, %reduce_sum3A_1023 [1, 2] : vector<1x16x112xi32> to vector<1xi32>
    %reduce_sum3A_1025 = vector.shape_cast %reduce_sum3A_1024 : vector<1xi32> to vector<1x1x1xi32>
    %reduce_sum3A_1026 = vector.extract %reduce_sum3A_1025[0, 0, 0] : i32 from vector<1x1x1xi32>
    %ge3A_1027 = arith.cmpi sge, %reduce_sum3A_1026, %sub3A_866 : i32
    %select_n3A_1028 = arith.select %ge3A_1027, %or3A_980, %select_n3A_978 : i32
    %or3A_1029 = arith.constant 4096 : i32
    %or3A_1030 = arith.ori %select_n3A_1028, %or3A_1029 : i32
    %broadcast_in_dim3A_1031 = vector.broadcast %or3A_1030 : i32 to vector<1x16x112xi32>
    %convert_element_type3A_1032 = arith.trunci %broadcast_in_dim3A_1031 : vector<1x16x112xi32> to vector<1x16x112xi16>
    %ge3A_1033 = vector.broadcast %convert_element_type3A_1032 : vector<1x16x112xi16> to vector<336x16x112xi16>
    %ge3A_1034 = arith.cmpi sge, %select_n3A_877, %ge3A_1033 : vector<336x16x112xi16>
    %jit3A_1035 = arith.constant 1 : i16
    %jit3A_1036 = arith.constant 0 : i16
    %broadcast_in_dim3A_1037 = vector.broadcast %jit3A_1035 : i16 to vector<336x16x112xi16>
    %broadcast_in_dim3A_1038 = vector.broadcast %jit3A_1036 : i16 to vector<336x16x112xi16>
    %select_n3A_1039 = arith.select %ge3A_1034, %broadcast_in_dim3A_1037, %broadcast_in_dim3A_1038 : vector<336x16x112xi1>, vector<336x16x112xi16>
    %slice3A_1040 = vector.extract_strided_slice %select_n3A_1039 {offsets = [0, 0, 0], sizes = [168, 16, 112], strides = [1, 1, 1]} : vector<336x16x112xi16> to vector<168x16x112xi16>
    %slice3A_1041 = vector.extract_strided_slice %select_n3A_1039 {offsets = [168, 0, 0], sizes = [168, 16, 112], strides = [1, 1, 1]} : vector<336x16x112xi16> to vector<168x16x112xi16>
    %add3A_1042 = arith.addi %slice3A_1040, %slice3A_1041 : vector<168x16x112xi16>
    %slice3A_1043 = vector.extract_strided_slice %add3A_1042 {offsets = [0, 0, 0], sizes = [84, 16, 112], strides = [1, 1, 1]} : vector<168x16x112xi16> to vector<84x16x112xi16>
    %slice3A_1044 = vector.extract_strided_slice %add3A_1042 {offsets = [84, 0, 0], sizes = [84, 16, 112], strides = [1, 1, 1]} : vector<168x16x112xi16> to vector<84x16x112xi16>
    %add3A_1045 = arith.addi %slice3A_1043, %slice3A_1044 : vector<84x16x112xi16>
    %slice3A_1046 = vector.extract_strided_slice %add3A_1045 {offsets = [0, 0, 0], sizes = [42, 16, 112], strides = [1, 1, 1]} : vector<84x16x112xi16> to vector<42x16x112xi16>
    %slice3A_1047 = vector.extract_strided_slice %add3A_1045 {offsets = [42, 0, 0], sizes = [42, 16, 112], strides = [1, 1, 1]} : vector<84x16x112xi16> to vector<42x16x112xi16>
    %add3A_1048 = arith.addi %slice3A_1046, %slice3A_1047 : vector<42x16x112xi16>
    %slice3A_1049 = vector.extract_strided_slice %add3A_1048 {offsets = [0, 0, 0], sizes = [21, 16, 112], strides = [1, 1, 1]} : vector<42x16x112xi16> to vector<21x16x112xi16>
    %slice3A_1050 = vector.extract_strided_slice %add3A_1048 {offsets = [21, 0, 0], sizes = [21, 16, 112], strides = [1, 1, 1]} : vector<42x16x112xi16> to vector<21x16x112xi16>
    %add3A_1051 = arith.addi %slice3A_1049, %slice3A_1050 : vector<21x16x112xi16>
    %slice3A_1052 = vector.extract_strided_slice %add3A_1051 {offsets = [0, 0, 0], sizes = [7, 16, 112], strides = [1, 1, 1]} : vector<21x16x112xi16> to vector<7x16x112xi16>
    %slice3A_1053 = vector.extract_strided_slice %add3A_1051 {offsets = [7, 0, 0], sizes = [7, 16, 112], strides = [1, 1, 1]} : vector<21x16x112xi16> to vector<7x16x112xi16>
    %add3A_1054 = arith.addi %slice3A_1052, %slice3A_1053 : vector<7x16x112xi16>
    %slice3A_1055 = vector.extract_strided_slice %add3A_1051 {offsets = [14, 0, 0], sizes = [7, 16, 112], strides = [1, 1, 1]} : vector<21x16x112xi16> to vector<7x16x112xi16>
    %add3A_1056 = arith.addi %add3A_1054, %slice3A_1055 : vector<7x16x112xi16>
    %slice3A_1057 = vector.extract_strided_slice %add3A_1056 {offsets = [0, 0, 0], sizes = [1, 16, 112], strides = [1, 1, 1]} : vector<7x16x112xi16> to vector<1x16x112xi16>
    %slice3A_1058 = vector.extract_strided_slice %add3A_1056 {offsets = [1, 0, 0], sizes = [1, 16, 112], strides = [1, 1, 1]} : vector<7x16x112xi16> to vector<1x16x112xi16>
    %add3A_1059 = arith.addi %slice3A_1057, %slice3A_1058 : vector<1x16x112xi16>
    %slice3A_1060 = vector.extract_strided_slice %add3A_1056 {offsets = [2, 0, 0], sizes = [1, 16, 112], strides = [1, 1, 1]} : vector<7x16x112xi16> to vector<1x16x112xi16>
    %add3A_1061 = arith.addi %add3A_1059, %slice3A_1060 : vector<1x16x112xi16>
    %slice3A_1062 = vector.extract_strided_slice %add3A_1056 {offsets = [3, 0, 0], sizes = [1, 16, 112], strides = [1, 1, 1]} : vector<7x16x112xi16> to vector<1x16x112xi16>
    %add3A_1063 = arith.addi %add3A_1061, %slice3A_1062 : vector<1x16x112xi16>
    %slice3A_1064 = vector.extract_strided_slice %add3A_1056 {offsets = [4, 0, 0], sizes = [1, 16, 112], strides = [1, 1, 1]} : vector<7x16x112xi16> to vector<1x16x112xi16>
    %add3A_1065 = arith.addi %add3A_1063, %slice3A_1064 : vector<1x16x112xi16>
    %slice3A_1066 = vector.extract_strided_slice %add3A_1056 {offsets = [5, 0, 0], sizes = [1, 16, 112], strides = [1, 1, 1]} : vector<7x16x112xi16> to vector<1x16x112xi16>
    %add3A_1067 = arith.addi %add3A_1065, %slice3A_1066 : vector<1x16x112xi16>
    %slice3A_1068 = vector.extract_strided_slice %add3A_1056 {offsets = [6, 0, 0], sizes = [1, 16, 112], strides = [1, 1, 1]} : vector<7x16x112xi16> to vector<1x16x112xi16>
    %add3A_1069 = arith.addi %add3A_1067, %slice3A_1068 : vector<1x16x112xi16>
    %squeeze3A_1070 = vector.shape_cast %add3A_1069 : vector<1x16x112xi16> to vector<16x112xi16>
    %convert_element_type3A_1071 = arith.extsi %squeeze3A_1070 : vector<16x112xi16> to vector<16x112xi32>
    %reduce_sum3A_1072 = vector.shape_cast %convert_element_type3A_1071 : vector<16x112xi32> to vector<1x16x112xi32>
    %reduce_sum3A_1073 = arith.constant dense<0> : vector<1xi32>
    %reduce_sum3A_1074 = vector.multi_reduction <add>, %reduce_sum3A_1072, %reduce_sum3A_1073 [1, 2] : vector<1x16x112xi32> to vector<1xi32>
    %reduce_sum3A_1075 = vector.shape_cast %reduce_sum3A_1074 : vector<1xi32> to vector<1x1x1xi32>
    %reduce_sum3A_1076 = vector.extract %reduce_sum3A_1075[0, 0, 0] : i32 from vector<1x1x1xi32>
    %ge3A_1077 = arith.cmpi sge, %reduce_sum3A_1076, %sub3A_866 : i32
    %select_n3A_1078 = arith.select %ge3A_1077, %or3A_1030, %select_n3A_1028 : i32
    %or3A_1079 = arith.constant 2048 : i32
    %or3A_1080 = arith.ori %select_n3A_1078, %or3A_1079 : i32
    %broadcast_in_dim3A_1081 = vector.broadcast %or3A_1080 : i32 to vector<1x16x112xi32>
    %convert_element_type3A_1082 = arith.trunci %broadcast_in_dim3A_1081 : vector<1x16x112xi32> to vector<1x16x112xi16>
    %ge3A_1083 = vector.broadcast %convert_element_type3A_1082 : vector<1x16x112xi16> to vector<336x16x112xi16>
    %ge3A_1084 = arith.cmpi sge, %select_n3A_877, %ge3A_1083 : vector<336x16x112xi16>
    %jit3A_1085 = arith.constant 1 : i16
    %jit3A_1086 = arith.constant 0 : i16
    %broadcast_in_dim3A_1087 = vector.broadcast %jit3A_1085 : i16 to vector<336x16x112xi16>
    %broadcast_in_dim3A_1088 = vector.broadcast %jit3A_1086 : i16 to vector<336x16x112xi16>
    %select_n3A_1089 = arith.select %ge3A_1084, %broadcast_in_dim3A_1087, %broadcast_in_dim3A_1088 : vector<336x16x112xi1>, vector<336x16x112xi16>
    %slice3A_1090 = vector.extract_strided_slice %select_n3A_1089 {offsets = [0, 0, 0], sizes = [168, 16, 112], strides = [1, 1, 1]} : vector<336x16x112xi16> to vector<168x16x112xi16>
    %slice3A_1091 = vector.extract_strided_slice %select_n3A_1089 {offsets = [168, 0, 0], sizes = [168, 16, 112], strides = [1, 1, 1]} : vector<336x16x112xi16> to vector<168x16x112xi16>
    %add3A_1092 = arith.addi %slice3A_1090, %slice3A_1091 : vector<168x16x112xi16>
    %slice3A_1093 = vector.extract_strided_slice %add3A_1092 {offsets = [0, 0, 0], sizes = [84, 16, 112], strides = [1, 1, 1]} : vector<168x16x112xi16> to vector<84x16x112xi16>
    %slice3A_1094 = vector.extract_strided_slice %add3A_1092 {offsets = [84, 0, 0], sizes = [84, 16, 112], strides = [1, 1, 1]} : vector<168x16x112xi16> to vector<84x16x112xi16>
    %add3A_1095 = arith.addi %slice3A_1093, %slice3A_1094 : vector<84x16x112xi16>
    %slice3A_1096 = vector.extract_strided_slice %add3A_1095 {offsets = [0, 0, 0], sizes = [42, 16, 112], strides = [1, 1, 1]} : vector<84x16x112xi16> to vector<42x16x112xi16>
    %slice3A_1097 = vector.extract_strided_slice %add3A_1095 {offsets = [42, 0, 0], sizes = [42, 16, 112], strides = [1, 1, 1]} : vector<84x16x112xi16> to vector<42x16x112xi16>
    %add3A_1098 = arith.addi %slice3A_1096, %slice3A_1097 : vector<42x16x112xi16>
    %slice3A_1099 = vector.extract_strided_slice %add3A_1098 {offsets = [0, 0, 0], sizes = [21, 16, 112], strides = [1, 1, 1]} : vector<42x16x112xi16> to vector<21x16x112xi16>
    %slice3A_1100 = vector.extract_strided_slice %add3A_1098 {offsets = [21, 0, 0], sizes = [21, 16, 112], strides = [1, 1, 1]} : vector<42x16x112xi16> to vector<21x16x112xi16>
    %add3A_1101 = arith.addi %slice3A_1099, %slice3A_1100 : vector<21x16x112xi16>
    %slice3A_1102 = vector.extract_strided_slice %add3A_1101 {offsets = [0, 0, 0], sizes = [7, 16, 112], strides = [1, 1, 1]} : vector<21x16x112xi16> to vector<7x16x112xi16>
    %slice3A_1103 = vector.extract_strided_slice %add3A_1101 {offsets = [7, 0, 0], sizes = [7, 16, 112], strides = [1, 1, 1]} : vector<21x16x112xi16> to vector<7x16x112xi16>
    %add3A_1104 = arith.addi %slice3A_1102, %slice3A_1103 : vector<7x16x112xi16>
    %slice3A_1105 = vector.extract_strided_slice %add3A_1101 {offsets = [14, 0, 0], sizes = [7, 16, 112], strides = [1, 1, 1]} : vector<21x16x112xi16> to vector<7x16x112xi16>
    %add3A_1106 = arith.addi %add3A_1104, %slice3A_1105 : vector<7x16x112xi16>
    %slice3A_1107 = vector.extract_strided_slice %add3A_1106 {offsets = [0, 0, 0], sizes = [1, 16, 112], strides = [1, 1, 1]} : vector<7x16x112xi16> to vector<1x16x112xi16>
    %slice3A_1108 = vector.extract_strided_slice %add3A_1106 {offsets = [1, 0, 0], sizes = [1, 16, 112], strides = [1, 1, 1]} : vector<7x16x112xi16> to vector<1x16x112xi16>
    %add3A_1109 = arith.addi %slice3A_1107, %slice3A_1108 : vector<1x16x112xi16>
    %slice3A_1110 = vector.extract_strided_slice %add3A_1106 {offsets = [2, 0, 0], sizes = [1, 16, 112], strides = [1, 1, 1]} : vector<7x16x112xi16> to vector<1x16x112xi16>
    %add3A_1111 = arith.addi %add3A_1109, %slice3A_1110 : vector<1x16x112xi16>
    %slice3A_1112 = vector.extract_strided_slice %add3A_1106 {offsets = [3, 0, 0], sizes = [1, 16, 112], strides = [1, 1, 1]} : vector<7x16x112xi16> to vector<1x16x112xi16>
    %add3A_1113 = arith.addi %add3A_1111, %slice3A_1112 : vector<1x16x112xi16>
    %slice3A_1114 = vector.extract_strided_slice %add3A_1106 {offsets = [4, 0, 0], sizes = [1, 16, 112], strides = [1, 1, 1]} : vector<7x16x112xi16> to vector<1x16x112xi16>
    %add3A_1115 = arith.addi %add3A_1113, %slice3A_1114 : vector<1x16x112xi16>
    %slice3A_1116 = vector.extract_strided_slice %add3A_1106 {offsets = [5, 0, 0], sizes = [1, 16, 112], strides = [1, 1, 1]} : vector<7x16x112xi16> to vector<1x16x112xi16>
    %add3A_1117 = arith.addi %add3A_1115, %slice3A_1116 : vector<1x16x112xi16>
    %slice3A_1118 = vector.extract_strided_slice %add3A_1106 {offsets = [6, 0, 0], sizes = [1, 16, 112], strides = [1, 1, 1]} : vector<7x16x112xi16> to vector<1x16x112xi16>
    %add3A_1119 = arith.addi %add3A_1117, %slice3A_1118 : vector<1x16x112xi16>
    %squeeze3A_1120 = vector.shape_cast %add3A_1119 : vector<1x16x112xi16> to vector<16x112xi16>
    %convert_element_type3A_1121 = arith.extsi %squeeze3A_1120 : vector<16x112xi16> to vector<16x112xi32>
    %reduce_sum3A_1122 = vector.shape_cast %convert_element_type3A_1121 : vector<16x112xi32> to vector<1x16x112xi32>
    %reduce_sum3A_1123 = arith.constant dense<0> : vector<1xi32>
    %reduce_sum3A_1124 = vector.multi_reduction <add>, %reduce_sum3A_1122, %reduce_sum3A_1123 [1, 2] : vector<1x16x112xi32> to vector<1xi32>
    %reduce_sum3A_1125 = vector.shape_cast %reduce_sum3A_1124 : vector<1xi32> to vector<1x1x1xi32>
    %reduce_sum3A_1126 = vector.extract %reduce_sum3A_1125[0, 0, 0] : i32 from vector<1x1x1xi32>
    %ge3A_1127 = arith.cmpi sge, %reduce_sum3A_1126, %sub3A_866 : i32
    %select_n3A_1128 = arith.select %ge3A_1127, %or3A_1080, %select_n3A_1078 : i32
    %or3A_1129 = arith.constant 1024 : i32
    %or3A_1130 = arith.ori %select_n3A_1128, %or3A_1129 : i32
    %broadcast_in_dim3A_1131 = vector.broadcast %or3A_1130 : i32 to vector<1x16x112xi32>
    %convert_element_type3A_1132 = arith.trunci %broadcast_in_dim3A_1131 : vector<1x16x112xi32> to vector<1x16x112xi16>
    %ge3A_1133 = vector.broadcast %convert_element_type3A_1132 : vector<1x16x112xi16> to vector<336x16x112xi16>
    %ge3A_1134 = arith.cmpi sge, %select_n3A_877, %ge3A_1133 : vector<336x16x112xi16>
    %jit3A_1135 = arith.constant 1 : i16
    %jit3A_1136 = arith.constant 0 : i16
    %broadcast_in_dim3A_1137 = vector.broadcast %jit3A_1135 : i16 to vector<336x16x112xi16>
    %broadcast_in_dim3A_1138 = vector.broadcast %jit3A_1136 : i16 to vector<336x16x112xi16>
    %select_n3A_1139 = arith.select %ge3A_1134, %broadcast_in_dim3A_1137, %broadcast_in_dim3A_1138 : vector<336x16x112xi1>, vector<336x16x112xi16>
    %slice3A_1140 = vector.extract_strided_slice %select_n3A_1139 {offsets = [0, 0, 0], sizes = [168, 16, 112], strides = [1, 1, 1]} : vector<336x16x112xi16> to vector<168x16x112xi16>
    %slice3A_1141 = vector.extract_strided_slice %select_n3A_1139 {offsets = [168, 0, 0], sizes = [168, 16, 112], strides = [1, 1, 1]} : vector<336x16x112xi16> to vector<168x16x112xi16>
    %add3A_1142 = arith.addi %slice3A_1140, %slice3A_1141 : vector<168x16x112xi16>
    %slice3A_1143 = vector.extract_strided_slice %add3A_1142 {offsets = [0, 0, 0], sizes = [84, 16, 112], strides = [1, 1, 1]} : vector<168x16x112xi16> to vector<84x16x112xi16>
    %slice3A_1144 = vector.extract_strided_slice %add3A_1142 {offsets = [84, 0, 0], sizes = [84, 16, 112], strides = [1, 1, 1]} : vector<168x16x112xi16> to vector<84x16x112xi16>
    %add3A_1145 = arith.addi %slice3A_1143, %slice3A_1144 : vector<84x16x112xi16>
    %slice3A_1146 = vector.extract_strided_slice %add3A_1145 {offsets = [0, 0, 0], sizes = [42, 16, 112], strides = [1, 1, 1]} : vector<84x16x112xi16> to vector<42x16x112xi16>
    %slice3A_1147 = vector.extract_strided_slice %add3A_1145 {offsets = [42, 0, 0], sizes = [42, 16, 112], strides = [1, 1, 1]} : vector<84x16x112xi16> to vector<42x16x112xi16>
    %add3A_1148 = arith.addi %slice3A_1146, %slice3A_1147 : vector<42x16x112xi16>
    %slice3A_1149 = vector.extract_strided_slice %add3A_1148 {offsets = [0, 0, 0], sizes = [21, 16, 112], strides = [1, 1, 1]} : vector<42x16x112xi16> to vector<21x16x112xi16>
    %slice3A_1150 = vector.extract_strided_slice %add3A_1148 {offsets = [21, 0, 0], sizes = [21, 16, 112], strides = [1, 1, 1]} : vector<42x16x112xi16> to vector<21x16x112xi16>
    %add3A_1151 = arith.addi %slice3A_1149, %slice3A_1150 : vector<21x16x112xi16>
    %slice3A_1152 = vector.extract_strided_slice %add3A_1151 {offsets = [0, 0, 0], sizes = [7, 16, 112], strides = [1, 1, 1]} : vector<21x16x112xi16> to vector<7x16x112xi16>
    %slice3A_1153 = vector.extract_strided_slice %add3A_1151 {offsets = [7, 0, 0], sizes = [7, 16, 112], strides = [1, 1, 1]} : vector<21x16x112xi16> to vector<7x16x112xi16>
    %add3A_1154 = arith.addi %slice3A_1152, %slice3A_1153 : vector<7x16x112xi16>
    %slice3A_1155 = vector.extract_strided_slice %add3A_1151 {offsets = [14, 0, 0], sizes = [7, 16, 112], strides = [1, 1, 1]} : vector<21x16x112xi16> to vector<7x16x112xi16>
    %add3A_1156 = arith.addi %add3A_1154, %slice3A_1155 : vector<7x16x112xi16>
    %slice3A_1157 = vector.extract_strided_slice %add3A_1156 {offsets = [0, 0, 0], sizes = [1, 16, 112], strides = [1, 1, 1]} : vector<7x16x112xi16> to vector<1x16x112xi16>
    %slice3A_1158 = vector.extract_strided_slice %add3A_1156 {offsets = [1, 0, 0], sizes = [1, 16, 112], strides = [1, 1, 1]} : vector<7x16x112xi16> to vector<1x16x112xi16>
    %add3A_1159 = arith.addi %slice3A_1157, %slice3A_1158 : vector<1x16x112xi16>
    %slice3A_1160 = vector.extract_strided_slice %add3A_1156 {offsets = [2, 0, 0], sizes = [1, 16, 112], strides = [1, 1, 1]} : vector<7x16x112xi16> to vector<1x16x112xi16>
    %add3A_1161 = arith.addi %add3A_1159, %slice3A_1160 : vector<1x16x112xi16>
    %slice3A_1162 = vector.extract_strided_slice %add3A_1156 {offsets = [3, 0, 0], sizes = [1, 16, 112], strides = [1, 1, 1]} : vector<7x16x112xi16> to vector<1x16x112xi16>
    %add3A_1163 = arith.addi %add3A_1161, %slice3A_1162 : vector<1x16x112xi16>
    %slice3A_1164 = vector.extract_strided_slice %add3A_1156 {offsets = [4, 0, 0], sizes = [1, 16, 112], strides = [1, 1, 1]} : vector<7x16x112xi16> to vector<1x16x112xi16>
    %add3A_1165 = arith.addi %add3A_1163, %slice3A_1164 : vector<1x16x112xi16>
    %slice3A_1166 = vector.extract_strided_slice %add3A_1156 {offsets = [5, 0, 0], sizes = [1, 16, 112], strides = [1, 1, 1]} : vector<7x16x112xi16> to vector<1x16x112xi16>
    %add3A_1167 = arith.addi %add3A_1165, %slice3A_1166 : vector<1x16x112xi16>
    %slice3A_1168 = vector.extract_strided_slice %add3A_1156 {offsets = [6, 0, 0], sizes = [1, 16, 112], strides = [1, 1, 1]} : vector<7x16x112xi16> to vector<1x16x112xi16>
    %add3A_1169 = arith.addi %add3A_1167, %slice3A_1168 : vector<1x16x112xi16>
    %squeeze3A_1170 = vector.shape_cast %add3A_1169 : vector<1x16x112xi16> to vector<16x112xi16>
    %convert_element_type3A_1171 = arith.extsi %squeeze3A_1170 : vector<16x112xi16> to vector<16x112xi32>
    %reduce_sum3A_1172 = vector.shape_cast %convert_element_type3A_1171 : vector<16x112xi32> to vector<1x16x112xi32>
    %reduce_sum3A_1173 = arith.constant dense<0> : vector<1xi32>
    %reduce_sum3A_1174 = vector.multi_reduction <add>, %reduce_sum3A_1172, %reduce_sum3A_1173 [1, 2] : vector<1x16x112xi32> to vector<1xi32>
    %reduce_sum3A_1175 = vector.shape_cast %reduce_sum3A_1174 : vector<1xi32> to vector<1x1x1xi32>
    %reduce_sum3A_1176 = vector.extract %reduce_sum3A_1175[0, 0, 0] : i32 from vector<1x1x1xi32>
    %ge3A_1177 = arith.cmpi sge, %reduce_sum3A_1176, %sub3A_866 : i32
    %select_n3A_1178 = arith.select %ge3A_1177, %or3A_1130, %select_n3A_1128 : i32
    %or3A_1179 = arith.constant 512 : i32
    %or3A_1180 = arith.ori %select_n3A_1178, %or3A_1179 : i32
    %broadcast_in_dim3A_1181 = vector.broadcast %or3A_1180 : i32 to vector<1x16x112xi32>
    %convert_element_type3A_1182 = arith.trunci %broadcast_in_dim3A_1181 : vector<1x16x112xi32> to vector<1x16x112xi16>
    %ge3A_1183 = vector.broadcast %convert_element_type3A_1182 : vector<1x16x112xi16> to vector<336x16x112xi16>
    %ge3A_1184 = arith.cmpi sge, %select_n3A_877, %ge3A_1183 : vector<336x16x112xi16>
    %jit3A_1185 = arith.constant 1 : i16
    %jit3A_1186 = arith.constant 0 : i16
    %broadcast_in_dim3A_1187 = vector.broadcast %jit3A_1185 : i16 to vector<336x16x112xi16>
    %broadcast_in_dim3A_1188 = vector.broadcast %jit3A_1186 : i16 to vector<336x16x112xi16>
    %select_n3A_1189 = arith.select %ge3A_1184, %broadcast_in_dim3A_1187, %broadcast_in_dim3A_1188 : vector<336x16x112xi1>, vector<336x16x112xi16>
    %slice3A_1190 = vector.extract_strided_slice %select_n3A_1189 {offsets = [0, 0, 0], sizes = [168, 16, 112], strides = [1, 1, 1]} : vector<336x16x112xi16> to vector<168x16x112xi16>
    %slice3A_1191 = vector.extract_strided_slice %select_n3A_1189 {offsets = [168, 0, 0], sizes = [168, 16, 112], strides = [1, 1, 1]} : vector<336x16x112xi16> to vector<168x16x112xi16>
    %add3A_1192 = arith.addi %slice3A_1190, %slice3A_1191 : vector<168x16x112xi16>
    %slice3A_1193 = vector.extract_strided_slice %add3A_1192 {offsets = [0, 0, 0], sizes = [84, 16, 112], strides = [1, 1, 1]} : vector<168x16x112xi16> to vector<84x16x112xi16>
    %slice3A_1194 = vector.extract_strided_slice %add3A_1192 {offsets = [84, 0, 0], sizes = [84, 16, 112], strides = [1, 1, 1]} : vector<168x16x112xi16> to vector<84x16x112xi16>
    %add3A_1195 = arith.addi %slice3A_1193, %slice3A_1194 : vector<84x16x112xi16>
    %slice3A_1196 = vector.extract_strided_slice %add3A_1195 {offsets = [0, 0, 0], sizes = [42, 16, 112], strides = [1, 1, 1]} : vector<84x16x112xi16> to vector<42x16x112xi16>
    %slice3A_1197 = vector.extract_strided_slice %add3A_1195 {offsets = [42, 0, 0], sizes = [42, 16, 112], strides = [1, 1, 1]} : vector<84x16x112xi16> to vector<42x16x112xi16>
    %add3A_1198 = arith.addi %slice3A_1196, %slice3A_1197 : vector<42x16x112xi16>
    %slice3A_1199 = vector.extract_strided_slice %add3A_1198 {offsets = [0, 0, 0], sizes = [21, 16, 112], strides = [1, 1, 1]} : vector<42x16x112xi16> to vector<21x16x112xi16>
    %slice3A_1200 = vector.extract_strided_slice %add3A_1198 {offsets = [21, 0, 0], sizes = [21, 16, 112], strides = [1, 1, 1]} : vector<42x16x112xi16> to vector<21x16x112xi16>
    %add3A_1201 = arith.addi %slice3A_1199, %slice3A_1200 : vector<21x16x112xi16>
    %slice3A_1202 = vector.extract_strided_slice %add3A_1201 {offsets = [0, 0, 0], sizes = [7, 16, 112], strides = [1, 1, 1]} : vector<21x16x112xi16> to vector<7x16x112xi16>
    %slice3A_1203 = vector.extract_strided_slice %add3A_1201 {offsets = [7, 0, 0], sizes = [7, 16, 112], strides = [1, 1, 1]} : vector<21x16x112xi16> to vector<7x16x112xi16>
    %add3A_1204 = arith.addi %slice3A_1202, %slice3A_1203 : vector<7x16x112xi16>
    %slice3A_1205 = vector.extract_strided_slice %add3A_1201 {offsets = [14, 0, 0], sizes = [7, 16, 112], strides = [1, 1, 1]} : vector<21x16x112xi16> to vector<7x16x112xi16>
    %add3A_1206 = arith.addi %add3A_1204, %slice3A_1205 : vector<7x16x112xi16>
    %slice3A_1207 = vector.extract_strided_slice %add3A_1206 {offsets = [0, 0, 0], sizes = [1, 16, 112], strides = [1, 1, 1]} : vector<7x16x112xi16> to vector<1x16x112xi16>
    %slice3A_1208 = vector.extract_strided_slice %add3A_1206 {offsets = [1, 0, 0], sizes = [1, 16, 112], strides = [1, 1, 1]} : vector<7x16x112xi16> to vector<1x16x112xi16>
    %add3A_1209 = arith.addi %slice3A_1207, %slice3A_1208 : vector<1x16x112xi16>
    %slice3A_1210 = vector.extract_strided_slice %add3A_1206 {offsets = [2, 0, 0], sizes = [1, 16, 112], strides = [1, 1, 1]} : vector<7x16x112xi16> to vector<1x16x112xi16>
    %add3A_1211 = arith.addi %add3A_1209, %slice3A_1210 : vector<1x16x112xi16>
    %slice3A_1212 = vector.extract_strided_slice %add3A_1206 {offsets = [3, 0, 0], sizes = [1, 16, 112], strides = [1, 1, 1]} : vector<7x16x112xi16> to vector<1x16x112xi16>
    %add3A_1213 = arith.addi %add3A_1211, %slice3A_1212 : vector<1x16x112xi16>
    %slice3A_1214 = vector.extract_strided_slice %add3A_1206 {offsets = [4, 0, 0], sizes = [1, 16, 112], strides = [1, 1, 1]} : vector<7x16x112xi16> to vector<1x16x112xi16>
    %add3A_1215 = arith.addi %add3A_1213, %slice3A_1214 : vector<1x16x112xi16>
    %slice3A_1216 = vector.extract_strided_slice %add3A_1206 {offsets = [5, 0, 0], sizes = [1, 16, 112], strides = [1, 1, 1]} : vector<7x16x112xi16> to vector<1x16x112xi16>
    %add3A_1217 = arith.addi %add3A_1215, %slice3A_1216 : vector<1x16x112xi16>
    %slice3A_1218 = vector.extract_strided_slice %add3A_1206 {offsets = [6, 0, 0], sizes = [1, 16, 112], strides = [1, 1, 1]} : vector<7x16x112xi16> to vector<1x16x112xi16>
    %add3A_1219 = arith.addi %add3A_1217, %slice3A_1218 : vector<1x16x112xi16>
    %squeeze3A_1220 = vector.shape_cast %add3A_1219 : vector<1x16x112xi16> to vector<16x112xi16>
    %convert_element_type3A_1221 = arith.extsi %squeeze3A_1220 : vector<16x112xi16> to vector<16x112xi32>
    %reduce_sum3A_1222 = vector.shape_cast %convert_element_type3A_1221 : vector<16x112xi32> to vector<1x16x112xi32>
    %reduce_sum3A_1223 = arith.constant dense<0> : vector<1xi32>
    %reduce_sum3A_1224 = vector.multi_reduction <add>, %reduce_sum3A_1222, %reduce_sum3A_1223 [1, 2] : vector<1x16x112xi32> to vector<1xi32>
    %reduce_sum3A_1225 = vector.shape_cast %reduce_sum3A_1224 : vector<1xi32> to vector<1x1x1xi32>
    %reduce_sum3A_1226 = vector.extract %reduce_sum3A_1225[0, 0, 0] : i32 from vector<1x1x1xi32>
    %ge3A_1227 = arith.cmpi sge, %reduce_sum3A_1226, %sub3A_866 : i32
    %select_n3A_1228 = arith.select %ge3A_1227, %or3A_1180, %select_n3A_1178 : i32
    %or3A_1229 = arith.constant 256 : i32
    %or3A_1230 = arith.ori %select_n3A_1228, %or3A_1229 : i32
    %broadcast_in_dim3A_1231 = vector.broadcast %or3A_1230 : i32 to vector<1x16x112xi32>
    %convert_element_type3A_1232 = arith.trunci %broadcast_in_dim3A_1231 : vector<1x16x112xi32> to vector<1x16x112xi16>
    %ge3A_1233 = vector.broadcast %convert_element_type3A_1232 : vector<1x16x112xi16> to vector<336x16x112xi16>
    %ge3A_1234 = arith.cmpi sge, %select_n3A_877, %ge3A_1233 : vector<336x16x112xi16>
    %jit3A_1235 = arith.constant 1 : i16
    %jit3A_1236 = arith.constant 0 : i16
    %broadcast_in_dim3A_1237 = vector.broadcast %jit3A_1235 : i16 to vector<336x16x112xi16>
    %broadcast_in_dim3A_1238 = vector.broadcast %jit3A_1236 : i16 to vector<336x16x112xi16>
    %select_n3A_1239 = arith.select %ge3A_1234, %broadcast_in_dim3A_1237, %broadcast_in_dim3A_1238 : vector<336x16x112xi1>, vector<336x16x112xi16>
    %slice3A_1240 = vector.extract_strided_slice %select_n3A_1239 {offsets = [0, 0, 0], sizes = [168, 16, 112], strides = [1, 1, 1]} : vector<336x16x112xi16> to vector<168x16x112xi16>
    %slice3A_1241 = vector.extract_strided_slice %select_n3A_1239 {offsets = [168, 0, 0], sizes = [168, 16, 112], strides = [1, 1, 1]} : vector<336x16x112xi16> to vector<168x16x112xi16>
    %add3A_1242 = arith.addi %slice3A_1240, %slice3A_1241 : vector<168x16x112xi16>
    %slice3A_1243 = vector.extract_strided_slice %add3A_1242 {offsets = [0, 0, 0], sizes = [84, 16, 112], strides = [1, 1, 1]} : vector<168x16x112xi16> to vector<84x16x112xi16>
    %slice3A_1244 = vector.extract_strided_slice %add3A_1242 {offsets = [84, 0, 0], sizes = [84, 16, 112], strides = [1, 1, 1]} : vector<168x16x112xi16> to vector<84x16x112xi16>
    %add3A_1245 = arith.addi %slice3A_1243, %slice3A_1244 : vector<84x16x112xi16>
    %slice3A_1246 = vector.extract_strided_slice %add3A_1245 {offsets = [0, 0, 0], sizes = [42, 16, 112], strides = [1, 1, 1]} : vector<84x16x112xi16> to vector<42x16x112xi16>
    %slice3A_1247 = vector.extract_strided_slice %add3A_1245 {offsets = [42, 0, 0], sizes = [42, 16, 112], strides = [1, 1, 1]} : vector<84x16x112xi16> to vector<42x16x112xi16>
    %add3A_1248 = arith.addi %slice3A_1246, %slice3A_1247 : vector<42x16x112xi16>
    %slice3A_1249 = vector.extract_strided_slice %add3A_1248 {offsets = [0, 0, 0], sizes = [21, 16, 112], strides = [1, 1, 1]} : vector<42x16x112xi16> to vector<21x16x112xi16>
    %slice3A_1250 = vector.extract_strided_slice %add3A_1248 {offsets = [21, 0, 0], sizes = [21, 16, 112], strides = [1, 1, 1]} : vector<42x16x112xi16> to vector<21x16x112xi16>
    %add3A_1251 = arith.addi %slice3A_1249, %slice3A_1250 : vector<21x16x112xi16>
    %slice3A_1252 = vector.extract_strided_slice %add3A_1251 {offsets = [0, 0, 0], sizes = [7, 16, 112], strides = [1, 1, 1]} : vector<21x16x112xi16> to vector<7x16x112xi16>
    %slice3A_1253 = vector.extract_strided_slice %add3A_1251 {offsets = [7, 0, 0], sizes = [7, 16, 112], strides = [1, 1, 1]} : vector<21x16x112xi16> to vector<7x16x112xi16>
    %add3A_1254 = arith.addi %slice3A_1252, %slice3A_1253 : vector<7x16x112xi16>
    %slice3A_1255 = vector.extract_strided_slice %add3A_1251 {offsets = [14, 0, 0], sizes = [7, 16, 112], strides = [1, 1, 1]} : vector<21x16x112xi16> to vector<7x16x112xi16>
    %add3A_1256 = arith.addi %add3A_1254, %slice3A_1255 : vector<7x16x112xi16>
    %slice3A_1257 = vector.extract_strided_slice %add3A_1256 {offsets = [0, 0, 0], sizes = [1, 16, 112], strides = [1, 1, 1]} : vector<7x16x112xi16> to vector<1x16x112xi16>
    %slice3A_1258 = vector.extract_strided_slice %add3A_1256 {offsets = [1, 0, 0], sizes = [1, 16, 112], strides = [1, 1, 1]} : vector<7x16x112xi16> to vector<1x16x112xi16>
    %add3A_1259 = arith.addi %slice3A_1257, %slice3A_1258 : vector<1x16x112xi16>
    %slice3A_1260 = vector.extract_strided_slice %add3A_1256 {offsets = [2, 0, 0], sizes = [1, 16, 112], strides = [1, 1, 1]} : vector<7x16x112xi16> to vector<1x16x112xi16>
    %add3A_1261 = arith.addi %add3A_1259, %slice3A_1260 : vector<1x16x112xi16>
    %slice3A_1262 = vector.extract_strided_slice %add3A_1256 {offsets = [3, 0, 0], sizes = [1, 16, 112], strides = [1, 1, 1]} : vector<7x16x112xi16> to vector<1x16x112xi16>
    %add3A_1263 = arith.addi %add3A_1261, %slice3A_1262 : vector<1x16x112xi16>
    %slice3A_1264 = vector.extract_strided_slice %add3A_1256 {offsets = [4, 0, 0], sizes = [1, 16, 112], strides = [1, 1, 1]} : vector<7x16x112xi16> to vector<1x16x112xi16>
    %add3A_1265 = arith.addi %add3A_1263, %slice3A_1264 : vector<1x16x112xi16>
    %slice3A_1266 = vector.extract_strided_slice %add3A_1256 {offsets = [5, 0, 0], sizes = [1, 16, 112], strides = [1, 1, 1]} : vector<7x16x112xi16> to vector<1x16x112xi16>
    %add3A_1267 = arith.addi %add3A_1265, %slice3A_1266 : vector<1x16x112xi16>
    %slice3A_1268 = vector.extract_strided_slice %add3A_1256 {offsets = [6, 0, 0], sizes = [1, 16, 112], strides = [1, 1, 1]} : vector<7x16x112xi16> to vector<1x16x112xi16>
    %add3A_1269 = arith.addi %add3A_1267, %slice3A_1268 : vector<1x16x112xi16>
    %squeeze3A_1270 = vector.shape_cast %add3A_1269 : vector<1x16x112xi16> to vector<16x112xi16>
    %convert_element_type3A_1271 = arith.extsi %squeeze3A_1270 : vector<16x112xi16> to vector<16x112xi32>
    %reduce_sum3A_1272 = vector.shape_cast %convert_element_type3A_1271 : vector<16x112xi32> to vector<1x16x112xi32>
    %reduce_sum3A_1273 = arith.constant dense<0> : vector<1xi32>
    %reduce_sum3A_1274 = vector.multi_reduction <add>, %reduce_sum3A_1272, %reduce_sum3A_1273 [1, 2] : vector<1x16x112xi32> to vector<1xi32>
    %reduce_sum3A_1275 = vector.shape_cast %reduce_sum3A_1274 : vector<1xi32> to vector<1x1x1xi32>
    %reduce_sum3A_1276 = vector.extract %reduce_sum3A_1275[0, 0, 0] : i32 from vector<1x1x1xi32>
    %ge3A_1277 = arith.cmpi sge, %reduce_sum3A_1276, %sub3A_866 : i32
    %select_n3A_1278 = arith.select %ge3A_1277, %or3A_1230, %select_n3A_1228 : i32
    %or3A_1279 = arith.constant 128 : i32
    %or3A_1280 = arith.ori %select_n3A_1278, %or3A_1279 : i32
    %broadcast_in_dim3A_1281 = vector.broadcast %or3A_1280 : i32 to vector<1x16x112xi32>
    %convert_element_type3A_1282 = arith.trunci %broadcast_in_dim3A_1281 : vector<1x16x112xi32> to vector<1x16x112xi16>
    %ge3A_1283 = vector.broadcast %convert_element_type3A_1282 : vector<1x16x112xi16> to vector<336x16x112xi16>
    %ge3A_1284 = arith.cmpi sge, %select_n3A_877, %ge3A_1283 : vector<336x16x112xi16>
    %jit3A_1285 = arith.constant 1 : i16
    %jit3A_1286 = arith.constant 0 : i16
    %broadcast_in_dim3A_1287 = vector.broadcast %jit3A_1285 : i16 to vector<336x16x112xi16>
    %broadcast_in_dim3A_1288 = vector.broadcast %jit3A_1286 : i16 to vector<336x16x112xi16>
    %select_n3A_1289 = arith.select %ge3A_1284, %broadcast_in_dim3A_1287, %broadcast_in_dim3A_1288 : vector<336x16x112xi1>, vector<336x16x112xi16>
    %slice3A_1290 = vector.extract_strided_slice %select_n3A_1289 {offsets = [0, 0, 0], sizes = [168, 16, 112], strides = [1, 1, 1]} : vector<336x16x112xi16> to vector<168x16x112xi16>
    %slice3A_1291 = vector.extract_strided_slice %select_n3A_1289 {offsets = [168, 0, 0], sizes = [168, 16, 112], strides = [1, 1, 1]} : vector<336x16x112xi16> to vector<168x16x112xi16>
    %add3A_1292 = arith.addi %slice3A_1290, %slice3A_1291 : vector<168x16x112xi16>
    %slice3A_1293 = vector.extract_strided_slice %add3A_1292 {offsets = [0, 0, 0], sizes = [84, 16, 112], strides = [1, 1, 1]} : vector<168x16x112xi16> to vector<84x16x112xi16>
    %slice3A_1294 = vector.extract_strided_slice %add3A_1292 {offsets = [84, 0, 0], sizes = [84, 16, 112], strides = [1, 1, 1]} : vector<168x16x112xi16> to vector<84x16x112xi16>
    %add3A_1295 = arith.addi %slice3A_1293, %slice3A_1294 : vector<84x16x112xi16>
    %slice3A_1296 = vector.extract_strided_slice %add3A_1295 {offsets = [0, 0, 0], sizes = [42, 16, 112], strides = [1, 1, 1]} : vector<84x16x112xi16> to vector<42x16x112xi16>
    %slice3A_1297 = vector.extract_strided_slice %add3A_1295 {offsets = [42, 0, 0], sizes = [42, 16, 112], strides = [1, 1, 1]} : vector<84x16x112xi16> to vector<42x16x112xi16>
    %add3A_1298 = arith.addi %slice3A_1296, %slice3A_1297 : vector<42x16x112xi16>
    %slice3A_1299 = vector.extract_strided_slice %add3A_1298 {offsets = [0, 0, 0], sizes = [21, 16, 112], strides = [1, 1, 1]} : vector<42x16x112xi16> to vector<21x16x112xi16>
    %slice3A_1300 = vector.extract_strided_slice %add3A_1298 {offsets = [21, 0, 0], sizes = [21, 16, 112], strides = [1, 1, 1]} : vector<42x16x112xi16> to vector<21x16x112xi16>
    %add3A_1301 = arith.addi %slice3A_1299, %slice3A_1300 : vector<21x16x112xi16>
    %slice3A_1302 = vector.extract_strided_slice %add3A_1301 {offsets = [0, 0, 0], sizes = [7, 16, 112], strides = [1, 1, 1]} : vector<21x16x112xi16> to vector<7x16x112xi16>
    %slice3A_1303 = vector.extract_strided_slice %add3A_1301 {offsets = [7, 0, 0], sizes = [7, 16, 112], strides = [1, 1, 1]} : vector<21x16x112xi16> to vector<7x16x112xi16>
    %add3A_1304 = arith.addi %slice3A_1302, %slice3A_1303 : vector<7x16x112xi16>
    %slice3A_1305 = vector.extract_strided_slice %add3A_1301 {offsets = [14, 0, 0], sizes = [7, 16, 112], strides = [1, 1, 1]} : vector<21x16x112xi16> to vector<7x16x112xi16>
    %add3A_1306 = arith.addi %add3A_1304, %slice3A_1305 : vector<7x16x112xi16>
    %slice3A_1307 = vector.extract_strided_slice %add3A_1306 {offsets = [0, 0, 0], sizes = [1, 16, 112], strides = [1, 1, 1]} : vector<7x16x112xi16> to vector<1x16x112xi16>
    %slice3A_1308 = vector.extract_strided_slice %add3A_1306 {offsets = [1, 0, 0], sizes = [1, 16, 112], strides = [1, 1, 1]} : vector<7x16x112xi16> to vector<1x16x112xi16>
    %add3A_1309 = arith.addi %slice3A_1307, %slice3A_1308 : vector<1x16x112xi16>
    %slice3A_1310 = vector.extract_strided_slice %add3A_1306 {offsets = [2, 0, 0], sizes = [1, 16, 112], strides = [1, 1, 1]} : vector<7x16x112xi16> to vector<1x16x112xi16>
    %add3A_1311 = arith.addi %add3A_1309, %slice3A_1310 : vector<1x16x112xi16>
    %slice3A_1312 = vector.extract_strided_slice %add3A_1306 {offsets = [3, 0, 0], sizes = [1, 16, 112], strides = [1, 1, 1]} : vector<7x16x112xi16> to vector<1x16x112xi16>
    %add3A_1313 = arith.addi %add3A_1311, %slice3A_1312 : vector<1x16x112xi16>
    %slice3A_1314 = vector.extract_strided_slice %add3A_1306 {offsets = [4, 0, 0], sizes = [1, 16, 112], strides = [1, 1, 1]} : vector<7x16x112xi16> to vector<1x16x112xi16>
    %add3A_1315 = arith.addi %add3A_1313, %slice3A_1314 : vector<1x16x112xi16>
    %slice3A_1316 = vector.extract_strided_slice %add3A_1306 {offsets = [5, 0, 0], sizes = [1, 16, 112], strides = [1, 1, 1]} : vector<7x16x112xi16> to vector<1x16x112xi16>
    %add3A_1317 = arith.addi %add3A_1315, %slice3A_1316 : vector<1x16x112xi16>
    %slice3A_1318 = vector.extract_strided_slice %add3A_1306 {offsets = [6, 0, 0], sizes = [1, 16, 112], strides = [1, 1, 1]} : vector<7x16x112xi16> to vector<1x16x112xi16>
    %add3A_1319 = arith.addi %add3A_1317, %slice3A_1318 : vector<1x16x112xi16>
    %squeeze3A_1320 = vector.shape_cast %add3A_1319 : vector<1x16x112xi16> to vector<16x112xi16>
    %convert_element_type3A_1321 = arith.extsi %squeeze3A_1320 : vector<16x112xi16> to vector<16x112xi32>
    %reduce_sum3A_1322 = vector.shape_cast %convert_element_type3A_1321 : vector<16x112xi32> to vector<1x16x112xi32>
    %reduce_sum3A_1323 = arith.constant dense<0> : vector<1xi32>
    %reduce_sum3A_1324 = vector.multi_reduction <add>, %reduce_sum3A_1322, %reduce_sum3A_1323 [1, 2] : vector<1x16x112xi32> to vector<1xi32>
    %reduce_sum3A_1325 = vector.shape_cast %reduce_sum3A_1324 : vector<1xi32> to vector<1x1x1xi32>
    %reduce_sum3A_1326 = vector.extract %reduce_sum3A_1325[0, 0, 0] : i32 from vector<1x1x1xi32>
    %ge3A_1327 = arith.cmpi sge, %reduce_sum3A_1326, %sub3A_866 : i32
    %select_n3A_1328 = arith.select %ge3A_1327, %or3A_1280, %select_n3A_1278 : i32
    %or3A_1329 = arith.constant 64 : i32
    %or3A_1330 = arith.ori %select_n3A_1328, %or3A_1329 : i32
    %broadcast_in_dim3A_1331 = vector.broadcast %or3A_1330 : i32 to vector<1x16x112xi32>
    %convert_element_type3A_1332 = arith.trunci %broadcast_in_dim3A_1331 : vector<1x16x112xi32> to vector<1x16x112xi16>
    %ge3A_1333 = vector.broadcast %convert_element_type3A_1332 : vector<1x16x112xi16> to vector<336x16x112xi16>
    %ge3A_1334 = arith.cmpi sge, %select_n3A_877, %ge3A_1333 : vector<336x16x112xi16>
    %jit3A_1335 = arith.constant 1 : i16
    %jit3A_1336 = arith.constant 0 : i16
    %broadcast_in_dim3A_1337 = vector.broadcast %jit3A_1335 : i16 to vector<336x16x112xi16>
    %broadcast_in_dim3A_1338 = vector.broadcast %jit3A_1336 : i16 to vector<336x16x112xi16>
    %select_n3A_1339 = arith.select %ge3A_1334, %broadcast_in_dim3A_1337, %broadcast_in_dim3A_1338 : vector<336x16x112xi1>, vector<336x16x112xi16>
    %slice3A_1340 = vector.extract_strided_slice %select_n3A_1339 {offsets = [0, 0, 0], sizes = [168, 16, 112], strides = [1, 1, 1]} : vector<336x16x112xi16> to vector<168x16x112xi16>
    %slice3A_1341 = vector.extract_strided_slice %select_n3A_1339 {offsets = [168, 0, 0], sizes = [168, 16, 112], strides = [1, 1, 1]} : vector<336x16x112xi16> to vector<168x16x112xi16>
    %add3A_1342 = arith.addi %slice3A_1340, %slice3A_1341 : vector<168x16x112xi16>
    %slice3A_1343 = vector.extract_strided_slice %add3A_1342 {offsets = [0, 0, 0], sizes = [84, 16, 112], strides = [1, 1, 1]} : vector<168x16x112xi16> to vector<84x16x112xi16>
    %slice3A_1344 = vector.extract_strided_slice %add3A_1342 {offsets = [84, 0, 0], sizes = [84, 16, 112], strides = [1, 1, 1]} : vector<168x16x112xi16> to vector<84x16x112xi16>
    %add3A_1345 = arith.addi %slice3A_1343, %slice3A_1344 : vector<84x16x112xi16>
    %slice3A_1346 = vector.extract_strided_slice %add3A_1345 {offsets = [0, 0, 0], sizes = [42, 16, 112], strides = [1, 1, 1]} : vector<84x16x112xi16> to vector<42x16x112xi16>
    %slice3A_1347 = vector.extract_strided_slice %add3A_1345 {offsets = [42, 0, 0], sizes = [42, 16, 112], strides = [1, 1, 1]} : vector<84x16x112xi16> to vector<42x16x112xi16>
    %add3A_1348 = arith.addi %slice3A_1346, %slice3A_1347 : vector<42x16x112xi16>
    %slice3A_1349 = vector.extract_strided_slice %add3A_1348 {offsets = [0, 0, 0], sizes = [21, 16, 112], strides = [1, 1, 1]} : vector<42x16x112xi16> to vector<21x16x112xi16>
    %slice3A_1350 = vector.extract_strided_slice %add3A_1348 {offsets = [21, 0, 0], sizes = [21, 16, 112], strides = [1, 1, 1]} : vector<42x16x112xi16> to vector<21x16x112xi16>
    %add3A_1351 = arith.addi %slice3A_1349, %slice3A_1350 : vector<21x16x112xi16>
    %slice3A_1352 = vector.extract_strided_slice %add3A_1351 {offsets = [0, 0, 0], sizes = [7, 16, 112], strides = [1, 1, 1]} : vector<21x16x112xi16> to vector<7x16x112xi16>
    %slice3A_1353 = vector.extract_strided_slice %add3A_1351 {offsets = [7, 0, 0], sizes = [7, 16, 112], strides = [1, 1, 1]} : vector<21x16x112xi16> to vector<7x16x112xi16>
    %add3A_1354 = arith.addi %slice3A_1352, %slice3A_1353 : vector<7x16x112xi16>
    %slice3A_1355 = vector.extract_strided_slice %add3A_1351 {offsets = [14, 0, 0], sizes = [7, 16, 112], strides = [1, 1, 1]} : vector<21x16x112xi16> to vector<7x16x112xi16>
    %add3A_1356 = arith.addi %add3A_1354, %slice3A_1355 : vector<7x16x112xi16>
    %slice3A_1357 = vector.extract_strided_slice %add3A_1356 {offsets = [0, 0, 0], sizes = [1, 16, 112], strides = [1, 1, 1]} : vector<7x16x112xi16> to vector<1x16x112xi16>
    %slice3A_1358 = vector.extract_strided_slice %add3A_1356 {offsets = [1, 0, 0], sizes = [1, 16, 112], strides = [1, 1, 1]} : vector<7x16x112xi16> to vector<1x16x112xi16>
    %add3A_1359 = arith.addi %slice3A_1357, %slice3A_1358 : vector<1x16x112xi16>
    %slice3A_1360 = vector.extract_strided_slice %add3A_1356 {offsets = [2, 0, 0], sizes = [1, 16, 112], strides = [1, 1, 1]} : vector<7x16x112xi16> to vector<1x16x112xi16>
    %add3A_1361 = arith.addi %add3A_1359, %slice3A_1360 : vector<1x16x112xi16>
    %slice3A_1362 = vector.extract_strided_slice %add3A_1356 {offsets = [3, 0, 0], sizes = [1, 16, 112], strides = [1, 1, 1]} : vector<7x16x112xi16> to vector<1x16x112xi16>
    %add3A_1363 = arith.addi %add3A_1361, %slice3A_1362 : vector<1x16x112xi16>
    %slice3A_1364 = vector.extract_strided_slice %add3A_1356 {offsets = [4, 0, 0], sizes = [1, 16, 112], strides = [1, 1, 1]} : vector<7x16x112xi16> to vector<1x16x112xi16>
    %add3A_1365 = arith.addi %add3A_1363, %slice3A_1364 : vector<1x16x112xi16>
    %slice3A_1366 = vector.extract_strided_slice %add3A_1356 {offsets = [5, 0, 0], sizes = [1, 16, 112], strides = [1, 1, 1]} : vector<7x16x112xi16> to vector<1x16x112xi16>
    %add3A_1367 = arith.addi %add3A_1365, %slice3A_1366 : vector<1x16x112xi16>
    %slice3A_1368 = vector.extract_strided_slice %add3A_1356 {offsets = [6, 0, 0], sizes = [1, 16, 112], strides = [1, 1, 1]} : vector<7x16x112xi16> to vector<1x16x112xi16>
    %add3A_1369 = arith.addi %add3A_1367, %slice3A_1368 : vector<1x16x112xi16>
    %squeeze3A_1370 = vector.shape_cast %add3A_1369 : vector<1x16x112xi16> to vector<16x112xi16>
    %convert_element_type3A_1371 = arith.extsi %squeeze3A_1370 : vector<16x112xi16> to vector<16x112xi32>
    %reduce_sum3A_1372 = vector.shape_cast %convert_element_type3A_1371 : vector<16x112xi32> to vector<1x16x112xi32>
    %reduce_sum3A_1373 = arith.constant dense<0> : vector<1xi32>
    %reduce_sum3A_1374 = vector.multi_reduction <add>, %reduce_sum3A_1372, %reduce_sum3A_1373 [1, 2] : vector<1x16x112xi32> to vector<1xi32>
    %reduce_sum3A_1375 = vector.shape_cast %reduce_sum3A_1374 : vector<1xi32> to vector<1x1x1xi32>
    %reduce_sum3A_1376 = vector.extract %reduce_sum3A_1375[0, 0, 0] : i32 from vector<1x1x1xi32>
    %ge3A_1377 = arith.cmpi sge, %reduce_sum3A_1376, %sub3A_866 : i32
    %select_n3A_1378 = arith.select %ge3A_1377, %or3A_1330, %select_n3A_1328 : i32
    %or3A_1379 = arith.constant 32 : i32
    %or3A_1380 = arith.ori %select_n3A_1378, %or3A_1379 : i32
    %broadcast_in_dim3A_1381 = vector.broadcast %or3A_1380 : i32 to vector<1x16x112xi32>
    %convert_element_type3A_1382 = arith.trunci %broadcast_in_dim3A_1381 : vector<1x16x112xi32> to vector<1x16x112xi16>
    %ge3A_1383 = vector.broadcast %convert_element_type3A_1382 : vector<1x16x112xi16> to vector<336x16x112xi16>
    %ge3A_1384 = arith.cmpi sge, %select_n3A_877, %ge3A_1383 : vector<336x16x112xi16>
    %jit3A_1385 = arith.constant 1 : i16
    %jit3A_1386 = arith.constant 0 : i16
    %broadcast_in_dim3A_1387 = vector.broadcast %jit3A_1385 : i16 to vector<336x16x112xi16>
    %broadcast_in_dim3A_1388 = vector.broadcast %jit3A_1386 : i16 to vector<336x16x112xi16>
    %select_n3A_1389 = arith.select %ge3A_1384, %broadcast_in_dim3A_1387, %broadcast_in_dim3A_1388 : vector<336x16x112xi1>, vector<336x16x112xi16>
    %slice3A_1390 = vector.extract_strided_slice %select_n3A_1389 {offsets = [0, 0, 0], sizes = [168, 16, 112], strides = [1, 1, 1]} : vector<336x16x112xi16> to vector<168x16x112xi16>
    %slice3A_1391 = vector.extract_strided_slice %select_n3A_1389 {offsets = [168, 0, 0], sizes = [168, 16, 112], strides = [1, 1, 1]} : vector<336x16x112xi16> to vector<168x16x112xi16>
    %add3A_1392 = arith.addi %slice3A_1390, %slice3A_1391 : vector<168x16x112xi16>
    %slice3A_1393 = vector.extract_strided_slice %add3A_1392 {offsets = [0, 0, 0], sizes = [84, 16, 112], strides = [1, 1, 1]} : vector<168x16x112xi16> to vector<84x16x112xi16>
    %slice3A_1394 = vector.extract_strided_slice %add3A_1392 {offsets = [84, 0, 0], sizes = [84, 16, 112], strides = [1, 1, 1]} : vector<168x16x112xi16> to vector<84x16x112xi16>
    %add3A_1395 = arith.addi %slice3A_1393, %slice3A_1394 : vector<84x16x112xi16>
    %slice3A_1396 = vector.extract_strided_slice %add3A_1395 {offsets = [0, 0, 0], sizes = [42, 16, 112], strides = [1, 1, 1]} : vector<84x16x112xi16> to vector<42x16x112xi16>
    %slice3A_1397 = vector.extract_strided_slice %add3A_1395 {offsets = [42, 0, 0], sizes = [42, 16, 112], strides = [1, 1, 1]} : vector<84x16x112xi16> to vector<42x16x112xi16>
    %add3A_1398 = arith.addi %slice3A_1396, %slice3A_1397 : vector<42x16x112xi16>
    %slice3A_1399 = vector.extract_strided_slice %add3A_1398 {offsets = [0, 0, 0], sizes = [21, 16, 112], strides = [1, 1, 1]} : vector<42x16x112xi16> to vector<21x16x112xi16>
    %slice3A_1400 = vector.extract_strided_slice %add3A_1398 {offsets = [21, 0, 0], sizes = [21, 16, 112], strides = [1, 1, 1]} : vector<42x16x112xi16> to vector<21x16x112xi16>
    %add3A_1401 = arith.addi %slice3A_1399, %slice3A_1400 : vector<21x16x112xi16>
    %slice3A_1402 = vector.extract_strided_slice %add3A_1401 {offsets = [0, 0, 0], sizes = [7, 16, 112], strides = [1, 1, 1]} : vector<21x16x112xi16> to vector<7x16x112xi16>
    %slice3A_1403 = vector.extract_strided_slice %add3A_1401 {offsets = [7, 0, 0], sizes = [7, 16, 112], strides = [1, 1, 1]} : vector<21x16x112xi16> to vector<7x16x112xi16>
    %add3A_1404 = arith.addi %slice3A_1402, %slice3A_1403 : vector<7x16x112xi16>
    %slice3A_1405 = vector.extract_strided_slice %add3A_1401 {offsets = [14, 0, 0], sizes = [7, 16, 112], strides = [1, 1, 1]} : vector<21x16x112xi16> to vector<7x16x112xi16>
    %add3A_1406 = arith.addi %add3A_1404, %slice3A_1405 : vector<7x16x112xi16>
    %slice3A_1407 = vector.extract_strided_slice %add3A_1406 {offsets = [0, 0, 0], sizes = [1, 16, 112], strides = [1, 1, 1]} : vector<7x16x112xi16> to vector<1x16x112xi16>
    %slice3A_1408 = vector.extract_strided_slice %add3A_1406 {offsets = [1, 0, 0], sizes = [1, 16, 112], strides = [1, 1, 1]} : vector<7x16x112xi16> to vector<1x16x112xi16>
    %add3A_1409 = arith.addi %slice3A_1407, %slice3A_1408 : vector<1x16x112xi16>
    %slice3A_1410 = vector.extract_strided_slice %add3A_1406 {offsets = [2, 0, 0], sizes = [1, 16, 112], strides = [1, 1, 1]} : vector<7x16x112xi16> to vector<1x16x112xi16>
    %add3A_1411 = arith.addi %add3A_1409, %slice3A_1410 : vector<1x16x112xi16>
    %slice3A_1412 = vector.extract_strided_slice %add3A_1406 {offsets = [3, 0, 0], sizes = [1, 16, 112], strides = [1, 1, 1]} : vector<7x16x112xi16> to vector<1x16x112xi16>
    %add3A_1413 = arith.addi %add3A_1411, %slice3A_1412 : vector<1x16x112xi16>
    %slice3A_1414 = vector.extract_strided_slice %add3A_1406 {offsets = [4, 0, 0], sizes = [1, 16, 112], strides = [1, 1, 1]} : vector<7x16x112xi16> to vector<1x16x112xi16>
    %add3A_1415 = arith.addi %add3A_1413, %slice3A_1414 : vector<1x16x112xi16>
    %slice3A_1416 = vector.extract_strided_slice %add3A_1406 {offsets = [5, 0, 0], sizes = [1, 16, 112], strides = [1, 1, 1]} : vector<7x16x112xi16> to vector<1x16x112xi16>
    %add3A_1417 = arith.addi %add3A_1415, %slice3A_1416 : vector<1x16x112xi16>
    %slice3A_1418 = vector.extract_strided_slice %add3A_1406 {offsets = [6, 0, 0], sizes = [1, 16, 112], strides = [1, 1, 1]} : vector<7x16x112xi16> to vector<1x16x112xi16>
    %add3A_1419 = arith.addi %add3A_1417, %slice3A_1418 : vector<1x16x112xi16>
    %squeeze3A_1420 = vector.shape_cast %add3A_1419 : vector<1x16x112xi16> to vector<16x112xi16>
    %convert_element_type3A_1421 = arith.extsi %squeeze3A_1420 : vector<16x112xi16> to vector<16x112xi32>
    %reduce_sum3A_1422 = vector.shape_cast %convert_element_type3A_1421 : vector<16x112xi32> to vector<1x16x112xi32>
    %reduce_sum3A_1423 = arith.constant dense<0> : vector<1xi32>
    %reduce_sum3A_1424 = vector.multi_reduction <add>, %reduce_sum3A_1422, %reduce_sum3A_1423 [1, 2] : vector<1x16x112xi32> to vector<1xi32>
    %reduce_sum3A_1425 = vector.shape_cast %reduce_sum3A_1424 : vector<1xi32> to vector<1x1x1xi32>
    %reduce_sum3A_1426 = vector.extract %reduce_sum3A_1425[0, 0, 0] : i32 from vector<1x1x1xi32>
    %ge3A_1427 = arith.cmpi sge, %reduce_sum3A_1426, %sub3A_866 : i32
    %select_n3A_1428 = arith.select %ge3A_1427, %or3A_1380, %select_n3A_1378 : i32
    %or3A_1429 = arith.constant 16 : i32
    %or3A_1430 = arith.ori %select_n3A_1428, %or3A_1429 : i32
    %broadcast_in_dim3A_1431 = vector.broadcast %or3A_1430 : i32 to vector<1x16x112xi32>
    %convert_element_type3A_1432 = arith.trunci %broadcast_in_dim3A_1431 : vector<1x16x112xi32> to vector<1x16x112xi16>
    %ge3A_1433 = vector.broadcast %convert_element_type3A_1432 : vector<1x16x112xi16> to vector<336x16x112xi16>
    %ge3A_1434 = arith.cmpi sge, %select_n3A_877, %ge3A_1433 : vector<336x16x112xi16>
    %jit3A_1435 = arith.constant 1 : i16
    %jit3A_1436 = arith.constant 0 : i16
    %broadcast_in_dim3A_1437 = vector.broadcast %jit3A_1435 : i16 to vector<336x16x112xi16>
    %broadcast_in_dim3A_1438 = vector.broadcast %jit3A_1436 : i16 to vector<336x16x112xi16>
    %select_n3A_1439 = arith.select %ge3A_1434, %broadcast_in_dim3A_1437, %broadcast_in_dim3A_1438 : vector<336x16x112xi1>, vector<336x16x112xi16>
    %slice3A_1440 = vector.extract_strided_slice %select_n3A_1439 {offsets = [0, 0, 0], sizes = [168, 16, 112], strides = [1, 1, 1]} : vector<336x16x112xi16> to vector<168x16x112xi16>
    %slice3A_1441 = vector.extract_strided_slice %select_n3A_1439 {offsets = [168, 0, 0], sizes = [168, 16, 112], strides = [1, 1, 1]} : vector<336x16x112xi16> to vector<168x16x112xi16>
    %add3A_1442 = arith.addi %slice3A_1440, %slice3A_1441 : vector<168x16x112xi16>
    %slice3A_1443 = vector.extract_strided_slice %add3A_1442 {offsets = [0, 0, 0], sizes = [84, 16, 112], strides = [1, 1, 1]} : vector<168x16x112xi16> to vector<84x16x112xi16>
    %slice3A_1444 = vector.extract_strided_slice %add3A_1442 {offsets = [84, 0, 0], sizes = [84, 16, 112], strides = [1, 1, 1]} : vector<168x16x112xi16> to vector<84x16x112xi16>
    %add3A_1445 = arith.addi %slice3A_1443, %slice3A_1444 : vector<84x16x112xi16>
    %slice3A_1446 = vector.extract_strided_slice %add3A_1445 {offsets = [0, 0, 0], sizes = [42, 16, 112], strides = [1, 1, 1]} : vector<84x16x112xi16> to vector<42x16x112xi16>
    %slice3A_1447 = vector.extract_strided_slice %add3A_1445 {offsets = [42, 0, 0], sizes = [42, 16, 112], strides = [1, 1, 1]} : vector<84x16x112xi16> to vector<42x16x112xi16>
    %add3A_1448 = arith.addi %slice3A_1446, %slice3A_1447 : vector<42x16x112xi16>
    %slice3A_1449 = vector.extract_strided_slice %add3A_1448 {offsets = [0, 0, 0], sizes = [21, 16, 112], strides = [1, 1, 1]} : vector<42x16x112xi16> to vector<21x16x112xi16>
    %slice3A_1450 = vector.extract_strided_slice %add3A_1448 {offsets = [21, 0, 0], sizes = [21, 16, 112], strides = [1, 1, 1]} : vector<42x16x112xi16> to vector<21x16x112xi16>
    %add3A_1451 = arith.addi %slice3A_1449, %slice3A_1450 : vector<21x16x112xi16>
    %slice3A_1452 = vector.extract_strided_slice %add3A_1451 {offsets = [0, 0, 0], sizes = [7, 16, 112], strides = [1, 1, 1]} : vector<21x16x112xi16> to vector<7x16x112xi16>
    %slice3A_1453 = vector.extract_strided_slice %add3A_1451 {offsets = [7, 0, 0], sizes = [7, 16, 112], strides = [1, 1, 1]} : vector<21x16x112xi16> to vector<7x16x112xi16>
    %add3A_1454 = arith.addi %slice3A_1452, %slice3A_1453 : vector<7x16x112xi16>
    %slice3A_1455 = vector.extract_strided_slice %add3A_1451 {offsets = [14, 0, 0], sizes = [7, 16, 112], strides = [1, 1, 1]} : vector<21x16x112xi16> to vector<7x16x112xi16>
    %add3A_1456 = arith.addi %add3A_1454, %slice3A_1455 : vector<7x16x112xi16>
    %slice3A_1457 = vector.extract_strided_slice %add3A_1456 {offsets = [0, 0, 0], sizes = [1, 16, 112], strides = [1, 1, 1]} : vector<7x16x112xi16> to vector<1x16x112xi16>
    %slice3A_1458 = vector.extract_strided_slice %add3A_1456 {offsets = [1, 0, 0], sizes = [1, 16, 112], strides = [1, 1, 1]} : vector<7x16x112xi16> to vector<1x16x112xi16>
    %add3A_1459 = arith.addi %slice3A_1457, %slice3A_1458 : vector<1x16x112xi16>
    %slice3A_1460 = vector.extract_strided_slice %add3A_1456 {offsets = [2, 0, 0], sizes = [1, 16, 112], strides = [1, 1, 1]} : vector<7x16x112xi16> to vector<1x16x112xi16>
    %add3A_1461 = arith.addi %add3A_1459, %slice3A_1460 : vector<1x16x112xi16>
    %slice3A_1462 = vector.extract_strided_slice %add3A_1456 {offsets = [3, 0, 0], sizes = [1, 16, 112], strides = [1, 1, 1]} : vector<7x16x112xi16> to vector<1x16x112xi16>
    %add3A_1463 = arith.addi %add3A_1461, %slice3A_1462 : vector<1x16x112xi16>
    %slice3A_1464 = vector.extract_strided_slice %add3A_1456 {offsets = [4, 0, 0], sizes = [1, 16, 112], strides = [1, 1, 1]} : vector<7x16x112xi16> to vector<1x16x112xi16>
    %add3A_1465 = arith.addi %add3A_1463, %slice3A_1464 : vector<1x16x112xi16>
    %slice3A_1466 = vector.extract_strided_slice %add3A_1456 {offsets = [5, 0, 0], sizes = [1, 16, 112], strides = [1, 1, 1]} : vector<7x16x112xi16> to vector<1x16x112xi16>
    %add3A_1467 = arith.addi %add3A_1465, %slice3A_1466 : vector<1x16x112xi16>
    %slice3A_1468 = vector.extract_strided_slice %add3A_1456 {offsets = [6, 0, 0], sizes = [1, 16, 112], strides = [1, 1, 1]} : vector<7x16x112xi16> to vector<1x16x112xi16>
    %add3A_1469 = arith.addi %add3A_1467, %slice3A_1468 : vector<1x16x112xi16>
    %squeeze3A_1470 = vector.shape_cast %add3A_1469 : vector<1x16x112xi16> to vector<16x112xi16>
    %convert_element_type3A_1471 = arith.extsi %squeeze3A_1470 : vector<16x112xi16> to vector<16x112xi32>
    %reduce_sum3A_1472 = vector.shape_cast %convert_element_type3A_1471 : vector<16x112xi32> to vector<1x16x112xi32>
    %reduce_sum3A_1473 = arith.constant dense<0> : vector<1xi32>
    %reduce_sum3A_1474 = vector.multi_reduction <add>, %reduce_sum3A_1472, %reduce_sum3A_1473 [1, 2] : vector<1x16x112xi32> to vector<1xi32>
    %reduce_sum3A_1475 = vector.shape_cast %reduce_sum3A_1474 : vector<1xi32> to vector<1x1x1xi32>
    %reduce_sum3A_1476 = vector.extract %reduce_sum3A_1475[0, 0, 0] : i32 from vector<1x1x1xi32>
    %ge3A_1477 = arith.cmpi sge, %reduce_sum3A_1476, %sub3A_866 : i32
    %select_n3A_1478 = arith.select %ge3A_1477, %or3A_1430, %select_n3A_1428 : i32
    %or3A_1479 = arith.constant 8 : i32
    %or3A_1480 = arith.ori %select_n3A_1478, %or3A_1479 : i32
    %broadcast_in_dim3A_1481 = vector.broadcast %or3A_1480 : i32 to vector<1x16x112xi32>
    %convert_element_type3A_1482 = arith.trunci %broadcast_in_dim3A_1481 : vector<1x16x112xi32> to vector<1x16x112xi16>
    %ge3A_1483 = vector.broadcast %convert_element_type3A_1482 : vector<1x16x112xi16> to vector<336x16x112xi16>
    %ge3A_1484 = arith.cmpi sge, %select_n3A_877, %ge3A_1483 : vector<336x16x112xi16>
    %jit3A_1485 = arith.constant 1 : i16
    %jit3A_1486 = arith.constant 0 : i16
    %broadcast_in_dim3A_1487 = vector.broadcast %jit3A_1485 : i16 to vector<336x16x112xi16>
    %broadcast_in_dim3A_1488 = vector.broadcast %jit3A_1486 : i16 to vector<336x16x112xi16>
    %select_n3A_1489 = arith.select %ge3A_1484, %broadcast_in_dim3A_1487, %broadcast_in_dim3A_1488 : vector<336x16x112xi1>, vector<336x16x112xi16>
    %slice3A_1490 = vector.extract_strided_slice %select_n3A_1489 {offsets = [0, 0, 0], sizes = [168, 16, 112], strides = [1, 1, 1]} : vector<336x16x112xi16> to vector<168x16x112xi16>
    %slice3A_1491 = vector.extract_strided_slice %select_n3A_1489 {offsets = [168, 0, 0], sizes = [168, 16, 112], strides = [1, 1, 1]} : vector<336x16x112xi16> to vector<168x16x112xi16>
    %add3A_1492 = arith.addi %slice3A_1490, %slice3A_1491 : vector<168x16x112xi16>
    %slice3A_1493 = vector.extract_strided_slice %add3A_1492 {offsets = [0, 0, 0], sizes = [84, 16, 112], strides = [1, 1, 1]} : vector<168x16x112xi16> to vector<84x16x112xi16>
    %slice3A_1494 = vector.extract_strided_slice %add3A_1492 {offsets = [84, 0, 0], sizes = [84, 16, 112], strides = [1, 1, 1]} : vector<168x16x112xi16> to vector<84x16x112xi16>
    %add3A_1495 = arith.addi %slice3A_1493, %slice3A_1494 : vector<84x16x112xi16>
    %slice3A_1496 = vector.extract_strided_slice %add3A_1495 {offsets = [0, 0, 0], sizes = [42, 16, 112], strides = [1, 1, 1]} : vector<84x16x112xi16> to vector<42x16x112xi16>
    %slice3A_1497 = vector.extract_strided_slice %add3A_1495 {offsets = [42, 0, 0], sizes = [42, 16, 112], strides = [1, 1, 1]} : vector<84x16x112xi16> to vector<42x16x112xi16>
    %add3A_1498 = arith.addi %slice3A_1496, %slice3A_1497 : vector<42x16x112xi16>
    %slice3A_1499 = vector.extract_strided_slice %add3A_1498 {offsets = [0, 0, 0], sizes = [21, 16, 112], strides = [1, 1, 1]} : vector<42x16x112xi16> to vector<21x16x112xi16>
    %slice3A_1500 = vector.extract_strided_slice %add3A_1498 {offsets = [21, 0, 0], sizes = [21, 16, 112], strides = [1, 1, 1]} : vector<42x16x112xi16> to vector<21x16x112xi16>
    %add3A_1501 = arith.addi %slice3A_1499, %slice3A_1500 : vector<21x16x112xi16>
    %slice3A_1502 = vector.extract_strided_slice %add3A_1501 {offsets = [0, 0, 0], sizes = [7, 16, 112], strides = [1, 1, 1]} : vector<21x16x112xi16> to vector<7x16x112xi16>
    %slice3A_1503 = vector.extract_strided_slice %add3A_1501 {offsets = [7, 0, 0], sizes = [7, 16, 112], strides = [1, 1, 1]} : vector<21x16x112xi16> to vector<7x16x112xi16>
    %add3A_1504 = arith.addi %slice3A_1502, %slice3A_1503 : vector<7x16x112xi16>
    %slice3A_1505 = vector.extract_strided_slice %add3A_1501 {offsets = [14, 0, 0], sizes = [7, 16, 112], strides = [1, 1, 1]} : vector<21x16x112xi16> to vector<7x16x112xi16>
    %add3A_1506 = arith.addi %add3A_1504, %slice3A_1505 : vector<7x16x112xi16>
    %slice3A_1507 = vector.extract_strided_slice %add3A_1506 {offsets = [0, 0, 0], sizes = [1, 16, 112], strides = [1, 1, 1]} : vector<7x16x112xi16> to vector<1x16x112xi16>
    %slice3A_1508 = vector.extract_strided_slice %add3A_1506 {offsets = [1, 0, 0], sizes = [1, 16, 112], strides = [1, 1, 1]} : vector<7x16x112xi16> to vector<1x16x112xi16>
    %add3A_1509 = arith.addi %slice3A_1507, %slice3A_1508 : vector<1x16x112xi16>
    %slice3A_1510 = vector.extract_strided_slice %add3A_1506 {offsets = [2, 0, 0], sizes = [1, 16, 112], strides = [1, 1, 1]} : vector<7x16x112xi16> to vector<1x16x112xi16>
    %add3A_1511 = arith.addi %add3A_1509, %slice3A_1510 : vector<1x16x112xi16>
    %slice3A_1512 = vector.extract_strided_slice %add3A_1506 {offsets = [3, 0, 0], sizes = [1, 16, 112], strides = [1, 1, 1]} : vector<7x16x112xi16> to vector<1x16x112xi16>
    %add3A_1513 = arith.addi %add3A_1511, %slice3A_1512 : vector<1x16x112xi16>
    %slice3A_1514 = vector.extract_strided_slice %add3A_1506 {offsets = [4, 0, 0], sizes = [1, 16, 112], strides = [1, 1, 1]} : vector<7x16x112xi16> to vector<1x16x112xi16>
    %add3A_1515 = arith.addi %add3A_1513, %slice3A_1514 : vector<1x16x112xi16>
    %slice3A_1516 = vector.extract_strided_slice %add3A_1506 {offsets = [5, 0, 0], sizes = [1, 16, 112], strides = [1, 1, 1]} : vector<7x16x112xi16> to vector<1x16x112xi16>
    %add3A_1517 = arith.addi %add3A_1515, %slice3A_1516 : vector<1x16x112xi16>
    %slice3A_1518 = vector.extract_strided_slice %add3A_1506 {offsets = [6, 0, 0], sizes = [1, 16, 112], strides = [1, 1, 1]} : vector<7x16x112xi16> to vector<1x16x112xi16>
    %add3A_1519 = arith.addi %add3A_1517, %slice3A_1518 : vector<1x16x112xi16>
    %squeeze3A_1520 = vector.shape_cast %add3A_1519 : vector<1x16x112xi16> to vector<16x112xi16>
    %convert_element_type3A_1521 = arith.extsi %squeeze3A_1520 : vector<16x112xi16> to vector<16x112xi32>
    %reduce_sum3A_1522 = vector.shape_cast %convert_element_type3A_1521 : vector<16x112xi32> to vector<1x16x112xi32>
    %reduce_sum3A_1523 = arith.constant dense<0> : vector<1xi32>
    %reduce_sum3A_1524 = vector.multi_reduction <add>, %reduce_sum3A_1522, %reduce_sum3A_1523 [1, 2] : vector<1x16x112xi32> to vector<1xi32>
    %reduce_sum3A_1525 = vector.shape_cast %reduce_sum3A_1524 : vector<1xi32> to vector<1x1x1xi32>
    %reduce_sum3A_1526 = vector.extract %reduce_sum3A_1525[0, 0, 0] : i32 from vector<1x1x1xi32>
    %ge3A_1527 = arith.cmpi sge, %reduce_sum3A_1526, %sub3A_866 : i32
    %select_n3A_1528 = arith.select %ge3A_1527, %or3A_1480, %select_n3A_1478 : i32
    %or3A_1529 = arith.constant 4 : i32
    %or3A_1530 = arith.ori %select_n3A_1528, %or3A_1529 : i32
    %broadcast_in_dim3A_1531 = vector.broadcast %or3A_1530 : i32 to vector<1x16x112xi32>
    %convert_element_type3A_1532 = arith.trunci %broadcast_in_dim3A_1531 : vector<1x16x112xi32> to vector<1x16x112xi16>
    %ge3A_1533 = vector.broadcast %convert_element_type3A_1532 : vector<1x16x112xi16> to vector<336x16x112xi16>
    %ge3A_1534 = arith.cmpi sge, %select_n3A_877, %ge3A_1533 : vector<336x16x112xi16>
    %jit3A_1535 = arith.constant 1 : i16
    %jit3A_1536 = arith.constant 0 : i16
    %broadcast_in_dim3A_1537 = vector.broadcast %jit3A_1535 : i16 to vector<336x16x112xi16>
    %broadcast_in_dim3A_1538 = vector.broadcast %jit3A_1536 : i16 to vector<336x16x112xi16>
    %select_n3A_1539 = arith.select %ge3A_1534, %broadcast_in_dim3A_1537, %broadcast_in_dim3A_1538 : vector<336x16x112xi1>, vector<336x16x112xi16>
    %slice3A_1540 = vector.extract_strided_slice %select_n3A_1539 {offsets = [0, 0, 0], sizes = [168, 16, 112], strides = [1, 1, 1]} : vector<336x16x112xi16> to vector<168x16x112xi16>
    %slice3A_1541 = vector.extract_strided_slice %select_n3A_1539 {offsets = [168, 0, 0], sizes = [168, 16, 112], strides = [1, 1, 1]} : vector<336x16x112xi16> to vector<168x16x112xi16>
    %add3A_1542 = arith.addi %slice3A_1540, %slice3A_1541 : vector<168x16x112xi16>
    %slice3A_1543 = vector.extract_strided_slice %add3A_1542 {offsets = [0, 0, 0], sizes = [84, 16, 112], strides = [1, 1, 1]} : vector<168x16x112xi16> to vector<84x16x112xi16>
    %slice3A_1544 = vector.extract_strided_slice %add3A_1542 {offsets = [84, 0, 0], sizes = [84, 16, 112], strides = [1, 1, 1]} : vector<168x16x112xi16> to vector<84x16x112xi16>
    %add3A_1545 = arith.addi %slice3A_1543, %slice3A_1544 : vector<84x16x112xi16>
    %slice3A_1546 = vector.extract_strided_slice %add3A_1545 {offsets = [0, 0, 0], sizes = [42, 16, 112], strides = [1, 1, 1]} : vector<84x16x112xi16> to vector<42x16x112xi16>
    %slice3A_1547 = vector.extract_strided_slice %add3A_1545 {offsets = [42, 0, 0], sizes = [42, 16, 112], strides = [1, 1, 1]} : vector<84x16x112xi16> to vector<42x16x112xi16>
    %add3A_1548 = arith.addi %slice3A_1546, %slice3A_1547 : vector<42x16x112xi16>
    %slice3A_1549 = vector.extract_strided_slice %add3A_1548 {offsets = [0, 0, 0], sizes = [21, 16, 112], strides = [1, 1, 1]} : vector<42x16x112xi16> to vector<21x16x112xi16>
    %slice3A_1550 = vector.extract_strided_slice %add3A_1548 {offsets = [21, 0, 0], sizes = [21, 16, 112], strides = [1, 1, 1]} : vector<42x16x112xi16> to vector<21x16x112xi16>
    %add3A_1551 = arith.addi %slice3A_1549, %slice3A_1550 : vector<21x16x112xi16>
    %slice3A_1552 = vector.extract_strided_slice %add3A_1551 {offsets = [0, 0, 0], sizes = [7, 16, 112], strides = [1, 1, 1]} : vector<21x16x112xi16> to vector<7x16x112xi16>
    %slice3A_1553 = vector.extract_strided_slice %add3A_1551 {offsets = [7, 0, 0], sizes = [7, 16, 112], strides = [1, 1, 1]} : vector<21x16x112xi16> to vector<7x16x112xi16>
    %add3A_1554 = arith.addi %slice3A_1552, %slice3A_1553 : vector<7x16x112xi16>
    %slice3A_1555 = vector.extract_strided_slice %add3A_1551 {offsets = [14, 0, 0], sizes = [7, 16, 112], strides = [1, 1, 1]} : vector<21x16x112xi16> to vector<7x16x112xi16>
    %add3A_1556 = arith.addi %add3A_1554, %slice3A_1555 : vector<7x16x112xi16>
    %slice3A_1557 = vector.extract_strided_slice %add3A_1556 {offsets = [0, 0, 0], sizes = [1, 16, 112], strides = [1, 1, 1]} : vector<7x16x112xi16> to vector<1x16x112xi16>
    %slice3A_1558 = vector.extract_strided_slice %add3A_1556 {offsets = [1, 0, 0], sizes = [1, 16, 112], strides = [1, 1, 1]} : vector<7x16x112xi16> to vector<1x16x112xi16>
    %add3A_1559 = arith.addi %slice3A_1557, %slice3A_1558 : vector<1x16x112xi16>
    %slice3A_1560 = vector.extract_strided_slice %add3A_1556 {offsets = [2, 0, 0], sizes = [1, 16, 112], strides = [1, 1, 1]} : vector<7x16x112xi16> to vector<1x16x112xi16>
    %add3A_1561 = arith.addi %add3A_1559, %slice3A_1560 : vector<1x16x112xi16>
    %slice3A_1562 = vector.extract_strided_slice %add3A_1556 {offsets = [3, 0, 0], sizes = [1, 16, 112], strides = [1, 1, 1]} : vector<7x16x112xi16> to vector<1x16x112xi16>
    %add3A_1563 = arith.addi %add3A_1561, %slice3A_1562 : vector<1x16x112xi16>
    %slice3A_1564 = vector.extract_strided_slice %add3A_1556 {offsets = [4, 0, 0], sizes = [1, 16, 112], strides = [1, 1, 1]} : vector<7x16x112xi16> to vector<1x16x112xi16>
    %add3A_1565 = arith.addi %add3A_1563, %slice3A_1564 : vector<1x16x112xi16>
    %slice3A_1566 = vector.extract_strided_slice %add3A_1556 {offsets = [5, 0, 0], sizes = [1, 16, 112], strides = [1, 1, 1]} : vector<7x16x112xi16> to vector<1x16x112xi16>
    %add3A_1567 = arith.addi %add3A_1565, %slice3A_1566 : vector<1x16x112xi16>
    %slice3A_1568 = vector.extract_strided_slice %add3A_1556 {offsets = [6, 0, 0], sizes = [1, 16, 112], strides = [1, 1, 1]} : vector<7x16x112xi16> to vector<1x16x112xi16>
    %add3A_1569 = arith.addi %add3A_1567, %slice3A_1568 : vector<1x16x112xi16>
    %squeeze3A_1570 = vector.shape_cast %add3A_1569 : vector<1x16x112xi16> to vector<16x112xi16>
    %convert_element_type3A_1571 = arith.extsi %squeeze3A_1570 : vector<16x112xi16> to vector<16x112xi32>
    %reduce_sum3A_1572 = vector.shape_cast %convert_element_type3A_1571 : vector<16x112xi32> to vector<1x16x112xi32>
    %reduce_sum3A_1573 = arith.constant dense<0> : vector<1xi32>
    %reduce_sum3A_1574 = vector.multi_reduction <add>, %reduce_sum3A_1572, %reduce_sum3A_1573 [1, 2] : vector<1x16x112xi32> to vector<1xi32>
    %reduce_sum3A_1575 = vector.shape_cast %reduce_sum3A_1574 : vector<1xi32> to vector<1x1x1xi32>
    %reduce_sum3A_1576 = vector.extract %reduce_sum3A_1575[0, 0, 0] : i32 from vector<1x1x1xi32>
    %ge3A_1577 = arith.cmpi sge, %reduce_sum3A_1576, %sub3A_866 : i32
    %select_n3A_1578 = arith.select %ge3A_1577, %or3A_1530, %select_n3A_1528 : i32
    %or3A_1579 = arith.constant 2 : i32
    %or3A_1580 = arith.ori %select_n3A_1578, %or3A_1579 : i32
    %broadcast_in_dim3A_1581 = vector.broadcast %or3A_1580 : i32 to vector<1x16x112xi32>
    %convert_element_type3A_1582 = arith.trunci %broadcast_in_dim3A_1581 : vector<1x16x112xi32> to vector<1x16x112xi16>
    %ge3A_1583 = vector.broadcast %convert_element_type3A_1582 : vector<1x16x112xi16> to vector<336x16x112xi16>
    %ge3A_1584 = arith.cmpi sge, %select_n3A_877, %ge3A_1583 : vector<336x16x112xi16>
    %jit3A_1585 = arith.constant 1 : i16
    %jit3A_1586 = arith.constant 0 : i16
    %broadcast_in_dim3A_1587 = vector.broadcast %jit3A_1585 : i16 to vector<336x16x112xi16>
    %broadcast_in_dim3A_1588 = vector.broadcast %jit3A_1586 : i16 to vector<336x16x112xi16>
    %select_n3A_1589 = arith.select %ge3A_1584, %broadcast_in_dim3A_1587, %broadcast_in_dim3A_1588 : vector<336x16x112xi1>, vector<336x16x112xi16>
    %slice3A_1590 = vector.extract_strided_slice %select_n3A_1589 {offsets = [0, 0, 0], sizes = [168, 16, 112], strides = [1, 1, 1]} : vector<336x16x112xi16> to vector<168x16x112xi16>
    %slice3A_1591 = vector.extract_strided_slice %select_n3A_1589 {offsets = [168, 0, 0], sizes = [168, 16, 112], strides = [1, 1, 1]} : vector<336x16x112xi16> to vector<168x16x112xi16>
    %add3A_1592 = arith.addi %slice3A_1590, %slice3A_1591 : vector<168x16x112xi16>
    %slice3A_1593 = vector.extract_strided_slice %add3A_1592 {offsets = [0, 0, 0], sizes = [84, 16, 112], strides = [1, 1, 1]} : vector<168x16x112xi16> to vector<84x16x112xi16>
    %slice3A_1594 = vector.extract_strided_slice %add3A_1592 {offsets = [84, 0, 0], sizes = [84, 16, 112], strides = [1, 1, 1]} : vector<168x16x112xi16> to vector<84x16x112xi16>
    %add3A_1595 = arith.addi %slice3A_1593, %slice3A_1594 : vector<84x16x112xi16>
    %slice3A_1596 = vector.extract_strided_slice %add3A_1595 {offsets = [0, 0, 0], sizes = [42, 16, 112], strides = [1, 1, 1]} : vector<84x16x112xi16> to vector<42x16x112xi16>
    %slice3A_1597 = vector.extract_strided_slice %add3A_1595 {offsets = [42, 0, 0], sizes = [42, 16, 112], strides = [1, 1, 1]} : vector<84x16x112xi16> to vector<42x16x112xi16>
    %add3A_1598 = arith.addi %slice3A_1596, %slice3A_1597 : vector<42x16x112xi16>
    %slice3A_1599 = vector.extract_strided_slice %add3A_1598 {offsets = [0, 0, 0], sizes = [21, 16, 112], strides = [1, 1, 1]} : vector<42x16x112xi16> to vector<21x16x112xi16>
    %slice3A_1600 = vector.extract_strided_slice %add3A_1598 {offsets = [21, 0, 0], sizes = [21, 16, 112], strides = [1, 1, 1]} : vector<42x16x112xi16> to vector<21x16x112xi16>
    %add3A_1601 = arith.addi %slice3A_1599, %slice3A_1600 : vector<21x16x112xi16>
    %slice3A_1602 = vector.extract_strided_slice %add3A_1601 {offsets = [0, 0, 0], sizes = [7, 16, 112], strides = [1, 1, 1]} : vector<21x16x112xi16> to vector<7x16x112xi16>
    %slice3A_1603 = vector.extract_strided_slice %add3A_1601 {offsets = [7, 0, 0], sizes = [7, 16, 112], strides = [1, 1, 1]} : vector<21x16x112xi16> to vector<7x16x112xi16>
    %add3A_1604 = arith.addi %slice3A_1602, %slice3A_1603 : vector<7x16x112xi16>
    %slice3A_1605 = vector.extract_strided_slice %add3A_1601 {offsets = [14, 0, 0], sizes = [7, 16, 112], strides = [1, 1, 1]} : vector<21x16x112xi16> to vector<7x16x112xi16>
    %add3A_1606 = arith.addi %add3A_1604, %slice3A_1605 : vector<7x16x112xi16>
    %slice3A_1607 = vector.extract_strided_slice %add3A_1606 {offsets = [0, 0, 0], sizes = [1, 16, 112], strides = [1, 1, 1]} : vector<7x16x112xi16> to vector<1x16x112xi16>
    %slice3A_1608 = vector.extract_strided_slice %add3A_1606 {offsets = [1, 0, 0], sizes = [1, 16, 112], strides = [1, 1, 1]} : vector<7x16x112xi16> to vector<1x16x112xi16>
    %add3A_1609 = arith.addi %slice3A_1607, %slice3A_1608 : vector<1x16x112xi16>
    %slice3A_1610 = vector.extract_strided_slice %add3A_1606 {offsets = [2, 0, 0], sizes = [1, 16, 112], strides = [1, 1, 1]} : vector<7x16x112xi16> to vector<1x16x112xi16>
    %add3A_1611 = arith.addi %add3A_1609, %slice3A_1610 : vector<1x16x112xi16>
    %slice3A_1612 = vector.extract_strided_slice %add3A_1606 {offsets = [3, 0, 0], sizes = [1, 16, 112], strides = [1, 1, 1]} : vector<7x16x112xi16> to vector<1x16x112xi16>
    %add3A_1613 = arith.addi %add3A_1611, %slice3A_1612 : vector<1x16x112xi16>
    %slice3A_1614 = vector.extract_strided_slice %add3A_1606 {offsets = [4, 0, 0], sizes = [1, 16, 112], strides = [1, 1, 1]} : vector<7x16x112xi16> to vector<1x16x112xi16>
    %add3A_1615 = arith.addi %add3A_1613, %slice3A_1614 : vector<1x16x112xi16>
    %slice3A_1616 = vector.extract_strided_slice %add3A_1606 {offsets = [5, 0, 0], sizes = [1, 16, 112], strides = [1, 1, 1]} : vector<7x16x112xi16> to vector<1x16x112xi16>
    %add3A_1617 = arith.addi %add3A_1615, %slice3A_1616 : vector<1x16x112xi16>
    %slice3A_1618 = vector.extract_strided_slice %add3A_1606 {offsets = [6, 0, 0], sizes = [1, 16, 112], strides = [1, 1, 1]} : vector<7x16x112xi16> to vector<1x16x112xi16>
    %add3A_1619 = arith.addi %add3A_1617, %slice3A_1618 : vector<1x16x112xi16>
    %squeeze3A_1620 = vector.shape_cast %add3A_1619 : vector<1x16x112xi16> to vector<16x112xi16>
    %convert_element_type3A_1621 = arith.extsi %squeeze3A_1620 : vector<16x112xi16> to vector<16x112xi32>
    %reduce_sum3A_1622 = vector.shape_cast %convert_element_type3A_1621 : vector<16x112xi32> to vector<1x16x112xi32>
    %reduce_sum3A_1623 = arith.constant dense<0> : vector<1xi32>
    %reduce_sum3A_1624 = vector.multi_reduction <add>, %reduce_sum3A_1622, %reduce_sum3A_1623 [1, 2] : vector<1x16x112xi32> to vector<1xi32>
    %reduce_sum3A_1625 = vector.shape_cast %reduce_sum3A_1624 : vector<1xi32> to vector<1x1x1xi32>
    %reduce_sum3A_1626 = vector.extract %reduce_sum3A_1625[0, 0, 0] : i32 from vector<1x1x1xi32>
    %ge3A_1627 = arith.cmpi sge, %reduce_sum3A_1626, %sub3A_866 : i32
    %select_n3A_1628 = arith.select %ge3A_1627, %or3A_1580, %select_n3A_1578 : i32
    %or3A_1629 = arith.constant 1 : i32
    %or3A_1630 = arith.ori %select_n3A_1628, %or3A_1629 : i32
    %broadcast_in_dim3A_1631 = vector.broadcast %or3A_1630 : i32 to vector<1x16x112xi32>
    %convert_element_type3A_1632 = arith.trunci %broadcast_in_dim3A_1631 : vector<1x16x112xi32> to vector<1x16x112xi16>
    %ge3A_1633 = vector.broadcast %convert_element_type3A_1632 : vector<1x16x112xi16> to vector<336x16x112xi16>
    %ge3A_1634 = arith.cmpi sge, %select_n3A_877, %ge3A_1633 : vector<336x16x112xi16>
    %jit3A_1635 = arith.constant 1 : i16
    %jit3A_1636 = arith.constant 0 : i16
    %broadcast_in_dim3A_1637 = vector.broadcast %jit3A_1635 : i16 to vector<336x16x112xi16>
    %broadcast_in_dim3A_1638 = vector.broadcast %jit3A_1636 : i16 to vector<336x16x112xi16>
    %select_n3A_1639 = arith.select %ge3A_1634, %broadcast_in_dim3A_1637, %broadcast_in_dim3A_1638 : vector<336x16x112xi1>, vector<336x16x112xi16>
    %slice3A_1640 = vector.extract_strided_slice %select_n3A_1639 {offsets = [0, 0, 0], sizes = [168, 16, 112], strides = [1, 1, 1]} : vector<336x16x112xi16> to vector<168x16x112xi16>
    %slice3A_1641 = vector.extract_strided_slice %select_n3A_1639 {offsets = [168, 0, 0], sizes = [168, 16, 112], strides = [1, 1, 1]} : vector<336x16x112xi16> to vector<168x16x112xi16>
    %add3A_1642 = arith.addi %slice3A_1640, %slice3A_1641 : vector<168x16x112xi16>
    %slice3A_1643 = vector.extract_strided_slice %add3A_1642 {offsets = [0, 0, 0], sizes = [84, 16, 112], strides = [1, 1, 1]} : vector<168x16x112xi16> to vector<84x16x112xi16>
    %slice3A_1644 = vector.extract_strided_slice %add3A_1642 {offsets = [84, 0, 0], sizes = [84, 16, 112], strides = [1, 1, 1]} : vector<168x16x112xi16> to vector<84x16x112xi16>
    %add3A_1645 = arith.addi %slice3A_1643, %slice3A_1644 : vector<84x16x112xi16>
    %slice3A_1646 = vector.extract_strided_slice %add3A_1645 {offsets = [0, 0, 0], sizes = [42, 16, 112], strides = [1, 1, 1]} : vector<84x16x112xi16> to vector<42x16x112xi16>
    %slice3A_1647 = vector.extract_strided_slice %add3A_1645 {offsets = [42, 0, 0], sizes = [42, 16, 112], strides = [1, 1, 1]} : vector<84x16x112xi16> to vector<42x16x112xi16>
    %add3A_1648 = arith.addi %slice3A_1646, %slice3A_1647 : vector<42x16x112xi16>
    %slice3A_1649 = vector.extract_strided_slice %add3A_1648 {offsets = [0, 0, 0], sizes = [21, 16, 112], strides = [1, 1, 1]} : vector<42x16x112xi16> to vector<21x16x112xi16>
    %slice3A_1650 = vector.extract_strided_slice %add3A_1648 {offsets = [21, 0, 0], sizes = [21, 16, 112], strides = [1, 1, 1]} : vector<42x16x112xi16> to vector<21x16x112xi16>
    %add3A_1651 = arith.addi %slice3A_1649, %slice3A_1650 : vector<21x16x112xi16>
    %slice3A_1652 = vector.extract_strided_slice %add3A_1651 {offsets = [0, 0, 0], sizes = [7, 16, 112], strides = [1, 1, 1]} : vector<21x16x112xi16> to vector<7x16x112xi16>
    %slice3A_1653 = vector.extract_strided_slice %add3A_1651 {offsets = [7, 0, 0], sizes = [7, 16, 112], strides = [1, 1, 1]} : vector<21x16x112xi16> to vector<7x16x112xi16>
    %add3A_1654 = arith.addi %slice3A_1652, %slice3A_1653 : vector<7x16x112xi16>
    %slice3A_1655 = vector.extract_strided_slice %add3A_1651 {offsets = [14, 0, 0], sizes = [7, 16, 112], strides = [1, 1, 1]} : vector<21x16x112xi16> to vector<7x16x112xi16>
    %add3A_1656 = arith.addi %add3A_1654, %slice3A_1655 : vector<7x16x112xi16>
    %slice3A_1657 = vector.extract_strided_slice %add3A_1656 {offsets = [0, 0, 0], sizes = [1, 16, 112], strides = [1, 1, 1]} : vector<7x16x112xi16> to vector<1x16x112xi16>
    %slice3A_1658 = vector.extract_strided_slice %add3A_1656 {offsets = [1, 0, 0], sizes = [1, 16, 112], strides = [1, 1, 1]} : vector<7x16x112xi16> to vector<1x16x112xi16>
    %add3A_1659 = arith.addi %slice3A_1657, %slice3A_1658 : vector<1x16x112xi16>
    %slice3A_1660 = vector.extract_strided_slice %add3A_1656 {offsets = [2, 0, 0], sizes = [1, 16, 112], strides = [1, 1, 1]} : vector<7x16x112xi16> to vector<1x16x112xi16>
    %add3A_1661 = arith.addi %add3A_1659, %slice3A_1660 : vector<1x16x112xi16>
    %slice3A_1662 = vector.extract_strided_slice %add3A_1656 {offsets = [3, 0, 0], sizes = [1, 16, 112], strides = [1, 1, 1]} : vector<7x16x112xi16> to vector<1x16x112xi16>
    %add3A_1663 = arith.addi %add3A_1661, %slice3A_1662 : vector<1x16x112xi16>
    %slice3A_1664 = vector.extract_strided_slice %add3A_1656 {offsets = [4, 0, 0], sizes = [1, 16, 112], strides = [1, 1, 1]} : vector<7x16x112xi16> to vector<1x16x112xi16>
    %add3A_1665 = arith.addi %add3A_1663, %slice3A_1664 : vector<1x16x112xi16>
    %slice3A_1666 = vector.extract_strided_slice %add3A_1656 {offsets = [5, 0, 0], sizes = [1, 16, 112], strides = [1, 1, 1]} : vector<7x16x112xi16> to vector<1x16x112xi16>
    %add3A_1667 = arith.addi %add3A_1665, %slice3A_1666 : vector<1x16x112xi16>
    %slice3A_1668 = vector.extract_strided_slice %add3A_1656 {offsets = [6, 0, 0], sizes = [1, 16, 112], strides = [1, 1, 1]} : vector<7x16x112xi16> to vector<1x16x112xi16>
    %add3A_1669 = arith.addi %add3A_1667, %slice3A_1668 : vector<1x16x112xi16>
    %squeeze3A_1670 = vector.shape_cast %add3A_1669 : vector<1x16x112xi16> to vector<16x112xi16>
    %convert_element_type3A_1671 = arith.extsi %squeeze3A_1670 : vector<16x112xi16> to vector<16x112xi32>
    %reduce_sum3A_1672 = vector.shape_cast %convert_element_type3A_1671 : vector<16x112xi32> to vector<1x16x112xi32>
    %reduce_sum3A_1673 = arith.constant dense<0> : vector<1xi32>
    %reduce_sum3A_1674 = vector.multi_reduction <add>, %reduce_sum3A_1672, %reduce_sum3A_1673 [1, 2] : vector<1x16x112xi32> to vector<1xi32>
    %reduce_sum3A_1675 = vector.shape_cast %reduce_sum3A_1674 : vector<1xi32> to vector<1x1x1xi32>
    %reduce_sum3A_1676 = vector.extract %reduce_sum3A_1675[0, 0, 0] : i32 from vector<1x1x1xi32>
    %ge3A_1677 = arith.cmpi sge, %reduce_sum3A_1676, %sub3A_866 : i32
    %select_n3A_1678 = arith.select %ge3A_1677, %or3A_1630, %select_n3A_1628 : i32
    %add3A_1679 = arith.constant 32768 : i32
    %add3A_1680 = arith.addi %select_n3A_1678, %add3A_1679 : i32
    %shift_left3A = arith.constant 16 : i32
    %shift_left3A_1681 = arith.shli %select_n3A_820, %shift_left3A : i32
    %or3A_1682 = arith.ori %shift_left3A_1681, %add3A_1680 : i32
    %lt3A_1683 = arith.constant 0 : i32
    %lt3A_1684 = arith.cmpi slt, %or3A_1682, %lt3A_1683 : i32
    %xor3A_1685 = arith.constant 2147483647 : i32
    %xor3A_1686 = arith.xori %or3A_1682, %xor3A_1685 : i32
    %select_n3A_1687 = arith.select %lt3A_1684, %xor3A_1686, %or3A_1682 : i32
    %bitcast_convert_type3A_1688 = arith.bitcast %select_n3A_1687 : i32 to f32
    %ge3A_1689 = vector.broadcast %bitcast_convert_type3A_1688 : f32 to vector<10752x56xf32>
    %ge3A_1690 = arith.cmpf oge, %get3A_3, %ge3A_1689 : vector<10752x56xf32>
    %jit3A_1691 = arith.constant 0.000000e+00 : f32
    %broadcast_in_dim3A_1692 = vector.broadcast %jit3A_1691 : f32 to vector<10752x56xf32>
    %select_n3A_1693 = arith.select %ge3A_1690, %get3A_3, %broadcast_in_dim3A_1692 : vector<10752x56xi1>, vector<10752x56xf32>
    %swap3A = arith.constant 0 : index
    %swap3A_1694 = arith.constant 0 : index
    %swap3A_1695 = arith.constant 0 : index
    %swap3A_1696 = vector.load %arg2[%swap3A, %swap3A_1694, %swap3A_1695] : memref<1x10752x56xf32, #tpu.memory_space<vmem>>, vector<1x10752x56xf32>
    %swap3A_1697 = vector.shape_cast %swap3A_1696 : vector<1x10752x56xf32> to vector<10752x56xf32>
    %swap3A_1698 = vector.shape_cast %select_n3A_1693 : vector<10752x56xf32> to vector<1x10752x56xf32>
    tpu.vector_store %arg2[%swap3A, %swap3A_1694, %swap3A_1695], %swap3A_1698 {strides = array<i32>} : memref<1x10752x56xf32, #tpu.memory_space<vmem>>, vector<1x10752x56xf32>,
    return
  }
  func.func @transform_0(%arg0: i32) -> (i32, i32, i32) {
    %c0_i32 = arith.constant 0 : i32
    %c0_i32_0 = arith.constant 0 : i32
    %c0_i32_1 = arith.constant 0 : i32
    return %arg0, %c0_i32, %c0_i32_0 : i32, i32, i32
  }
  func.func @transform_1(%arg0: i32) -> (i32, i32, i32) {
    %c0_i32 = arith.constant 0 : i32
    %c0_i32_0 = arith.constant 0 : i32
    %c0_i32_1 = arith.constant 0 : i32
    return %arg0, %c0_i32, %c0_i32_0 : i32, i32, i32
  }
}

</mosaic_0001>

<sc_bundles>
// kernel: sparse-core-data-format-call.cloned.1.call-start
scs
called_computation_lowered:
.L_overlay_start_0:
0x0: {  	s2 =	sld [smem:$0x3FD9]  }
0x1: {  	s3 =	sld [smem:$0x3FFE];
	_ =	sdelay $0x1  }
0x2: {  	s1 =	srdreg.scid  }
0x3: {  	s0 =	sand.u32 $0x1, s1  }
0x4: {  	s18 =	sshll.u32 s0, $0xA;
	s2 =	sadd.s32 s3, s2  }
0x5: {  	s2 =	sadd.s32 s2, s18  }
0x6: {  	[smem:$0x3FC7] =	sst s2  }
0x7: {  	_ = 	snop  }
0x8: {  	s2 =	sld [smem:$0x3FD0];
	(tm) =	ssettm $0x1  }
0x9: {  	s19 =	sld [smem:$0x3FFB];
	_ =	sdelay $0x3  }
0xa: {  	_ =	strace s19  }
0xb: {  	s3 =	sld [smem:$0x3FFC];
	_ =	sdelay $0x3  }
0xc: {  	_ =	strace s3  }
0xd: {  	s3 =	sld [smem:$0x3FFD];
	_ =	sdelay $0x3  }
0xe: {  	_ =	strace s3  }
0xf: {  	_ =	strace $0x8FFFFFFF  }
0x10: {  	s20 =	sld [smem:$0x3FDB];
	_ =	sdelay $0x1  }
0x11: {  	s4 =	simm.s32 $_scs_section_size  }
0x12: {  	s5 =	simm.s32 $_size__tile_overlayer_lowered;
	s6 =	simm.s32 $_tile_overlayer_lowered  }
0x13: {  	s23 =	simm.s32 $0x1BFF;
	s22 =	sshll.u32 s6, $0x1;
	s3 =	sadd.s32 s4, s20  }
0x14: {  	s7 =	simm.s32 $0x0;
	s21 =	sshll.u32 s5, $0x1;
	s5 =	sadd.s32 s22, s3  }
0x15: {  	[timem:s7], [sflag:s23] =	dma.local [hbm:s5], s21  }
0x16: {  	_ =	swait.ge [sflag:s23], s21  }
0x17: {  	s4 =	ssub.s32 $0x0, s21;
	[sflag:s23] =	ssyncset.done $0x0  }
0x18: {  	[sflag:s23] =	ssyncadd.s32 s4;
	_ =	sdelay $0x1  }
0x19: {  	s24 =	simm.s32 $0x1B8B  }
0x1a: {  	_ =	swait.ge [sflag:s24], $0x1  }
0x1b: {  	[sflag:s24] =	ssyncset.done $0x0  }
0x1c: {  	s26 =	simm.s32 $0x1B8E;
	s25 =	sld [smem:$0x3FFE];
	[sflag:s24] =	ssyncadd.s32 $0xFFFFFFFF  }
0x1d: {  	s27 =	simm.s32 $execute0_lowered;
	[smem:$0x3FD2] =	sst s26  }
0x1e: {  	s5 =	sshll.u32 s27, $0x1;
	_ =	strace $0x80000046;
	[dreg:$0x1] =	wrdreg $0xFFFFFFFF  }
0x1f: {  	s28 =	simm.s32 $_size_execute0_lowered;
	s3 =	sadd.s32 s3, s5;
	[dreg:$0x0] =	wrdreg $0x0  }
0x20: {  	s5 =	sshll.u32 s28, $0x1;
	[dreg:$0x2] =	wrdreg s3  }
0x21: {  	[dreg:$0x3] =	wrdreg s5  }
0x22: {  	[dreg:$0x4] =	wrdreg $0xC0  }
0x23: {  	_ =	task [dreg:s7], $0x5FFFF  }
0x24: {  	[dreg:$0x1] =	wrdreg $0xFFFFFFFF  }
0x25: {  	[dreg:$0x0] =	wrdreg $0x60  }
0x26: {  	[dreg:$0x2] =	wrdreg s25  }
0x27: {  	[dreg:$0x3] =	wrdreg s2  }
0x28: {  	[dreg:$0x4] =	wrdreg $0x9  }
0x29: {  	_ =	task.clear_ibuf [dreg:s7], $0x5FFFF;
	_ =	strace $0x90000046  }
0x2a: {  	s29 =	simm.s32 $0x9;
	_ =	strace $0x80000048  }
0x2b: {  	_ =	swait.ge [sflag:s29], $0x1  }
0x2c: {  	[sflag:s29] =	ssyncadd.s32 $0xFFFFFFFF  }
0x2d: {  	_ =	strace $0x90000048  }
0x2e: {  	_ =	sfence  }
0x2f: {  	s30 =	sld [smem:$0x0];
	_ =	sdelay $0x2  }
0x30: {  	s31 =	sshll.u32 s1, $0xD;
	s1 =	sshrl.u32 s1, $0x2  }
0x31: {  	s3 =	sand.u32 $0x4000, s31;
	s1 =	sadd.s32 s1, s30  }
0x32: {  	s0 =	sor.u32 s3, s0;
	s1 =	sshll.u32 s1, $0x11  }
0x33: {  	s0 =	sor.u32 s1, s0  }
0x34: {  	s0 =	sadd.s32 $0x8F2B, s0  }
0x35: {  	[sflag:s0] =	ssyncadd.remote.s32 $0x1  }
0x36: {  	_ =	sfence.sel $0xFFFF  }
0x37: {  	[dreg:$0x0] =	wrdreg $0xFFFFFFFF;
	(pc) =	sbr.abs _section_cstart, $3  }
0x38: {  	[dreg:$0x1] =	wrdreg $0xFFFFFFFF  }
0x39: {  	_ =	task.clear_ibuf [dreg:s7], $0x2FFFF;
	_ =	strace $0x9FFFFFFF  }
0x3a: {  	(tm) =	ssettm $0x7FFFFFFF  }
0x3b: {  	_ =	shalt  }
tec
execute0_lowered:
.L_overlay_start_1:
0x0: {  	(tag) =	ssettag $0x1  }
0x1: {  	s0 =	rddreg [dreg:$0x0];
	s1 =	srdreg.scid  }
0x2: {  	_ =	strace $0x80000047;
	s30 =	stileid.u32;
	s2 =	simm.s32 $0x1  }
0x3: {  	s31 =	simm.s32 $0x2;
	s17 =	simm.s32 $0x0;
	p0 =	por $0x0, $0x0  }
0x4: {  	s15 =	simm.s32 $0x0;
	s16 =	simm.s32 $0x0;
	s14 =	simm.s32 $0x0  }
.Ltmp0:
0x5: {  	s9 =	simm.s32 $0x0;
	s10 =	simm.s32 $0x0;
	(pc) =	sbr.rel .LBB1_1-.Ltmp0, $4  }
0x6: {  	s11 =	simm.s32 $0x0;
	s12 =	simm.s32 $0x0;
	s29 =	sshll.u32 s1, $0x4  }
0x7: {  	s8 =	simm.s32 $0x0;
	s6 =	sadd.s32 $0xA80400, s0;
	s0 =	sand.u32 $0x10, s29  }
0x8: {  	[sflag:s2] =	ssyncpa.u1 $0x0;
	[dreg:$0x3] =	wrdreg s6;
	s7 =	sor.u32 s30, s0  }
0x9: {  	[sflag:s31] =	ssyncpa.u1 $0x0;
	s13 =	smov.u32 s7;
	[dreg:$0x4] =	wrdreg s7  }
.LBB1_13:
0xa: {  	s1 =	rddreg [dreg:$0x9]  }
0xb: {  	s25 =	rddreg [dreg:$0xa]  }
0xc: {  	p1 =	sgt.s32 s9, $0x80;
	s0 =	smov.u32 s9;
	s3 =	rddreg [dreg:$0x7]  }
0xd: {  	s2 =	sshrl.u32 s9, $0x5;
	s4 =	rddreg [dreg:$0x8];
	s0 =	simm.s32 @!p1 $0x80  }
0xe: {  	s27 =	smul.u32 $0x18800, s10;
	s14 =	rddreg [dreg:$0x5];
	s0 =	sadd.s32 s1, s0  }
0xf: {  	s2 =	sand.u32 $0xFFFFFC, s2;
	s28 =	smul.u32 $0x700, s14;
	s1 =	sadd.s32 $0xFFFFFF80, s0  }
0x10: {  	s26 =	smulhi.u32 $0x4924925, s2;
	s0 =	ssub.s32 $0x100, s0;
	p1 =	sgt.s32 s1, $0x7F  }
0x11: {  	s5 =	sshrl.u32 s9, $0x3;
	s1 =	smul.u32 $0x2040, s25;
	s0 =	simm.s32 @p1 $0x0  }
0x12: {  	s6 =	rddreg [dreg:$0x1];
	s29 =	sand.u32 $0x7, s9;
	s0 =	smul.u32 s0, s3  }
0x13: {  	s31 =	simm.s32 $0x800;
	s7 =	rddreg [dreg:$0x4];
	s3 =	smul.u32 $0x38, s26  }
0x14: {  	s17 =	rddreg [dreg:$0x6];
	s5 =	sand.u32 $0xF, s5;
	s0 =	smul.u32 s4, s0  }
0x15: {  	s1 =	sor.u32 $0x4000, s1;
	s2 =	ssub.s32 s2, s3;
	s4 =	sadd.s32 s6, s27  }
0x16: {  	s6 =	rddreg [dreg:$0x3];
	s3 =	sadd.s32 s28, s4;
	s0 =	smul.u32 $0x38, s0  }
0x17: {  	s2 =	sshll.u32 s2, $0x5;
	s4 =	sshll.u32 s29, $0x12;
	s3 =	sadd.s32 s5, s3  }
0x18: {  	s30 =	sor.u32 $0x400, s4;
	s2 =	sadd.s32 s2, s3;
	s0 =	sand.u32 $0x3FFFFFF8, s0  }
0x19: {  	[hbm4b:s2+s30] =	stream.strided.scatter [tilespmem:s1], [sflag:$0x2], s0, s31, s30, $0x20;
	[tilespmem:$0x8080] =	vst v63  }
.LBB1_14:
0x1a: {  	p1 =	slt.u32 s8, $0x2  }
0x1b: {  	p2 =	sgt.s32 @!p1 s16, $0x3F  }
0x1c: {  	s0 =	smov.u32 s16;
	s1 =	sshra.s32 @!p1 s16, $0x1F;
	p2 =	por !p2, p1  }
0x1d: {  	s1 =	sand.u32 @!p1 s1, s16;
	s0 =	simm.s32 @p2 $0x3F  }
0x1e: {  	s0 =	ssub.s32 @!p1 s0, s1  }
0x1f: {  	s3 =	smov.u32 s17;
	p3 =	sgt.s32 @!p1 s15, $0x80;
	s1 =	sadd.s32 @!p1 $0xFFFFFFC1, s0  }
0x20: {  	p3 =	por !p3, p1;
	p2 =	sgt.s32 @!p1 s1, $0x0;
	s1 =	smov.u32 s15  }
0x21: {  	s2 =	sshra.s32 @!p1 s15, $0x1F;
	s1 =	simm.s32 @p3 $0x80;
	p3 =	sgt.s32 @!p1 s17, $0x37  }
0x22: {  	s4 =	sshra.s32 @!p1 s17, $0x1F;
	s2 =	sand.u32 @!p1 s2, s15;
	p3 =	por !p3, p1  }
0x23: {  	s4 =	sand.u32 @!p1 s4, s17;
	s1 =	ssub.s32 @!p1 s1, s2;
	s3 =	simm.s32 @p3 $0x37  }
0x24: {  	s0 =	ssub.s32 @!p1 $0x40, s0;
	s2 =	ssub.s32 @!p1 s3, s4;
	s3 =	sadd.s32 @!p1 $0xFFFFFF80, s1  }
0x25: {  	s0 =	smul.u32 @!p1 $0x38, s0;
	p2 =	por !p2, p1;
	p3 =	sgt.s32 @!p1 s3, $0x7F  }
0x26: {  	s1 =	ssub.s32 @!p1 $0x100, s1;
	s4 =	sadd.s32 @!p1 $0xFFFFFFC9, s2;
	p3 =	por !p3, p1  }
0x27: {  	s0 =	simm.s32 @!p2 $0x0;
	s1 =	simm.s32 @!p3 $0x0;
	p3 =	sgt.s32 @!p1 s4, $0x0  }
0x28: {  	s2 =	ssub.s32 @!p1 $0x38, s2;
	p2 =	por !p3, p1;
	s0 =	smul.u32 @!p1 s1, s0  }
0x29: {  	s3 =	smov.u32 s12;
	s1 =	sadd.s32 $0x1, s11;
	s2 =	simm.s32 @!p2 $0x0  }
0x2a: {  	p2 =	sgt.s32 s1, $0x37;
	s0 =	smul.u32 @!p1 s2, s0;
	s2 =	sadd.s32 $0x80, s12  }
0x2b: {  	s3 =	smov.u32 @p2 s2  }
0x2c: {  	s5 =	smov.u32 s13;
	s2 =	sadd.s32 $0x20, s13;
	p3 =	sgt.s32 s3, $0xBF  }
0x2d: {  	s8 =	sadd.s32 $0x1, s8;
	p0 =	por !p0, !p0;
	s5 =	smov.u32 @p3 s2  }
0x2e: {  	s16 =	smov.u32 s10;
	s1 =	simm.s32 @p2 $0x0;
	p2 =	sgt.s32 s5, $0x3F  }
0x2f: {  	s10 =	smov.u32 s13;
	s5 =	smov.u32 @p2 s7;
	p2 =	sne.s32 s8, $0xE2  }
.Ltmp1:
0x30: {  	s15 =	smov.u32 s9;
	s9 =	smov.u32 s12;
	(pc) =	sbr.rel @!p2 .LBB1_15-.Ltmp1, $4  }
0x31: {  	s17 =	smov.u32 s14;
	s4 =	simm.s32 @!p1 $0x2;
	s0 =	sand.u32 @!p1 $0x3FFFFFF8, s0  }
0x32: {  	s14 =	smov.u32 s11;
	s11 =	smov.u32 s1;
	_ =	swait.ge @!p1 [sflag:s4], s0  }
0x33: {  	s0 =	ssub.s32 @!p1 $0x0, s0;
	s3 =	simm.s32 @p3 $0x0;
	[sflag:s4] =	ssyncset.done @!p1 $0x0  }
0x34: {  	s12 =	smov.u32 s3;
	[sflag:s4] =	ssyncadd.s32 @!p1 s0;
	s13 =	smov.u32 s5  }
.LBB1_1:
0x35: {  	p1 =	sgt.u32 s8, $0xDF  }
0x36: {  	s1 =	smov.u32 s13;
	s4 =	smov.u32 s12;
	p2 =	sgt.s32 @!p1 s13, $0x3F  }
0x37: {  	s0 =	sand.u32 @!p1 $0x1FFFFFF, s11;
	s3 =	sshra.s32 @!p1 s13, $0x1F;
	p2 =	por !p2, p1  }
0x38: {  	s5 =	sshra.s32 @!p1 s12, $0x1F;
	s1 =	simm.s32 @p2 $0x3F;
	p2 =	sgt.s32 @!p1 s12, $0x40  }
0x39: {  	s2 =	smulhi.u32 @!p1 $0x4924925, s0;
	s3 =	sand.u32 @!p1 s3, s13;
	p2 =	por !p2, p1  }
0x3a: {  	s5 =	sand.u32 @!p1 s5, s12;
	s1 =	ssub.s32 @!p1 s1, s3;
	s4 =	simm.s32 @p2 $0x40  }
0x3b: {  	p2 =	sgt.s32 @!p1 s11, $0x37;
	s1 =	sadd.s32 @!p1 $0xFFFFFFC1, s1;
	s3 =	ssub.s32 @!p1 s4, s5  }
0x3c: {  	p2 =	por !p2, p1;
	s5 =	smov.u32 s11;
	s4 =	sadd.s32 @!p1 $0xFFFFFFC0, s3  }
0x3d: {  	s5 =	simm.s32 @p2 $0x37;
	p3 =	sgt.s32 @!p1 s4, $0x7F;
	s4 =	sshra.s32 @!p1 s11, $0x1F  }
0x3e: {  	p2 =	sgt.s32 @!p1 s1, $0x0;
	s1 =	sshll.u32 @!p1 s1, $0x6;
	s4 =	sand.u32 @!p1 s4, s11  }
0x3f: {  	s3 =	ssub.s32 @!p1 $0xC0, s3;
	s1 =	ssub.s32 @!p1 $0x40, s1;
	s4 =	ssub.s32 @!p1 s5, s4  }
0x40: {  	p2 =	por !p2, p1;
	p3 =	por !p3, p1;
	s5 =	sadd.s32 @!p1 $0xFFFFFFC9, s4  }
0x41: {  	s1 =	simm.s32 @!p2 $0x0;
	s3 =	simm.s32 @!p3 $0x0;
	p3 =	sgt.s32 @!p1 s5, $0x0  }
0x42: {  	s4 =	ssub.s32 @!p1 $0x38, s4;
	s1 =	smul.u32 @!p1 s3, s1;
	p2 =	por !p3, p1  }
0x43: {  	s2 =	smul.u32 @!p1 $0x38, s2;
	s4 =	simm.s32 @!p2 $0x0  }
0x44: {  	s1 =	smul.u32 @!p1 s4, s1  }
0x45: {  	s4 =	smul.u32 @!p1 $0x2A000, s13  }
0x46: {  	s0 =	ssub.s32 @!p1 s0, s2;
	s3 =	sxor.u32 @!p1 $0xFFFFFFFF, s8;
	s5 =	smul.u32 @!p1 $0x380, s12  }
0x47: {  	s0 =	sshll.u32 @!p1 s0, $0x4;
	s3 =	sshll.u32 @!p1 s3, $0xD;
	s2 =	sadd.s32 @!p1 s6, s4  }
0x48: {  	s3 =	sand.u32 @!p1 $0x2000, s3;
	s1 =	sand.u32 @!p1 $0x3FFFFFC0, s1;
	s2 =	sadd.s32 @!p1 s5, s2  }
0x49: {  	s4 =	simm.s32 @!p1 $0x1C00;
	s0 =	sadd.s32 @!p1 s0, s2;
	s2 =	simm.s32 @!p1 $0x40  }
0x4a: {  	[tilespmem:s3], [sflag:$0x1] =	stream.strided.gather @!p1 [hbm4b:s0+s2], s1, s4, s2, $0x38;
	[tilespmem:$0x8080] =	vst v63  }
0x4b: {  	p1 =	seq.s32 s8, $0x0  }
0x4c: {  	p2 =	seq.s32 @!p1 s8, $0xE1  }
0x4d: {  	p1 =	por p1, p2  }
.Ltmp2:
0x4e: {  	_ = 	snop;
	(pc) =	sbr.rel @p1 .LBB1_14-.Ltmp2, $1  }
0x4f: {  	_ =	sdelay $0x3  }
0x50: {  	p1 =	sgt.s32 s10, $0x3F  }
0x51: {  	s0 =	smov.u32 s10;
	s1 =	sshra.s32 s10, $0x1F;
	s25 =	ssub.s32 $0x0, s9  }
0x52: {  	s2 =	sshra.s32 s9, $0x1F;
	p2 =	sgt.s32 s14, $0x37;
	s3 =	smov.u32 s14  }
0x53: {  	s4 =	sshra.s32 s14, $0x1F;
	p3 =	sgt.s32 s9, $0x40;
	s5 =	smov.u32 s9  }
0x54: {  	s0 =	simm.s32 @!p1 $0x3F;
	s1 =	sand.u32 s1, s10;
	s3 =	simm.s32 @!p2 $0x37  }
0x55: {  	s4 =	sand.u32 s4, s14;
	s2 =	sand.u32 s25, s2;
	s5 =	simm.s32 @!p3 $0x40  }
0x56: {  	s0 =	ssub.s32 s0, s1;
	s26 =	ssub.s32 s3, s4;
	[dreg:$0x9] =	wrdreg s2  }
0x57: {  	s27 =	sadd.s32 s2, s5;
	s2 =	sadd.s32 $0x1, s10;
	s1 =	sadd.s32 $0xFFFFFFC1, s0  }
0x58: {  	s4 =	ssub.s32 $0x40, s0;
	s28 =	sadd.s32 $0xFFFFFFC9, s26;
	s29 =	sadd.s32 $0xFFFFFFC0, s27  }
0x59: {  	p1 =	sgt.s32 s1, $0x0;
	p2 =	sgt.s32 s28, $0x0;
	s1 =	ssub.s32 $0x38, s26  }
0x5a: {  	s0 =	ssub.s32 $0xC0, s27;
	s4 =	simm.s32 @p1 $0x0;
	s1 =	simm.s32 @p2 $0x0  }
0x5b: {  	p1 =	sgt.s32 s29, $0x7F;
	[dreg:$0x8] =	wrdreg s1;
	s1 =	smul.u32 s4, s1  }
0x5c: {  	s3 =	sadd.s32 $0x80, s9;
	s0 =	simm.s32 @p1 $0x0;
	p1 =	slt.s32 s2, $0x40  }
0x5d: {  	s2 =	simm.s32 @!p1 $0x40;
	p1 =	slt.s32 s3, $0xC0;
	s0 =	smul.u32 s0, s1  }
0x5e: {  	s20 =	ssub.s32 s2, s10;
	s3 =	simm.s32 @!p1 $0xC0;
	s1 =	sadd.s32 $0x1, s14  }
0x5f: {  	s21 =	ssub.s32 s3, s9;
	p2 =	slt.s32 s1, $0x38;
	p1 =	slt.s32 s20, $0x1  }
0x60: {  	s1 =	simm.s32 @!p2 $0x38;
	p2 =	slt.s32 @!p1 s21, $0x1  }
0x61: {  	s23 =	ssub.s32 s1, s14;
	p2 =	por p1, p2  }
0x62: {  	p3 =	slt.s32 @!p2 s23, $0x1  }
0x63: {  	[dreg:$0x6] =	wrdreg s17;
	p2 =	por p2, p3  }
.Ltmp3:
0x64: {  	[dreg:$0x5] =	wrdreg s14;
	s0 =	sshll.u32 s0, $0x6;
	(pc) =	sbr.rel @p2 .LBB1_13-.Ltmp3, $4  }
0x65: {  	s30 =	simm.s32 $0x1;
	[dreg:$0x7] =	wrdreg s4;
	s0 =	sand.u32 $0x3FFFFFC0, s0  }
0x66: {  	_ =	swait.ge [sflag:s30], s0  }
0x67: {  	s31 =	sand.u32 $0x1, s8;
	s0 =	ssub.s32 $0x0, s0;
	[sflag:s30] =	ssyncset.done $0x0  }
0x68: {  	[dreg:$0xa] =	wrdreg s31;
	[sflag:s30] =	ssyncadd.s32 s0  }
0x69: {  	s0 =	simm.s32 $0x1  }
0x6a: {  	s0 =	simm.s32 @!p0 $0x0  }
0x6b: {  	s0 =	smul.u32 $0x8100, s0  }
.Ltmp4:
0x6c: {  	_ = 	snop;
	(pc) =	sbr.rel .LBB1_4-.Ltmp4, $4  }
0x6d: {  	_ = 	snop  }
0x6e: {  	s0 =	sshrl.u32 s0, $0x2  }
0x6f: {  	s24 =	sor.u32 $0x4000, s0;
	s0 =	rddreg [dreg:$0xa]  }
0x70: {  	s26 =	simm.s32 $0x0;
	s25 =	sshll.u32 @!p1 s0, $0xD  }
.LBB1_12:
0x71: {  	s26 =	sadd.s32 $0x1, s26  }
0x72: {  	p1 =	sne.s32 s26, s20  }
.Ltmp5:
0x73: {  	_ = 	snop;
	(pc) =	sbr.rel @!p1 .LBB1_13-.Ltmp5, $2  }
0x74: {  	_ =	sdelay $0x2  }
0x75: {  	s24 =	sadd.s32 $0x2040, s24  }
.LBB1_4:
0x76: {  	s0 =	sshll.u32 s26, $0xF;
	s28 =	simm.s32 $0x800  }
0x77: {  	s29 =	simm.s32 $0x1800;
	s30 =	simm.s32 $0x0;
	s0 =	sshra.s32 s0, $0x2  }
0x78: {  	s31 =	simm.s32 $0x0;
	s27 =	sadd.s32 s0, s25;
	s0 =	simm.s32 $0x0  }
.LBB1_5:
0x79: {  	s1 =	sshrl.u32 s30, $0xA;
	s2 =	sshll.u32 s0, $0x8  }
0x7a: {  	s3 =	sshrl.u32 s28, $0xA;
	s4 =	sshrl.u32 s29, $0xA;
	s2 =	sshra.s32 s2, $0x2  }
0x7b: {  	s5 =	sshrl.u32 s0, $0x4;
	s1 =	sand.u32 $0x7, s1;
	s2 =	sadd.s32 s2, s27  }
0x7c: {  	s14 =	sand.u32 $0x7F, s31;
	s3 =	sand.u32 $0x7, s3;
	s1 =	smul.u32 $0x1020, s1;
	v0 =	vmov s2  }
0x7d: {  	s6 =	sand.u32 $0x7, s4;
	s7 =	sand.u32 $0x38, s5;
	s3 =	smul.u32 $0x1020, s3  }
0x7e: {  	s17 =	simm.s32 $0x0;
	s6 =	smul.u32 $0x1020, s6;
	s18 =	sxor.u32 $0x20, s7  }
0x7f: {  	p2 =	sne.s32 s23, $0x1;
	p1 =	por $0x0, $0x0;
	s4 =	smul.u32 $0x204, s18  }
.Ltmp6:
0x80: {  	s17 =	sand.u32 $0x1C0, s17;
	s18 =	sshll.u32 s14, $0x2;
	(pc) =	sbr.rel @!p2 .LBB1_6-.Ltmp6, $4  }
0x81: {  	s1 =	sshrl.u32 s1, $0x2;
	s19 =	sshrl.u32 s3, $0x2;
	s22 =	sshrl.u32 s6, $0x2;
	v7 =	vld.idx.msk [tilespmem:v0+s17+$0x30 ss:$0x1], $0xffff  }
0x82: {  	s6 =	sshrl.u32 s18, $0x2;
	s2 =	sadd.s32 s1, s24;
	s4 =	sshrl.u32 s4, $0x2;
	v8 =	vld.idx.msk [tilespmem:v0+s17+$0x0 ss:$0x1], $0xffff  }
0x83: {  	s5 =	sadd.s32 s19, s24;
	s1 =	sadd.s32 s22, s24;
	s19 =	sadd.s32 s4, s24;
	v6 =	vld.idx.msk [tilespmem:v0+s17+$0x10 ss:$0x1], $0xffff  }
0x84: {  	s4 =	sadd.s32 $0xFFFFFFFF, s23;
	s3 =	sadd.s32 s6, s1;
	v5 =	vld.idx.msk [tilespmem:v0+s17+$0x20 ss:$0x1], $0xffff;
	s17 =	simm.s32 $0x40  }
0x85: {  	_ =	sdelay $0x1  }
0x86: {  	p2 =	sne.s32 s4, $0x1  }
.Ltmp7:
0x87: {  	s18 =	sand.u32 $0x1C0, s17;
	(pc) =	sbr.rel @!p2 .LBB1_8-.Ltmp7, $4  }
0x88: {  	s22 =	sadd.s32 s6, s2;
	s7 =	sadd.s32 s6, s5;
	v1 =	vld.idx.msk [tilespmem:v0+s18+$0x30 ss:$0x1], $0xffff;
	[tilespmem:s3+$0x0 ss:$0x81] =	vst.msk $0xffff, v7  }
0x89: {  	s17 =	sadd.s32 $0xFFFFFFFF, s4;
	s14 =	sadd.s32 s6, s19;
	s2 =	sadd.s32 $0x2040, s2;
	v2 =	vld.idx.msk [tilespmem:v0+s18+$0x0 ss:$0x1], $0xffff;
	[tilespmem:s22+$0x0 ss:$0x81] =	vst.msk $0xffff, v8  }
0x8a: {  	p1 =	por $0x1, $0x1;
	s4 =	smov.u32 s5;
	v3 =	vld.idx.msk [tilespmem:v0+s18+$0x10 ss:$0x1], $0xffff;
	s22 =	sadd.s32 $0x2040, s1;
	[tilespmem:s7+$0x0 ss:$0x81] =	vst.msk $0xffff, v6  }
0x8b: {  	v4 =	vld.idx.msk [tilespmem:v0+s18+$0x20 ss:$0x1], $0xffff;
	s18 =	simm.s32 $0x80;
	s1 =	smov.u32 s19;
	s3 =	sadd.s32 s6, s22;
	[tilespmem:s14+$0x0 ss:$0x81] =	vst.msk $0xffff, v5  }
.LBB1_9:
0x8c: {  	s14 =	sand.u32 $0x1C0, s18;
	p2 =	sne.s32 s17, $0x1;
	s17 =	sadd.s32 $0xFFFFFFFF, s17  }
.Ltmp8:
0x8d: {  	s7 =	sadd.s32 s6, s2;
	s4 =	sadd.s32 $0x2040, s4;
	[tilespmem:s3+$0x0 ss:$0x81] =	vst.msk $0xffff, v1;
	v1 =	vld.idx.msk [tilespmem:v0+s14+$0x30 ss:$0x1], $0xffff;
	(pc) =	sbr.rel @p2 .LBB1_9-.Ltmp8, $4  }
0x8e: {  	s1 =	sadd.s32 $0x2040, s1;
	s3 =	sadd.s32 s6, s4;
	[tilespmem:s7+$0x0 ss:$0x81] =	vst.msk $0xffff, v2;
	v2 =	vld.idx.msk [tilespmem:v0+s14+$0x0 ss:$0x1], $0xffff  }
0x8f: {  	[tilespmem:s3+$0x0 ss:$0x81] =	vst.msk $0xffff, v3;
	v3 =	vld.idx.msk [tilespmem:v0+s14+$0x10 ss:$0x1], $0xffff;
	s3 =	sadd.s32 s6, s1  }
0x90: {  	s22 =	sadd.s32 $0x2040, s22;
	[tilespmem:s3+$0x0 ss:$0x81] =	vst.msk $0xffff, v4;
	v4 =	vld.idx.msk [tilespmem:v0+s14+$0x20 ss:$0x1], $0xffff  }
0x91: {  	s18 =	sadd.s32 $0x40, s18;
	s2 =	sadd.s32 $0x2040, s2;
	s3 =	sadd.s32 s6, s22  }
0x92: {  	_ =	sdelay $0x2  }
0x93: {  	v7 =	vmovc v1;
	v8 =	vmov v2;
	v6 =	vmov v3;
	v5 =	vmov v4  }
.LBB1_11:
0x94: {  	s4 =	sadd.s32 @p1 $0x2040, s4;
	s1 =	sadd.s32 @p1 $0x2040, s1;
	s0 =	sadd.s32 $0x1, s0  }
0x95: {  	s5 =	smov.u32 @p1 s4;
	s19 =	smov.u32 @p1 s1;
	p1 =	sne.s32 s0, s21  }
.Ltmp9:
0x96: {  	_ = 	snop;
	(pc) =	sbr.rel @p1 .LBB1_5-.Ltmp9, $4  }
.Ltmp10:
0x97: {  	s2 =	sadd.s32 s6, s2;
	[tilespmem:s3+$0x0 ss:$0x81] =	vst.msk $0xffff, v7;
	(pc) =	sbr.rel @!p1 .LBB1_12-.Ltmp10, $4  }
0x98: {  	[tilespmem:s2+$0x0 ss:$0x81] =	vst.msk $0xffff, v8;
	s22 =	sadd.s32 s6, s5  }
0x99: {  	s31 =	sadd.s32 $0x1, s31;
	s1 =	sadd.s32 s6, s19;
	[tilespmem:s22+$0x0 ss:$0x81] =	vst.msk $0xffff, v6  }
0x9a: {  	s30 =	sadd.s32 $0x8, s30;
	s28 =	sadd.s32 $0x8, s28;
	s29 =	sadd.s32 $0x8, s29;
	[tilespmem:s1+$0x0 ss:$0x81] =	vst.msk $0xffff, v5  }
0x9b: {  	_ = 	snop  }
.LBB1_6:
.Ltmp11:
0x9c: {  	(pc) =	sbr.rel .LBB1_11-.Ltmp11, $2  }
0x9d: {  	_ =	sdelay $0x2  }
0x9e: {  	s4 =	smov.u32 s5;
	s1 =	smov.u32 s19  }
.LBB1_8:
.Ltmp12:
0x9f: {  	_ = 	snop;
	(pc) =	sbr.rel .LBB1_11-.Ltmp12, $2  }
0xa0: {  	_ =	sdelay $0x2  }
0xa1: {  	s4 =	smov.u32 s5;
	s1 =	smov.u32 s19;
	v7 =	vmovc v1;
	v8 =	vmov v2;
	v6 =	vmov v3;
	v5 =	vmov v4  }
.LBB1_15:
0xa2: {  	_ =	sfence.sel $0x180000  }
0xa3: {  	s0 =	simm.s32 $0x1;
	[bflag:$0x0] =	sbarrier.arrive $0xFFFF  }
0xa4: {  	s30 =	simm.s32 $0x2;
	[sflag:s0] =	ssyncpa.u1 $0x1  }
0xa5: {  	[sflag:s30] =	ssyncpa.u1 $0x1  }
0xa6: {  	_ =	strace $0x90000047  }
0xa7: {  	s31 =	stileid.u32;
	[bflag:$0x2] =	sbarrier.arrive $0xFFFF  }
0xa8: {  	p0 =	sne.s32 s31, $0x0;
	s0 =	rddreg [dreg:$0x2]  }
0xa9: {  	s0 =	sadd.s32 @!p0 $0x100000, s0  }
0xaa: {  	[sflag:s0] =	ssyncadd.tile.s32 @!p0 $0x1;
	_ =	shalt  }
.Lfunc_end1:
_tile_overlayer_lowered:
.L_overlay_start_2:
0xab: {  	(tag) =	ssettag $0x2  }
0xac: {  	s0 =	rddreg [dreg:$0x0];
	s2 =	stileid.u32  }
0xad: {  	s1 =	rddreg [dreg:$0x1];
	p0 =	sne.s32 s2, $0x0  }
0xae: {  	s3 =	rddreg [dreg:$0x2];
	[bflag:$0x3] =	sbarrier.arrive $0xFFFF;
	s2 =	simm.s32 @!p0 $0x1C01  }
0xaf: {  	[timem:s3], [sflag:s2] =	dma.local @!p0 [hbm:s0], s1  }
0xb0: {  	s0 =	simm.s32 @!p0 $0x1  }
0xb1: {  	_ =	swait.ge @!p0 [sflag:s0], s1  }
0xb2: {  	s1 =	ssub.s32 @!p0 $0x0, s1;
	[sflag:s0] =	ssyncset.done @!p0 $0x0  }
0xb3: {  	[sflag:s0] =	ssyncadd.s32 @!p0 s1  }
0xb4: {  	[bflag:$0x3] =	sbarrier.arrive $0xFFFF  }
0xb5: {  	_ =	shalt  }

</sc_bundles>
